<compile_context>
chip_gen: v7x
topology: tpu7x:2x2x1
jax: 0.10.2.dev20260603
libtpu: 0.0.44.dev20260713+nightly
codegen_flags: <defaults>
</compile_context>

<pallas_src>
import functools

import jax
import jax.numpy as jnp
from jax import lax
from jax.experimental import pallas as pl
from jax.experimental.pallas import tpu as pltpu
from jax.experimental.pallas import tpu_sc as plsc

NC, NS, L = 2, 16, 16
NW = NC * NS
DH = 16
DHH = 8
DOUT = 2
BLK = 1024
BLK2 = 1280
DEG_CE = 2048
PROP_CE = 256
_SC_PARAMS = pltpu.CompilerParams(needs_layout_passes=False)


@functools.cache
def _deg_sc(n_pad: int, e_pad: int):
    nchunk = e_pad // NW // DEG_CE
    mesh = plsc.VectorSubcoreMesh(core_axis_name="c", subcore_axis_name="s")

    @functools.partial(
        pl.kernel,
        out_type=jax.ShapeDtypeStruct((NW * n_pad,), jnp.float32),
        mesh=mesh,
        compiler_params=_SC_PARAMS,
        scratch_types=[
            pltpu.VMEM((16, 128), jnp.int32),
            pltpu.VMEM((n_pad,), jnp.float32),
        ],
    )
    def deg_kernel(dst_hbm, out_hbm, dstb, hist):
        cid = lax.axis_index("c")
        sid = lax.axis_index("s")
        wid = cid * NS + sid
        ones = jnp.ones((16,), jnp.float32)

        @pl.loop(0, n_pad // 16, unroll=8)
        def _(i):
            hist[pl.ds(i * 16, 16)] = jnp.zeros((16,), jnp.float32)

        @pl.loop(0, nchunk)
        def _(jc):
            pltpu.sync_copy(
                dst_hbm.at[pl.ds(wid * (nchunk * 16) + jc * 16, 16)], dstb)

            @pl.loop(0, 16)
            def _(r):
                for c in range(8):
                    dv = dstb[r, pl.ds(c * 16, 16)]
                    plsc.addupdate_scatter(hist, [dv], ones)

        pltpu.sync_copy(hist, out_hbm.at[pl.ds(wid * n_pad, n_pad)])

    return deg_kernel


@functools.cache
def _prop_sc(n: int, n_pad: int, e_pad: int):
    nhalf8 = (n_pad // 2) * DHH
    ntab = n_pad * DHH
    nstage = -(-(n * DHH) // 16) * 16
    nchunk = e_pad // 8 // PROP_CE
    mesh = plsc.VectorSubcoreMesh(core_axis_name="c", subcore_axis_name="s")

    @functools.partial(
        pl.kernel,
        out_type=jax.ShapeDtypeStruct((NW * nhalf8,), jnp.float32),
        mesh=mesh,
        compiler_params=_SC_PARAMS,
        scratch_types=[
            pltpu.VMEM((16, 128), jnp.int32),
            pltpu.VMEM((16, 128), jnp.int32),
            pltpu.VMEM((16, 128), jnp.int32),
            pltpu.VMEM((16, 128), jnp.int32),
            pltpu.VMEM((nstage,), jnp.float32),
            pltpu.VMEM((nhalf8,), jnp.float32),
            pltpu.SemaphoreType.DMA,
            pltpu.SemaphoreType.DMA,
        ],
    )
    def prop_kernel(g_hbm, sf_hbm, df_hbm, out_hbm,
                    sfb0, dfb0, sfb1, dfb1, tab, acc, semA, semB):
        cid = lax.axis_index("c")
        sid = lax.axis_index("s")
        wid = cid * NS + sid
        h = sid // 8
        s = sid - h * 8
        lo8 = cid * nhalf8

        @pl.loop(0, nhalf8 // 16, unroll=8)
        def _(i):
            acc[pl.ds(i * 16, 16)] = jnp.zeros((16,), jnp.float32)

        pltpu.sync_copy(g_hbm.at[pl.ds(h * ntab, nstage)], tab)

        rows_per_shard = nchunk * 16
        base0 = s * rows_per_shard

        def process(sfb, dfb):
            @pl.loop(0, 16)
            def _(r):
                for c in range(8):
                    sv = sfb[r, pl.ds(c * 16, 16)]
                    dv = dfb[r, pl.ds(c * 16, 16)]
                    vals = plsc.load_gather(tab, [sv])
                    lv = dv - lo8
                    mask = (lv >= 0) & (lv < nhalf8)
                    lv = jnp.where(mask, lv, 0)
                    plsc.addupdate_scatter(acc, [lv], vals, mask=mask)

        def start(base, sfb, dfb, sem):
            pltpu.async_copy(sf_hbm.at[pl.ds(base, 16)], sfb, sem)
            pltpu.async_copy(df_hbm.at[pl.ds(base, 16)], dfb, sem)

        def drain(sfb, dfb, sem):
            pltpu.make_async_copy(sf_hbm.at[pl.ds(0, 16)], sfb, sem).wait()
            pltpu.make_async_copy(df_hbm.at[pl.ds(0, 16)], dfb, sem).wait()

        start(base0, sfb0, dfb0, semA)

        @pl.loop(0, nchunk // 2)
        def _(jj):
            start(base0 + (2 * jj + 1) * 16, sfb1, dfb1, semB)
            drain(sfb0, dfb0, semA)
            process(sfb0, dfb0)

            @pl.when(jj < nchunk // 2 - 1)
            def _():
                start(base0 + (2 * jj + 2) * 16, sfb0, dfb0, semA)

            drain(sfb1, dfb1, semB)
            process(sfb1, dfb1)

        pltpu.sync_copy(acc, out_hbm.at[pl.ds(wid * nhalf8, nhalf8)])

    return prop_kernel


def _tc1_body(x_ref, w1_ref, degp_ref, g1h_ref, dis_ref):
    deg = jnp.sum(degp_ref[...], axis=0, keepdims=True) + 1.0
    dis = (1.0 / jnp.sqrt(deg)).T
    h = jnp.dot(x_ref[...], w1_ref[...], preferred_element_type=jnp.float32, precision=lax.Precision.HIGHEST)
    g = h * dis
    g1h_ref[...] = jnp.stack([g[:, :DHH], g[:, DHH:]], axis=0)
    dis_ref[...] = dis


def _tc2_body(acca_ref, accb_ref, g1a_ref, g1b_ref, dis_ref, b1_ref,
              g2a_ref, g2b_ref):
    dis = dis_ref[...]
    acca = jnp.sum(acca_ref[0, 0], axis=0) + g1a_ref[0]
    ra = jnp.maximum(acca * dis + b1_ref[0:1, :DHH], 0.0)
    g2a_ref[...] = ra * dis
    accb = jnp.sum(accb_ref[0, 0], axis=0) + g1b_ref[0]
    rb = jnp.maximum(accb * dis + b1_ref[0:1, DHH:], 0.0)
    g2b_ref[...] = rb * dis


def _tc3_body(acca_ref, accb_ref, g2a_ref, g2b_ref, dis_ref,
              w2a_ref, w2b_ref, b2_ref, out_ref):
    pa = (jnp.sum(acca_ref[0, 0], axis=0) + g2a_ref[0]) * dis_ref[...]
    pb = (jnp.sum(accb_ref[0, 0], axis=0) + g2b_ref[0]) * dis_ref[...]
    z = (jnp.dot(pa, w2a_ref[...], preferred_element_type=jnp.float32, precision=lax.Precision.HIGHEST)
         + jnp.dot(pb, w2b_ref[...], preferred_element_type=jnp.float32, precision=lax.Precision.HIGHEST)
         + b2_ref[...])
    m = jnp.max(z, axis=1, keepdims=True)
    zs = z - m
    out_ref[...] = zs - jnp.log(jnp.sum(jnp.exp(zs), axis=1, keepdims=True))


def kernel(x, edge_index, W1, b1, W2, b2):
    n, din = x.shape
    e = edge_index.shape[1]
    n_pad = -(-(n + 1) // 2048) * 2048
    nhalf = n_pad // 2
    nhalf8 = nhalf * DHH
    e_pad = -(-e // (NW * DEG_CE)) * (NW * DEG_CE)

    src = edge_index[0].astype(jnp.int32)
    dst = edge_index[1].astype(jnp.int32)
    sp = jnp.concatenate([src, jnp.zeros((e_pad - e,), jnp.int32)])
    dp = jnp.concatenate([dst, jnp.full((e_pad - e,), n, jnp.int32)])
    dst_p = dp.reshape(e_pad // 128, 128)
    col = jnp.arange(DHH, dtype=jnp.int32)
    sf = (sp[:, None] * DHH + col).reshape(e_pad * DHH // 128, 128)
    df = (dp[:, None] * DHH + col).reshape(e_pad * DHH // 128, 128)

    degp = _deg_sc(n_pad, e_pad)(dst_p).reshape(NW, n_pad)

    grid1 = n_pad // BLK
    g1h, dis = pl.pallas_call(
        _tc1_body,
        grid=(grid1,),
        in_specs=[
            pl.BlockSpec((BLK, din), lambda i: (i, 0)),
            pl.BlockSpec((din, DH), lambda i: (0, 0)),
            pl.BlockSpec((NW, BLK), lambda i: (0, i)),
        ],
        out_specs=[
            pl.BlockSpec((2, BLK, DHH), lambda i: (0, i, 0)),
            pl.BlockSpec((BLK, 1), lambda i: (i, 0)),
        ],
        out_shape=[
            jax.ShapeDtypeStruct((2, n_pad, DHH), jnp.float32),
            jax.ShapeDtypeStruct((n_pad, 1), jnp.float32),
        ],
    )(x, W1, degp)

    prop = _prop_sc(n, n_pad, e_pad)
    accp1 = prop(g1h.reshape(-1), sf, df).reshape(NC, 2, 8, nhalf, DHH)

    nb = nhalf // BLK2
    grid2 = n_pad // BLK2
    g2a, g2b = pl.pallas_call(
        _tc2_body,
        grid=(grid2,),
        in_specs=[
            pl.BlockSpec((1, 1, 8, BLK2, DHH), lambda i: (i // nb, 0, 0, i % nb, 0)),
            pl.BlockSpec((1, 1, 8, BLK2, DHH), lambda i: (i // nb, 1, 0, i % nb, 0)),
            pl.BlockSpec((1, BLK2, DHH), lambda i: (0, i, 0)),
            pl.BlockSpec((1, BLK2, DHH), lambda i: (1, i, 0)),
            pl.BlockSpec((BLK2, 1), lambda i: (i, 0)),
            pl.BlockSpec((1, DH), lambda i: (0, 0)),
        ],
        out_specs=[
            pl.BlockSpec((BLK2, DHH), lambda i: (i, 0)),
            pl.BlockSpec((BLK2, DHH), lambda i: (i, 0)),
        ],
        out_shape=[
            jax.ShapeDtypeStruct((n_pad, DHH), jnp.float32),
            jax.ShapeDtypeStruct((n_pad, DHH), jnp.float32),
        ],
    )(accp1, accp1, g1h, g1h, dis, b1.reshape(1, DH))
    g2h = jnp.stack([g2a, g2b], axis=0)

    accp2 = prop(g2h.reshape(-1), sf, df).reshape(NC, 2, 8, nhalf, DHH)

    grid3 = -(-n // BLK2)
    nb = nhalf // BLK2
    out = pl.pallas_call(
        _tc3_body,
        grid=(grid3,),
        in_specs=[
            pl.BlockSpec((1, 1, 8, BLK2, DHH), lambda i: (i // nb, 0, 0, i % nb, 0)),
            pl.BlockSpec((1, 1, 8, BLK2, DHH), lambda i: (i // nb, 1, 0, i % nb, 0)),
            pl.BlockSpec((1, BLK2, DHH), lambda i: (0, i, 0)),
            pl.BlockSpec((1, BLK2, DHH), lambda i: (1, i, 0)),
            pl.BlockSpec((BLK2, 1), lambda i: (i, 0)),
            pl.BlockSpec((DHH, DOUT), lambda i: (0, 0)),
            pl.BlockSpec((DHH, DOUT), lambda i: (0, 0)),
            pl.BlockSpec((1, DOUT), lambda i: (0, 0)),
        ],
        out_specs=pl.BlockSpec((BLK2, DOUT), lambda i: (i, 0)),
        out_shape=jax.ShapeDtypeStruct((n, DOUT), jnp.float32),
    )(accp2, accp2, g2h, g2h, dis, W2[:DHH], W2[DHH:], b2.reshape(1, DOUT))

    return out

# --- scband reference (transcript-rebuilt; emitter-appended) ---
"""Pipeline reference for scband-net-37108517437447 (READ-ONLY COPY).

The authoritative reference and input builder live on the scoring server;
editing this copy changes nothing except your own understanding.
"""

import jax, jax.numpy as jnp
import numpy as np

N_NODES = 10000
N_EDGES = 320000
D_IN = 128
D_HID = 16
D_OUT = 2


def setup_inputs(seed: int = 0) -> dict:
    key = jax.random.key(seed)
    k_x, k_ei, k_w1, k_b1, k_w2, k_b2 = jax.random.split(key, 6)
    x = jax.random.normal(k_x, (N_NODES, D_IN), dtype=jnp.float32)
    edge_index = jax.random.randint(k_ei, (2, N_EDGES), 0, N_NODES, dtype=jnp.int64)
    glorot1 = (6.0 / (D_IN + D_HID)) ** 0.5
    glorot2 = (6.0 / (D_HID + D_OUT)) ** 0.5
    W1 = jax.random.uniform(k_w1, (D_IN, D_HID), minval=-glorot1, maxval=glorot1, dtype=jnp.float32)
    b1 = jnp.zeros((D_HID,), dtype=jnp.float32)
    W2 = jax.random.uniform(k_w2, (D_HID, D_OUT), minval=-glorot2, maxval=glorot2, dtype=jnp.float32)
    b2 = jnp.zeros((D_OUT,), dtype=jnp.float32)
    return {"x": x, "edge_index": edge_index, "W1": W1, "b1": b1, "W2": W2, "b2": b2}


def _gcn_conv(x, src, dst, W, b):
    # GCNConv: add self-loops, symmetric normalization, propagate, linear.
    n = x.shape[0]
    h = x @ W
    deg = jnp.zeros((n,), dtype=x.dtype).at[dst].add(1.0)
    deg_inv_sqrt = jnp.where(deg > 0, 1.0 / jnp.sqrt(deg), 0.0)
    norm = deg_inv_sqrt[src] * deg_inv_sqrt[dst]
    msg = h[src] * norm[:, None]
    out = jnp.zeros((n, W.shape[1]), dtype=x.dtype).at[dst].add(msg)
    return out + b


def reference(x, edge_index, W1, b1, W2, b2):
    n = x.shape[0]
    loop = jnp.arange(n, dtype=edge_index.dtype)
    src = jnp.concatenate([edge_index[0], loop])
    dst = jnp.concatenate([edge_index[1], loop])
    h = _gcn_conv(x, src, dst, W1, b1)
    h = jax.nn.relu(h)
    # F.dropout with training=False (eval mode) is identity
    h = _gcn_conv(h, src, dst, W2, b2)
    return jax.nn.log_softmax(h, axis=1)

if __name__ == "__main__":
    import jax
    _d = setup_inputs()
    print(jax.jit(kernel)(*tuple(_d.values())))

</pallas_src>

<mosaic_0001>
#map = affine_map<(d0, d1) -> (0)>
#map1 = affine_map<(d0, d1) -> (0, 0)>
module attributes {stable_mosaic.version = 14 : i64} {
  func.func @prop_kernel(%arg0: i32, %arg1: i32, %arg2: memref<163840xf32, #tpu.memory_space<hbm>>, %arg3: memref<20480x128xi32, #tpu.memory_space<hbm>>, %arg4: memref<20480x128xi32, #tpu.memory_space<hbm>>, %arg5: memref<1310720xf32, #tpu.memory_space<hbm>>, %arg6: memref<16x128xi32, #tpu.memory_space<vmem>>, %arg7: memref<16x128xi32, #tpu.memory_space<vmem>>, %arg8: memref<16x128xi32, #tpu.memory_space<vmem>>, %arg9: memref<16x128xi32, #tpu.memory_space<vmem>>, %arg10: memref<80000xf32, #tpu.memory_space<vmem>>, %arg11: memref<40960xf32, #tpu.memory_space<vmem>>, %arg12: memref<!tpu.dma_semaphore, #tpu.memory_space<semaphore_mem>>, %arg13: memref<!tpu.dma_semaphore, #tpu.memory_space<semaphore_mem>>) attributes {dimension_semantics = [#tpu.dimension_semantics<core_parallel>, #tpu.dimension_semantics<subcore_parallel>], iteration_bounds = array<i64: 2, 16>, scalar_prefetch = 0 : i64, scratch_operands = 8 : i64, tpu.core_type = #tpu.core_type<sc_vector_subcore>, window_params = [{transform_indices = #map}, {transform_indices = #map1}, {transform_indices = #map1}, {transform_indices = #map}]} {
    %mul3A = arith.constant 16 : i32
    %mul3A_0 = arith.muli %arg0, %mul3A : i32
    %add3A = arith.addi %mul3A_0, %arg1 : i32
    %jit3A = arith.constant 8 : i32
    %div3A = arith.divsi %arg1, %jit3A : i32
    %sign3A = arith.constant 0 : i32
    %sign3A_1 = arith.cmpi sgt, %arg1, %sign3A : i32
    %sign3A_2 = arith.extui %sign3A_1 : i1 to i32
    %sign3A_3 = arith.constant 0 : i32
    %sign3A_4 = arith.cmpi slt, %arg1, %sign3A_3 : i32
    %sign3A_5 = arith.extui %sign3A_4 : i1 to i32
    %sign3A_6 = arith.subi %sign3A_2, %sign3A_5 : i32
    %sign3A_7 = arith.constant 0 : i32
    %sign3A_8 = arith.cmpi sgt, %jit3A, %sign3A_7 : i32
    %sign3A_9 = arith.extui %sign3A_8 : i1 to i32
    %sign3A_10 = arith.constant 0 : i32
    %sign3A_11 = arith.cmpi slt, %jit3A, %sign3A_10 : i32
    %sign3A_12 = arith.extui %sign3A_11 : i1 to i32
    %sign3A_13 = arith.subi %sign3A_9, %sign3A_12 : i32
    %ne3A = arith.cmpi ne, %sign3A_6, %sign3A_13 : i32
    %rem3A = arith.remsi %arg1, %jit3A : i32
    %ne3A_14 = arith.constant 0 : i32
    %ne3A_15 = arith.cmpi ne, %rem3A, %ne3A_14 : i32
    %and3A = arith.andi %ne3A, %ne3A_15 : i1
    %sub3A = arith.constant 1 : i32
    %sub3A_16 = arith.subi %div3A, %sub3A : i32
    %select_n3A = arith.select %and3A, %sub3A_16, %div3A : i32
    %mul3A_17 = arith.constant 8 : i32
    %mul3A_18 = arith.muli %select_n3A, %mul3A_17 : i32
    %sub3A_19 = arith.subi %arg1, %mul3A_18 : i32
    %mul3A_20 = arith.constant 40960 : i32
    %mul3A_21 = arith.muli %arg0, %mul3A_20 : i32
    %scan3A = arith.constant 0 : i32
    %scan3A_22 = arith.constant 2560 : i32
    %scan3A_23 = arith.addi %scan3A, %scan3A_22 : i32
    %scan3A_24 = arith.constant 8 : i32
    scf.for %scan3A_44 = %scan3A to %scan3A_23 step %scan3A_24  : i32 {
      %mul3A_45 = arith.constant 1 : i32
      %mul3A_46 = arith.muli %scan3A_44, %mul3A_45 : i32
      %add3A_47 = arith.constant 0 : i32
      %add3A_48 = arith.addi %add3A_47, %mul3A_46 : i32
      %broadcast_in_dim3A = arith.constant 0.000000e+00 : f32
      %broadcast_in_dim3A_49 = vector.broadcast %broadcast_in_dim3A : f32 to vector<16xf32>
      %mul3A_50 = arith.constant 16 : i32
      %mul3A_51 = arith.muli %add3A_48, %mul3A_50 : i32
      %swap3A = arith.index_cast %mul3A_51 : i32 to index
      %swap3A_52 = tpu.vector_load %arg11[%swap3A] {strides = array<i32>} : memref<40960xf32, #tpu.memory_space<vmem>>, vector<16xf32>,
      tpu.vector_store %arg11[%swap3A], %broadcast_in_dim3A_49 {strides = array<i32>} : memref<40960xf32, #tpu.memory_space<vmem>>, vector<16xf32>,
      %scan3A_53 = arith.constant 1 : i32
      %scan3A_54 = arith.addi %scan3A_44, %scan3A_53 : i32
      %mul3A_55 = arith.constant 1 : i32
      %mul3A_56 = arith.muli %scan3A_54, %mul3A_55 : i32
      %add3A_57 = arith.constant 0 : i32
      %add3A_58 = arith.addi %add3A_57, %mul3A_56 : i32
      %broadcast_in_dim3A_59 = arith.constant 0.000000e+00 : f32
      %broadcast_in_dim3A_60 = vector.broadcast %broadcast_in_dim3A_59 : f32 to vector<16xf32>
      %mul3A_61 = arith.constant 16 : i32
      %mul3A_62 = arith.muli %add3A_58, %mul3A_61 : i32
      %swap3A_63 = arith.index_cast %mul3A_62 : i32 to index
      %swap3A_64 = tpu.vector_load %arg11[%swap3A_63] {strides = array<i32>} : memref<40960xf32, #tpu.memory_space<vmem>>, vector<16xf32>,
      tpu.vector_store %arg11[%swap3A_63], %broadcast_in_dim3A_60 {strides = array<i32>} : memref<40960xf32, #tpu.memory_space<vmem>>, vector<16xf32>,
      %scan3A_65 = arith.constant 2 : i32
      %scan3A_66 = arith.addi %scan3A_44, %scan3A_65 : i32
      %mul3A_67 = arith.constant 1 : i32
      %mul3A_68 = arith.muli %scan3A_66, %mul3A_67 : i32
      %add3A_69 = arith.constant 0 : i32
      %add3A_70 = arith.addi %add3A_69, %mul3A_68 : i32
      %broadcast_in_dim3A_71 = arith.constant 0.000000e+00 : f32
      %broadcast_in_dim3A_72 = vector.broadcast %broadcast_in_dim3A_71 : f32 to vector<16xf32>
      %mul3A_73 = arith.constant 16 : i32
      %mul3A_74 = arith.muli %add3A_70, %mul3A_73 : i32
      %swap3A_75 = arith.index_cast %mul3A_74 : i32 to index
      %swap3A_76 = tpu.vector_load %arg11[%swap3A_75] {strides = array<i32>} : memref<40960xf32, #tpu.memory_space<vmem>>, vector<16xf32>,
      tpu.vector_store %arg11[%swap3A_75], %broadcast_in_dim3A_72 {strides = array<i32>} : memref<40960xf32, #tpu.memory_space<vmem>>, vector<16xf32>,
      %scan3A_77 = arith.constant 3 : i32
      %scan3A_78 = arith.addi %scan3A_44, %scan3A_77 : i32
      %mul3A_79 = arith.constant 1 : i32
      %mul3A_80 = arith.muli %scan3A_78, %mul3A_79 : i32
      %add3A_81 = arith.constant 0 : i32
      %add3A_82 = arith.addi %add3A_81, %mul3A_80 : i32
      %broadcast_in_dim3A_83 = arith.constant 0.000000e+00 : f32
      %broadcast_in_dim3A_84 = vector.broadcast %broadcast_in_dim3A_83 : f32 to vector<16xf32>
      %mul3A_85 = arith.constant 16 : i32
      %mul3A_86 = arith.muli %add3A_82, %mul3A_85 : i32
      %swap3A_87 = arith.index_cast %mul3A_86 : i32 to index
      %swap3A_88 = tpu.vector_load %arg11[%swap3A_87] {strides = array<i32>} : memref<40960xf32, #tpu.memory_space<vmem>>, vector<16xf32>,
      tpu.vector_store %arg11[%swap3A_87], %broadcast_in_dim3A_84 {strides = array<i32>} : memref<40960xf32, #tpu.memory_space<vmem>>, vector<16xf32>,
      %scan3A_89 = arith.constant 4 : i32
      %scan3A_90 = arith.addi %scan3A_44, %scan3A_89 : i32
      %mul3A_91 = arith.constant 1 : i32
      %mul3A_92 = arith.muli %scan3A_90, %mul3A_91 : i32
      %add3A_93 = arith.constant 0 : i32
      %add3A_94 = arith.addi %add3A_93, %mul3A_92 : i32
      %broadcast_in_dim3A_95 = arith.constant 0.000000e+00 : f32
      %broadcast_in_dim3A_96 = vector.broadcast %broadcast_in_dim3A_95 : f32 to vector<16xf32>
      %mul3A_97 = arith.constant 16 : i32
      %mul3A_98 = arith.muli %add3A_94, %mul3A_97 : i32
      %swap3A_99 = arith.index_cast %mul3A_98 : i32 to index
      %swap3A_100 = tpu.vector_load %arg11[%swap3A_99] {strides = array<i32>} : memref<40960xf32, #tpu.memory_space<vmem>>, vector<16xf32>,
      tpu.vector_store %arg11[%swap3A_99], %broadcast_in_dim3A_96 {strides = array<i32>} : memref<40960xf32, #tpu.memory_space<vmem>>, vector<16xf32>,
      %scan3A_101 = arith.constant 5 : i32
      %scan3A_102 = arith.addi %scan3A_44, %scan3A_101 : i32
      %mul3A_103 = arith.constant 1 : i32
      %mul3A_104 = arith.muli %scan3A_102, %mul3A_103 : i32
      %add3A_105 = arith.constant 0 : i32
      %add3A_106 = arith.addi %add3A_105, %mul3A_104 : i32
      %broadcast_in_dim3A_107 = arith.constant 0.000000e+00 : f32
      %broadcast_in_dim3A_108 = vector.broadcast %broadcast_in_dim3A_107 : f32 to vector<16xf32>
      %mul3A_109 = arith.constant 16 : i32
      %mul3A_110 = arith.muli %add3A_106, %mul3A_109 : i32
      %swap3A_111 = arith.index_cast %mul3A_110 : i32 to index
      %swap3A_112 = tpu.vector_load %arg11[%swap3A_111] {strides = array<i32>} : memref<40960xf32, #tpu.memory_space<vmem>>, vector<16xf32>,
      tpu.vector_store %arg11[%swap3A_111], %broadcast_in_dim3A_108 {strides = array<i32>} : memref<40960xf32, #tpu.memory_space<vmem>>, vector<16xf32>,
      %scan3A_113 = arith.constant 6 : i32
      %scan3A_114 = arith.addi %scan3A_44, %scan3A_113 : i32
      %mul3A_115 = arith.constant 1 : i32
      %mul3A_116 = arith.muli %scan3A_114, %mul3A_115 : i32
      %add3A_117 = arith.constant 0 : i32
      %add3A_118 = arith.addi %add3A_117, %mul3A_116 : i32
      %broadcast_in_dim3A_119 = arith.constant 0.000000e+00 : f32
      %broadcast_in_dim3A_120 = vector.broadcast %broadcast_in_dim3A_119 : f32 to vector<16xf32>
      %mul3A_121 = arith.constant 16 : i32
      %mul3A_122 = arith.muli %add3A_118, %mul3A_121 : i32
      %swap3A_123 = arith.index_cast %mul3A_122 : i32 to index
      %swap3A_124 = tpu.vector_load %arg11[%swap3A_123] {strides = array<i32>} : memref<40960xf32, #tpu.memory_space<vmem>>, vector<16xf32>,
      tpu.vector_store %arg11[%swap3A_123], %broadcast_in_dim3A_120 {strides = array<i32>} : memref<40960xf32, #tpu.memory_space<vmem>>, vector<16xf32>,
      %scan3A_125 = arith.constant 7 : i32
      %scan3A_126 = arith.addi %scan3A_44, %scan3A_125 : i32
      %mul3A_127 = arith.constant 1 : i32
      %mul3A_128 = arith.muli %scan3A_126, %mul3A_127 : i32
      %add3A_129 = arith.constant 0 : i32
      %add3A_130 = arith.addi %add3A_129, %mul3A_128 : i32
      %broadcast_in_dim3A_131 = arith.constant 0.000000e+00 : f32
      %broadcast_in_dim3A_132 = vector.broadcast %broadcast_in_dim3A_131 : f32 to vector<16xf32>
      %mul3A_133 = arith.constant 16 : i32
      %mul3A_134 = arith.muli %add3A_130, %mul3A_133 : i32
      %swap3A_135 = arith.index_cast %mul3A_134 : i32 to index
      %swap3A_136 = tpu.vector_load %arg11[%swap3A_135] {strides = array<i32>} : memref<40960xf32, #tpu.memory_space<vmem>>, vector<16xf32>,
      tpu.vector_store %arg11[%swap3A_135], %broadcast_in_dim3A_132 {strides = array<i32>} : memref<40960xf32, #tpu.memory_space<vmem>>, vector<16xf32>,
    }
    %scan3A_25 = arith.constant 2560 : i32
    %mul3A_26 = arith.constant 81920 : i32
    %mul3A_27 = arith.muli %select_n3A, %mul3A_26 : i32
    "tpu.region"() ({
      %run_scoped3A = tpu.sem_alloc : memref<!tpu.dma_semaphore, #tpu.memory_space<semaphore_mem>>
      %dma_start3A_44 = tpu.memref_slice %arg2[%mul3A_27] : memref<163840xf32, #tpu.memory_space<hbm>> -> memref<80000xf32, #tpu.memory_space<hbm>>
      %dma_start3A_45 = tpu.memref_slice %arg2[%mul3A_27] : memref<163840xf32, #tpu.memory_space<hbm>> -> memref<80000xf32, #tpu.memory_space<hbm>>
      tpu.enqueue_dma source(%dma_start3A_45 : memref<80000xf32, #tpu.memory_space<hbm>>) target(%arg10 : memref<80000xf32, #tpu.memory_space<vmem>>) target_semaphore(%run_scoped3A : memref<!tpu.dma_semaphore, #tpu.memory_space<semaphore_mem>>)
      %dma_wait3A = tpu.memref_slice %arg2[%mul3A_27] : memref<163840xf32, #tpu.memory_space<hbm>> -> memref<80000xf32, #tpu.memory_space<hbm>>
      %dma_wait3A_46 = tpu.memref_slice %arg2[%mul3A_27] : memref<163840xf32, #tpu.memory_space<hbm>> -> memref<80000xf32, #tpu.memory_space<hbm>>
      tpu.wait_dma2 semaphore(%run_scoped3A : memref<!tpu.dma_semaphore, #tpu.memory_space<semaphore_mem>>) src(%dma_wait3A_46 : memref<80000xf32, #tpu.memory_space<hbm>>) dst(%arg10 : memref<80000xf32, #tpu.memory_space<vmem>>)
      tpu.yield
    }) : () -> ()
    %mul3A_28 = arith.constant 2560 : i32
    %mul3A_29 = arith.muli %sub3A_19, %mul3A_28 : i32
    %dma_start3A = arith.constant 0 : i32
    %dma_start3A_30 = tpu.memref_slice %arg3[%mul3A_29, %dma_start3A] : memref<20480x128xi32, #tpu.memory_space<hbm>> -> memref<16x128xi32, #tpu.memory_space<hbm>>
    %dma_start3A_31 = arith.constant 0 : i32
    %dma_start3A_32 = tpu.memref_slice %arg3[%mul3A_29, %dma_start3A_31] : memref<20480x128xi32, #tpu.memory_space<hbm>> -> memref<16x128xi32, #tpu.memory_space<hbm>>
    tpu.enqueue_dma source(%dma_start3A_32 : memref<16x128xi32, #tpu.memory_space<hbm>>) target(%arg6 : memref<16x128xi32, #tpu.memory_space<vmem>>) target_semaphore(%arg12 : memref<!tpu.dma_semaphore, #tpu.memory_space<semaphore_mem>>)
    %dma_start3A_33 = arith.constant 0 : i32
    %dma_start3A_34 = tpu.memref_slice %arg4[%mul3A_29, %dma_start3A_33] : memref<20480x128xi32, #tpu.memory_space<hbm>> -> memref<16x128xi32, #tpu.memory_space<hbm>>
    %dma_start3A_35 = arith.constant 0 : i32
    %dma_start3A_36 = tpu.memref_slice %arg4[%mul3A_29, %dma_start3A_35] : memref<20480x128xi32, #tpu.memory_space<hbm>> -> memref<16x128xi32, #tpu.memory_space<hbm>>
    tpu.enqueue_dma source(%dma_start3A_36 : memref<16x128xi32, #tpu.memory_space<hbm>>) target(%arg7 : memref<16x128xi32, #tpu.memory_space<vmem>>) target_semaphore(%arg12 : memref<!tpu.dma_semaphore, #tpu.memory_space<semaphore_mem>>)
    %scan3A_37 = arith.constant 0 : i32
    %scan3A_38 = arith.constant 80 : i32
    %scan3A_39 = arith.addi %scan3A_37, %scan3A_38 : i32
    %scan3A_40 = arith.constant 1 : i32
    scf.for %scan3A_44 = %scan3A_37 to %scan3A_39 step %scan3A_40  : i32 {
      %mul3A_45 = arith.constant 1 : i32
      %mul3A_46 = arith.muli %scan3A_44, %mul3A_45 : i32
      %add3A_47 = arith.constant 0 : i32
      %add3A_48 = arith.addi %add3A_47, %mul3A_46 : i32
      %mul3A_49 = arith.constant 2 : i32
      %mul3A_50 = arith.muli %mul3A_49, %add3A_48 : i32
      %add3A_51 = arith.constant 1 : i32
      %add3A_52 = arith.addi %mul3A_50, %add3A_51 : i32
      %mul3A_53 = arith.constant 16 : i32
      %mul3A_54 = arith.muli %add3A_52, %mul3A_53 : i32
      %add3A_55 = arith.addi %mul3A_29, %mul3A_54 : i32
      %dma_start3A_56 = arith.constant 0 : i32
      %dma_start3A_57 = tpu.memref_slice %arg3[%add3A_55, %dma_start3A_56] : memref<20480x128xi32, #tpu.memory_space<hbm>> -> memref<16x128xi32, #tpu.memory_space<hbm>>
      %dma_start3A_58 = arith.constant 0 : i32
      %dma_start3A_59 = tpu.memref_slice %arg3[%add3A_55, %dma_start3A_58] : memref<20480x128xi32, #tpu.memory_space<hbm>> -> memref<16x128xi32, #tpu.memory_space<hbm>>
      tpu.enqueue_dma source(%dma_start3A_59 : memref<16x128xi32, #tpu.memory_space<hbm>>) target(%arg8 : memref<16x128xi32, #tpu.memory_space<vmem>>) target_semaphore(%arg13 : memref<!tpu.dma_semaphore, #tpu.memory_space<semaphore_mem>>)
      %dma_start3A_60 = arith.constant 0 : i32
      %dma_start3A_61 = tpu.memref_slice %arg4[%add3A_55, %dma_start3A_60] : memref<20480x128xi32, #tpu.memory_space<hbm>> -> memref<16x128xi32, #tpu.memory_space<hbm>>
      %dma_start3A_62 = arith.constant 0 : i32
      %dma_start3A_63 = tpu.memref_slice %arg4[%add3A_55, %dma_start3A_62] : memref<20480x128xi32, #tpu.memory_space<hbm>> -> memref<16x128xi32, #tpu.memory_space<hbm>>
      tpu.enqueue_dma source(%dma_start3A_63 : memref<16x128xi32, #tpu.memory_space<hbm>>) target(%arg9 : memref<16x128xi32, #tpu.memory_space<vmem>>) target_semaphore(%arg13 : memref<!tpu.dma_semaphore, #tpu.memory_space<semaphore_mem>>)
      %dma_wait3A = arith.constant 0 : i32
      %dma_wait3A_64 = arith.constant 0 : i32
      %dma_wait3A_65 = tpu.memref_slice %arg3[%dma_wait3A, %dma_wait3A_64] : memref<20480x128xi32, #tpu.memory_space<hbm>> -> memref<16x128xi32, #tpu.memory_space<hbm>>
      %dma_wait3A_66 = arith.constant 0 : i32
      %dma_wait3A_67 = arith.constant 0 : i32
      %dma_wait3A_68 = tpu.memref_slice %arg3[%dma_wait3A_66, %dma_wait3A_67] : memref<20480x128xi32, #tpu.memory_space<hbm>> -> memref<16x128xi32, #tpu.memory_space<hbm>>
      tpu.wait_dma2 semaphore(%arg12 : memref<!tpu.dma_semaphore, #tpu.memory_space<semaphore_mem>>) src(%dma_wait3A_68 : memref<16x128xi32, #tpu.memory_space<hbm>>) dst(%arg6 : memref<16x128xi32, #tpu.memory_space<vmem>>)
      %dma_wait3A_69 = arith.constant 0 : i32
      %dma_wait3A_70 = arith.constant 0 : i32
      %dma_wait3A_71 = tpu.memref_slice %arg4[%dma_wait3A_69, %dma_wait3A_70] : memref<20480x128xi32, #tpu.memory_space<hbm>> -> memref<16x128xi32, #tpu.memory_space<hbm>>
      %dma_wait3A_72 = arith.constant 0 : i32
      %dma_wait3A_73 = arith.constant 0 : i32
      %dma_wait3A_74 = tpu.memref_slice %arg4[%dma_wait3A_72, %dma_wait3A_73] : memref<20480x128xi32, #tpu.memory_space<hbm>> -> memref<16x128xi32, #tpu.memory_space<hbm>>
      tpu.wait_dma2 semaphore(%arg12 : memref<!tpu.dma_semaphore, #tpu.memory_space<semaphore_mem>>) src(%dma_wait3A_74 : memref<16x128xi32, #tpu.memory_space<hbm>>) dst(%arg7 : memref<16x128xi32, #tpu.memory_space<vmem>>)
      %scan3A_75 = arith.constant 0 : i32
      %scan3A_76 = arith.constant 16 : i32
      %scan3A_77 = arith.addi %scan3A_75, %scan3A_76 : i32
      %scan3A_78 = arith.constant 1 : i32
      scf.for %scan3A_99 = %scan3A_75 to %scan3A_77 step %scan3A_78  : i32 {
        %mul3A_100 = arith.constant 1 : i32
        %mul3A_101 = arith.muli %scan3A_99, %mul3A_100 : i32
        %add3A_102 = arith.constant 0 : i32
        %add3A_103 = arith.addi %add3A_102, %mul3A_101 : i32
        %get3A = arith.index_cast %add3A_103 : i32 to index
        %get3A_104 = arith.constant 0 : index
        %get3A_105 = tpu.vector_load %arg6[%get3A, %get3A_104] {strides = array<i32>} : memref<16x128xi32, #tpu.memory_space<vmem>>, vector<16xi32>,
        %get3A_106 = arith.index_cast %add3A_103 : i32 to index
        %get3A_107 = arith.constant 0 : index
        %get3A_108 = tpu.vector_load %arg7[%get3A_106, %get3A_107] {strides = array<i32>} : memref<16x128xi32, #tpu.memory_space<vmem>>, vector<16xi32>,
        %gather3A = tpu.vector_load_idx %arg10[%get3A_105] : memref<80000xf32, #tpu.memory_space<vmem>>[vector<16xi32>], vector<16xf32>,
        %sub3A_109 = vector.broadcast %mul3A_21 : i32 to vector<16xi32>
        %sub3A_110 = arith.subi %get3A_108, %sub3A_109 : vector<16xi32>
        %ge3A = arith.constant 0 : i32
        %ge3A_111 = vector.broadcast %ge3A : i32 to vector<16xi32>
        %ge3A_112 = arith.cmpi sge, %sub3A_110, %ge3A_111 : vector<16xi32>
        %lt3A_113 = arith.constant 40960 : i32
        %lt3A_114 = vector.broadcast %lt3A_113 : i32 to vector<16xi32>
        %lt3A_115 = arith.cmpi slt, %sub3A_110, %lt3A_114 : vector<16xi32>
        %and3A_116 = arith.andi %ge3A_112, %lt3A_115 : vector<16xi1>
        %jit3A_117 = arith.constant 0 : i32
        %broadcast_in_dim3A = vector.broadcast %jit3A_117 : i32 to vector<16xi32>
        %select_n3A_118 = arith.select %and3A_116, %sub3A_110, %broadcast_in_dim3A : vector<16xi1>, vector<16xi32>
        tpu.vector_store_idx %arg11[%select_n3A_118], %gather3A masked %and3A_116 {add = true} : memref<40960xf32, #tpu.memory_space<vmem>>[vector<16xi32>], vector<16xf32>, vector<16xi1>
        %get3A_119 = arith.index_cast %add3A_103 : i32 to index
        %get3A_120 = arith.constant 16 : index
        %get3A_121 = tpu.vector_load %arg6[%get3A_119, %get3A_120] {strides = array<i32>} : memref<16x128xi32, #tpu.memory_space<vmem>>, vector<16xi32>,
        %get3A_122 = arith.index_cast %add3A_103 : i32 to index
        %get3A_123 = arith.constant 16 : index
        %get3A_124 = tpu.vector_load %arg7[%get3A_122, %get3A_123] {strides = array<i32>} : memref<16x128xi32, #tpu.memory_space<vmem>>, vector<16xi32>,
        %gather3A_125 = tpu.vector_load_idx %arg10[%get3A_121] : memref<80000xf32, #tpu.memory_space<vmem>>[vector<16xi32>], vector<16xf32>,
        %sub3A_126 = vector.broadcast %mul3A_21 : i32 to vector<16xi32>
        %sub3A_127 = arith.subi %get3A_124, %sub3A_126 : vector<16xi32>
        %ge3A_128 = arith.constant 0 : i32
        %ge3A_129 = vector.broadcast %ge3A_128 : i32 to vector<16xi32>
        %ge3A_130 = arith.cmpi sge, %sub3A_127, %ge3A_129 : vector<16xi32>
        %lt3A_131 = arith.constant 40960 : i32
        %lt3A_132 = vector.broadcast %lt3A_131 : i32 to vector<16xi32>
        %lt3A_133 = arith.cmpi slt, %sub3A_127, %lt3A_132 : vector<16xi32>
        %and3A_134 = arith.andi %ge3A_130, %lt3A_133 : vector<16xi1>
        %jit3A_135 = arith.constant 0 : i32
        %broadcast_in_dim3A_136 = vector.broadcast %jit3A_135 : i32 to vector<16xi32>
        %select_n3A_137 = arith.select %and3A_134, %sub3A_127, %broadcast_in_dim3A_136 : vector<16xi1>, vector<16xi32>
        tpu.vector_store_idx %arg11[%select_n3A_137], %gather3A_125 masked %and3A_134 {add = true} : memref<40960xf32, #tpu.memory_space<vmem>>[vector<16xi32>], vector<16xf32>, vector<16xi1>
        %get3A_138 = arith.index_cast %add3A_103 : i32 to index
        %get3A_139 = arith.constant 32 : index
        %get3A_140 = tpu.vector_load %arg6[%get3A_138, %get3A_139] {strides = array<i32>} : memref<16x128xi32, #tpu.memory_space<vmem>>, vector<16xi32>,
        %get3A_141 = arith.index_cast %add3A_103 : i32 to index
        %get3A_142 = arith.constant 32 : index
        %get3A_143 = tpu.vector_load %arg7[%get3A_141, %get3A_142] {strides = array<i32>} : memref<16x128xi32, #tpu.memory_space<vmem>>, vector<16xi32>,
        %gather3A_144 = tpu.vector_load_idx %arg10[%get3A_140] : memref<80000xf32, #tpu.memory_space<vmem>>[vector<16xi32>], vector<16xf32>,
        %sub3A_145 = vector.broadcast %mul3A_21 : i32 to vector<16xi32>
        %sub3A_146 = arith.subi %get3A_143, %sub3A_145 : vector<16xi32>
        %ge3A_147 = arith.constant 0 : i32
        %ge3A_148 = vector.broadcast %ge3A_147 : i32 to vector<16xi32>
        %ge3A_149 = arith.cmpi sge, %sub3A_146, %ge3A_148 : vector<16xi32>
        %lt3A_150 = arith.constant 40960 : i32
        %lt3A_151 = vector.broadcast %lt3A_150 : i32 to vector<16xi32>
        %lt3A_152 = arith.cmpi slt, %sub3A_146, %lt3A_151 : vector<16xi32>
        %and3A_153 = arith.andi %ge3A_149, %lt3A_152 : vector<16xi1>
        %jit3A_154 = arith.constant 0 : i32
        %broadcast_in_dim3A_155 = vector.broadcast %jit3A_154 : i32 to vector<16xi32>
        %select_n3A_156 = arith.select %and3A_153, %sub3A_146, %broadcast_in_dim3A_155 : vector<16xi1>, vector<16xi32>
        tpu.vector_store_idx %arg11[%select_n3A_156], %gather3A_144 masked %and3A_153 {add = true} : memref<40960xf32, #tpu.memory_space<vmem>>[vector<16xi32>], vector<16xf32>, vector<16xi1>
        %get3A_157 = arith.index_cast %add3A_103 : i32 to index
        %get3A_158 = arith.constant 48 : index
        %get3A_159 = tpu.vector_load %arg6[%get3A_157, %get3A_158] {strides = array<i32>} : memref<16x128xi32, #tpu.memory_space<vmem>>, vector<16xi32>,
        %get3A_160 = arith.index_cast %add3A_103 : i32 to index
        %get3A_161 = arith.constant 48 : index
        %get3A_162 = tpu.vector_load %arg7[%get3A_160, %get3A_161] {strides = array<i32>} : memref<16x128xi32, #tpu.memory_space<vmem>>, vector<16xi32>,
        %gather3A_163 = tpu.vector_load_idx %arg10[%get3A_159] : memref<80000xf32, #tpu.memory_space<vmem>>[vector<16xi32>], vector<16xf32>,
        %sub3A_164 = vector.broadcast %mul3A_21 : i32 to vector<16xi32>
        %sub3A_165 = arith.subi %get3A_162, %sub3A_164 : vector<16xi32>
        %ge3A_166 = arith.constant 0 : i32
        %ge3A_167 = vector.broadcast %ge3A_166 : i32 to vector<16xi32>
        %ge3A_168 = arith.cmpi sge, %sub3A_165, %ge3A_167 : vector<16xi32>
        %lt3A_169 = arith.constant 40960 : i32
        %lt3A_170 = vector.broadcast %lt3A_169 : i32 to vector<16xi32>
        %lt3A_171 = arith.cmpi slt, %sub3A_165, %lt3A_170 : vector<16xi32>
        %and3A_172 = arith.andi %ge3A_168, %lt3A_171 : vector<16xi1>
        %jit3A_173 = arith.constant 0 : i32
        %broadcast_in_dim3A_174 = vector.broadcast %jit3A_173 : i32 to vector<16xi32>
        %select_n3A_175 = arith.select %and3A_172, %sub3A_165, %broadcast_in_dim3A_174 : vector<16xi1>, vector<16xi32>
        tpu.vector_store_idx %arg11[%select_n3A_175], %gather3A_163 masked %and3A_172 {add = true} : memref<40960xf32, #tpu.memory_space<vmem>>[vector<16xi32>], vector<16xf32>, vector<16xi1>
        %get3A_176 = arith.index_cast %add3A_103 : i32 to index
        %get3A_177 = arith.constant 64 : index
        %get3A_178 = tpu.vector_load %arg6[%get3A_176, %get3A_177] {strides = array<i32>} : memref<16x128xi32, #tpu.memory_space<vmem>>, vector<16xi32>,
        %get3A_179 = arith.index_cast %add3A_103 : i32 to index
        %get3A_180 = arith.constant 64 : index
        %get3A_181 = tpu.vector_load %arg7[%get3A_179, %get3A_180] {strides = array<i32>} : memref<16x128xi32, #tpu.memory_space<vmem>>, vector<16xi32>,
        %gather3A_182 = tpu.vector_load_idx %arg10[%get3A_178] : memref<80000xf32, #tpu.memory_space<vmem>>[vector<16xi32>], vector<16xf32>,
        %sub3A_183 = vector.broadcast %mul3A_21 : i32 to vector<16xi32>
        %sub3A_184 = arith.subi %get3A_181, %sub3A_183 : vector<16xi32>
        %ge3A_185 = arith.constant 0 : i32
        %ge3A_186 = vector.broadcast %ge3A_185 : i32 to vector<16xi32>
        %ge3A_187 = arith.cmpi sge, %sub3A_184, %ge3A_186 : vector<16xi32>
        %lt3A_188 = arith.constant 40960 : i32
        %lt3A_189 = vector.broadcast %lt3A_188 : i32 to vector<16xi32>
        %lt3A_190 = arith.cmpi slt, %sub3A_184, %lt3A_189 : vector<16xi32>
        %and3A_191 = arith.andi %ge3A_187, %lt3A_190 : vector<16xi1>
        %jit3A_192 = arith.constant 0 : i32
        %broadcast_in_dim3A_193 = vector.broadcast %jit3A_192 : i32 to vector<16xi32>
        %select_n3A_194 = arith.select %and3A_191, %sub3A_184, %broadcast_in_dim3A_193 : vector<16xi1>, vector<16xi32>
        tpu.vector_store_idx %arg11[%select_n3A_194], %gather3A_182 masked %and3A_191 {add = true} : memref<40960xf32, #tpu.memory_space<vmem>>[vector<16xi32>], vector<16xf32>, vector<16xi1>
        %get3A_195 = arith.index_cast %add3A_103 : i32 to index
        %get3A_196 = arith.constant 80 : index
        %get3A_197 = tpu.vector_load %arg6[%get3A_195, %get3A_196] {strides = array<i32>} : memref<16x128xi32, #tpu.memory_space<vmem>>, vector<16xi32>,
        %get3A_198 = arith.index_cast %add3A_103 : i32 to index
        %get3A_199 = arith.constant 80 : index
        %get3A_200 = tpu.vector_load %arg7[%get3A_198, %get3A_199] {strides = array<i32>} : memref<16x128xi32, #tpu.memory_space<vmem>>, vector<16xi32>,
        %gather3A_201 = tpu.vector_load_idx %arg10[%get3A_197] : memref<80000xf32, #tpu.memory_space<vmem>>[vector<16xi32>], vector<16xf32>,
        %sub3A_202 = vector.broadcast %mul3A_21 : i32 to vector<16xi32>
        %sub3A_203 = arith.subi %get3A_200, %sub3A_202 : vector<16xi32>
        %ge3A_204 = arith.constant 0 : i32
        %ge3A_205 = vector.broadcast %ge3A_204 : i32 to vector<16xi32>
        %ge3A_206 = arith.cmpi sge, %sub3A_203, %ge3A_205 : vector<16xi32>
        %lt3A_207 = arith.constant 40960 : i32
        %lt3A_208 = vector.broadcast %lt3A_207 : i32 to vector<16xi32>
        %lt3A_209 = arith.cmpi slt, %sub3A_203, %lt3A_208 : vector<16xi32>
        %and3A_210 = arith.andi %ge3A_206, %lt3A_209 : vector<16xi1>
        %jit3A_211 = arith.constant 0 : i32
        %broadcast_in_dim3A_212 = vector.broadcast %jit3A_211 : i32 to vector<16xi32>
        %select_n3A_213 = arith.select %and3A_210, %sub3A_203, %broadcast_in_dim3A_212 : vector<16xi1>, vector<16xi32>
        tpu.vector_store_idx %arg11[%select_n3A_213], %gather3A_201 masked %and3A_210 {add = true} : memref<40960xf32, #tpu.memory_space<vmem>>[vector<16xi32>], vector<16xf32>, vector<16xi1>
        %get3A_214 = arith.index_cast %add3A_103 : i32 to index
        %get3A_215 = arith.constant 96 : index
        %get3A_216 = tpu.vector_load %arg6[%get3A_214, %get3A_215] {strides = array<i32>} : memref<16x128xi32, #tpu.memory_space<vmem>>, vector<16xi32>,
        %get3A_217 = arith.index_cast %add3A_103 : i32 to index
        %get3A_218 = arith.constant 96 : index
        %get3A_219 = tpu.vector_load %arg7[%get3A_217, %get3A_218] {strides = array<i32>} : memref<16x128xi32, #tpu.memory_space<vmem>>, vector<16xi32>,
        %gather3A_220 = tpu.vector_load_idx %arg10[%get3A_216] : memref<80000xf32, #tpu.memory_space<vmem>>[vector<16xi32>], vector<16xf32>,
        %sub3A_221 = vector.broadcast %mul3A_21 : i32 to vector<16xi32>
        %sub3A_222 = arith.subi %get3A_219, %sub3A_221 : vector<16xi32>
        %ge3A_223 = arith.constant 0 : i32
        %ge3A_224 = vector.broadcast %ge3A_223 : i32 to vector<16xi32>
        %ge3A_225 = arith.cmpi sge, %sub3A_222, %ge3A_224 : vector<16xi32>
        %lt3A_226 = arith.constant 40960 : i32
        %lt3A_227 = vector.broadcast %lt3A_226 : i32 to vector<16xi32>
        %lt3A_228 = arith.cmpi slt, %sub3A_222, %lt3A_227 : vector<16xi32>
        %and3A_229 = arith.andi %ge3A_225, %lt3A_228 : vector<16xi1>
        %jit3A_230 = arith.constant 0 : i32
        %broadcast_in_dim3A_231 = vector.broadcast %jit3A_230 : i32 to vector<16xi32>
        %select_n3A_232 = arith.select %and3A_229, %sub3A_222, %broadcast_in_dim3A_231 : vector<16xi1>, vector<16xi32>
        tpu.vector_store_idx %arg11[%select_n3A_232], %gather3A_220 masked %and3A_229 {add = true} : memref<40960xf32, #tpu.memory_space<vmem>>[vector<16xi32>], vector<16xf32>, vector<16xi1>
        %get3A_233 = arith.index_cast %add3A_103 : i32 to index
        %get3A_234 = arith.constant 112 : index
        %get3A_235 = tpu.vector_load %arg6[%get3A_233, %get3A_234] {strides = array<i32>} : memref<16x128xi32, #tpu.memory_space<vmem>>, vector<16xi32>,
        %get3A_236 = arith.index_cast %add3A_103 : i32 to index
        %get3A_237 = arith.constant 112 : index
        %get3A_238 = tpu.vector_load %arg7[%get3A_236, %get3A_237] {strides = array<i32>} : memref<16x128xi32, #tpu.memory_space<vmem>>, vector<16xi32>,
        %gather3A_239 = tpu.vector_load_idx %arg10[%get3A_235] : memref<80000xf32, #tpu.memory_space<vmem>>[vector<16xi32>], vector<16xf32>,
        %sub3A_240 = vector.broadcast %mul3A_21 : i32 to vector<16xi32>
        %sub3A_241 = arith.subi %get3A_238, %sub3A_240 : vector<16xi32>
        %ge3A_242 = arith.constant 0 : i32
        %ge3A_243 = vector.broadcast %ge3A_242 : i32 to vector<16xi32>
        %ge3A_244 = arith.cmpi sge, %sub3A_241, %ge3A_243 : vector<16xi32>
        %lt3A_245 = arith.constant 40960 : i32
        %lt3A_246 = vector.broadcast %lt3A_245 : i32 to vector<16xi32>
        %lt3A_247 = arith.cmpi slt, %sub3A_241, %lt3A_246 : vector<16xi32>
        %and3A_248 = arith.andi %ge3A_244, %lt3A_247 : vector<16xi1>
        %jit3A_249 = arith.constant 0 : i32
        %broadcast_in_dim3A_250 = vector.broadcast %jit3A_249 : i32 to vector<16xi32>
        %select_n3A_251 = arith.select %and3A_248, %sub3A_241, %broadcast_in_dim3A_250 : vector<16xi1>, vector<16xi32>
        tpu.vector_store_idx %arg11[%select_n3A_251], %gather3A_239 masked %and3A_248 {add = true} : memref<40960xf32, #tpu.memory_space<vmem>>[vector<16xi32>], vector<16xf32>, vector<16xi1>
      }
      %scan3A_79 = arith.constant 16 : i32
      %lt3A = arith.constant 79 : i32
      %lt3A_80 = arith.cmpi slt, %add3A_48, %lt3A : i32
      %convert_element_type3A = arith.extui %lt3A_80 : i1 to i32
      %cond3A = arith.constant 0 : i32
      %cond3A_81 = arith.cmpi ne, %convert_element_type3A, %cond3A : i32
      scf.if %cond3A_81 {
        %mul3A_99 = arith.constant 2 : i32
        %mul3A_100 = arith.muli %mul3A_99, %add3A_48 : i32
        %add3A_101 = arith.constant 2 : i32
        %add3A_102 = arith.addi %mul3A_100, %add3A_101 : i32
        %mul3A_103 = arith.constant 16 : i32
        %mul3A_104 = arith.muli %add3A_102, %mul3A_103 : i32
        %add3A_105 = arith.addi %mul3A_29, %mul3A_104 : i32
        %dma_start3A_106 = arith.constant 0 : i32
        %dma_start3A_107 = tpu.memref_slice %arg3[%add3A_105, %dma_start3A_106] : memref<20480x128xi32, #tpu.memory_space<hbm>> -> memref<16x128xi32, #tpu.memory_space<hbm>>
        %dma_start3A_108 = arith.constant 0 : i32
        %dma_start3A_109 = tpu.memref_slice %arg3[%add3A_105, %dma_start3A_108] : memref<20480x128xi32, #tpu.memory_space<hbm>> -> memref<16x128xi32, #tpu.memory_space<hbm>>
        tpu.enqueue_dma source(%dma_start3A_109 : memref<16x128xi32, #tpu.memory_space<hbm>>) target(%arg6 : memref<16x128xi32, #tpu.memory_space<vmem>>) target_semaphore(%arg12 : memref<!tpu.dma_semaphore, #tpu.memory_space<semaphore_mem>>)
        %dma_start3A_110 = arith.constant 0 : i32
        %dma_start3A_111 = tpu.memref_slice %arg4[%add3A_105, %dma_start3A_110] : memref<20480x128xi32, #tpu.memory_space<hbm>> -> memref<16x128xi32, #tpu.memory_space<hbm>>
        %dma_start3A_112 = arith.constant 0 : i32
        %dma_start3A_113 = tpu.memref_slice %arg4[%add3A_105, %dma_start3A_112] : memref<20480x128xi32, #tpu.memory_space<hbm>> -> memref<16x128xi32, #tpu.memory_space<hbm>>
        tpu.enqueue_dma source(%dma_start3A_113 : memref<16x128xi32, #tpu.memory_space<hbm>>) target(%arg7 : memref<16x128xi32, #tpu.memory_space<vmem>>) target_semaphore(%arg12 : memref<!tpu.dma_semaphore, #tpu.memory_space<semaphore_mem>>)
      } else {
      }
      %dma_wait3A_82 = arith.constant 0 : i32
      %dma_wait3A_83 = arith.constant 0 : i32
      %dma_wait3A_84 = tpu.memref_slice %arg3[%dma_wait3A_82, %dma_wait3A_83] : memref<20480x128xi32, #tpu.memory_space<hbm>> -> memref<16x128xi32, #tpu.memory_space<hbm>>
      %dma_wait3A_85 = arith.constant 0 : i32
      %dma_wait3A_86 = arith.constant 0 : i32
      %dma_wait3A_87 = tpu.memref_slice %arg3[%dma_wait3A_85, %dma_wait3A_86] : memref<20480x128xi32, #tpu.memory_space<hbm>> -> memref<16x128xi32, #tpu.memory_space<hbm>>
      tpu.wait_dma2 semaphore(%arg13 : memref<!tpu.dma_semaphore, #tpu.memory_space<semaphore_mem>>) src(%dma_wait3A_87 : memref<16x128xi32, #tpu.memory_space<hbm>>) dst(%arg8 : memref<16x128xi32, #tpu.memory_space<vmem>>)
      %dma_wait3A_88 = arith.constant 0 : i32
      %dma_wait3A_89 = arith.constant 0 : i32
      %dma_wait3A_90 = tpu.memref_slice %arg4[%dma_wait3A_88, %dma_wait3A_89] : memref<20480x128xi32, #tpu.memory_space<hbm>> -> memref<16x128xi32, #tpu.memory_space<hbm>>
      %dma_wait3A_91 = arith.constant 0 : i32
      %dma_wait3A_92 = arith.constant 0 : i32
      %dma_wait3A_93 = tpu.memref_slice %arg4[%dma_wait3A_91, %dma_wait3A_92] : memref<20480x128xi32, #tpu.memory_space<hbm>> -> memref<16x128xi32, #tpu.memory_space<hbm>>
      tpu.wait_dma2 semaphore(%arg13 : memref<!tpu.dma_semaphore, #tpu.memory_space<semaphore_mem>>) src(%dma_wait3A_93 : memref<16x128xi32, #tpu.memory_space<hbm>>) dst(%arg9 : memref<16x128xi32, #tpu.memory_space<vmem>>)
      %scan3A_94 = arith.constant 0 : i32
      %scan3A_95 = arith.constant 16 : i32
      %scan3A_96 = arith.addi %scan3A_94, %scan3A_95 : i32
      %scan3A_97 = arith.constant 1 : i32
      scf.for %scan3A_99 = %scan3A_94 to %scan3A_96 step %scan3A_97  : i32 {
        %mul3A_100 = arith.constant 1 : i32
        %mul3A_101 = arith.muli %scan3A_99, %mul3A_100 : i32
        %add3A_102 = arith.constant 0 : i32
        %add3A_103 = arith.addi %add3A_102, %mul3A_101 : i32
        %get3A = arith.index_cast %add3A_103 : i32 to index
        %get3A_104 = arith.constant 0 : index
        %get3A_105 = tpu.vector_load %arg8[%get3A, %get3A_104] {strides = array<i32>} : memref<16x128xi32, #tpu.memory_space<vmem>>, vector<16xi32>,
        %get3A_106 = arith.index_cast %add3A_103 : i32 to index
        %get3A_107 = arith.constant 0 : index
        %get3A_108 = tpu.vector_load %arg9[%get3A_106, %get3A_107] {strides = array<i32>} : memref<16x128xi32, #tpu.memory_space<vmem>>, vector<16xi32>,
        %gather3A = tpu.vector_load_idx %arg10[%get3A_105] : memref<80000xf32, #tpu.memory_space<vmem>>[vector<16xi32>], vector<16xf32>,
        %sub3A_109 = vector.broadcast %mul3A_21 : i32 to vector<16xi32>
        %sub3A_110 = arith.subi %get3A_108, %sub3A_109 : vector<16xi32>
        %ge3A = arith.constant 0 : i32
        %ge3A_111 = vector.broadcast %ge3A : i32 to vector<16xi32>
        %ge3A_112 = arith.cmpi sge, %sub3A_110, %ge3A_111 : vector<16xi32>
        %lt3A_113 = arith.constant 40960 : i32
        %lt3A_114 = vector.broadcast %lt3A_113 : i32 to vector<16xi32>
        %lt3A_115 = arith.cmpi slt, %sub3A_110, %lt3A_114 : vector<16xi32>
        %and3A_116 = arith.andi %ge3A_112, %lt3A_115 : vector<16xi1>
        %jit3A_117 = arith.constant 0 : i32
        %broadcast_in_dim3A = vector.broadcast %jit3A_117 : i32 to vector<16xi32>
        %select_n3A_118 = arith.select %and3A_116, %sub3A_110, %broadcast_in_dim3A : vector<16xi1>, vector<16xi32>
        tpu.vector_store_idx %arg11[%select_n3A_118], %gather3A masked %and3A_116 {add = true} : memref<40960xf32, #tpu.memory_space<vmem>>[vector<16xi32>], vector<16xf32>, vector<16xi1>
        %get3A_119 = arith.index_cast %add3A_103 : i32 to index
        %get3A_120 = arith.constant 16 : index
        %get3A_121 = tpu.vector_load %arg8[%get3A_119, %get3A_120] {strides = array<i32>} : memref<16x128xi32, #tpu.memory_space<vmem>>, vector<16xi32>,
        %get3A_122 = arith.index_cast %add3A_103 : i32 to index
        %get3A_123 = arith.constant 16 : index
        %get3A_124 = tpu.vector_load %arg9[%get3A_122, %get3A_123] {strides = array<i32>} : memref<16x128xi32, #tpu.memory_space<vmem>>, vector<16xi32>,
        %gather3A_125 = tpu.vector_load_idx %arg10[%get3A_121] : memref<80000xf32, #tpu.memory_space<vmem>>[vector<16xi32>], vector<16xf32>,
        %sub3A_126 = vector.broadcast %mul3A_21 : i32 to vector<16xi32>
        %sub3A_127 = arith.subi %get3A_124, %sub3A_126 : vector<16xi32>
        %ge3A_128 = arith.constant 0 : i32
        %ge3A_129 = vector.broadcast %ge3A_128 : i32 to vector<16xi32>
        %ge3A_130 = arith.cmpi sge, %sub3A_127, %ge3A_129 : vector<16xi32>
        %lt3A_131 = arith.constant 40960 : i32
        %lt3A_132 = vector.broadcast %lt3A_131 : i32 to vector<16xi32>
        %lt3A_133 = arith.cmpi slt, %sub3A_127, %lt3A_132 : vector<16xi32>
        %and3A_134 = arith.andi %ge3A_130, %lt3A_133 : vector<16xi1>
        %jit3A_135 = arith.constant 0 : i32
        %broadcast_in_dim3A_136 = vector.broadcast %jit3A_135 : i32 to vector<16xi32>
        %select_n3A_137 = arith.select %and3A_134, %sub3A_127, %broadcast_in_dim3A_136 : vector<16xi1>, vector<16xi32>
        tpu.vector_store_idx %arg11[%select_n3A_137], %gather3A_125 masked %and3A_134 {add = true} : memref<40960xf32, #tpu.memory_space<vmem>>[vector<16xi32>], vector<16xf32>, vector<16xi1>
        %get3A_138 = arith.index_cast %add3A_103 : i32 to index
        %get3A_139 = arith.constant 32 : index
        %get3A_140 = tpu.vector_load %arg8[%get3A_138, %get3A_139] {strides = array<i32>} : memref<16x128xi32, #tpu.memory_space<vmem>>, vector<16xi32>,
        %get3A_141 = arith.index_cast %add3A_103 : i32 to index
        %get3A_142 = arith.constant 32 : index
        %get3A_143 = tpu.vector_load %arg9[%get3A_141, %get3A_142] {strides = array<i32>} : memref<16x128xi32, #tpu.memory_space<vmem>>, vector<16xi32>,
        %gather3A_144 = tpu.vector_load_idx %arg10[%get3A_140] : memref<80000xf32, #tpu.memory_space<vmem>>[vector<16xi32>], vector<16xf32>,
        %sub3A_145 = vector.broadcast %mul3A_21 : i32 to vector<16xi32>
        %sub3A_146 = arith.subi %get3A_143, %sub3A_145 : vector<16xi32>
        %ge3A_147 = arith.constant 0 : i32
        %ge3A_148 = vector.broadcast %ge3A_147 : i32 to vector<16xi32>
        %ge3A_149 = arith.cmpi sge, %sub3A_146, %ge3A_148 : vector<16xi32>
        %lt3A_150 = arith.constant 40960 : i32
        %lt3A_151 = vector.broadcast %lt3A_150 : i32 to vector<16xi32>
        %lt3A_152 = arith.cmpi slt, %sub3A_146, %lt3A_151 : vector<16xi32>
        %and3A_153 = arith.andi %ge3A_149, %lt3A_152 : vector<16xi1>
        %jit3A_154 = arith.constant 0 : i32
        %broadcast_in_dim3A_155 = vector.broadcast %jit3A_154 : i32 to vector<16xi32>
        %select_n3A_156 = arith.select %and3A_153, %sub3A_146, %broadcast_in_dim3A_155 : vector<16xi1>, vector<16xi32>
        tpu.vector_store_idx %arg11[%select_n3A_156], %gather3A_144 masked %and3A_153 {add = true} : memref<40960xf32, #tpu.memory_space<vmem>>[vector<16xi32>], vector<16xf32>, vector<16xi1>
        %get3A_157 = arith.index_cast %add3A_103 : i32 to index
        %get3A_158 = arith.constant 48 : index
        %get3A_159 = tpu.vector_load %arg8[%get3A_157, %get3A_158] {strides = array<i32>} : memref<16x128xi32, #tpu.memory_space<vmem>>, vector<16xi32>,
        %get3A_160 = arith.index_cast %add3A_103 : i32 to index
        %get3A_161 = arith.constant 48 : index
        %get3A_162 = tpu.vector_load %arg9[%get3A_160, %get3A_161] {strides = array<i32>} : memref<16x128xi32, #tpu.memory_space<vmem>>, vector<16xi32>,
        %gather3A_163 = tpu.vector_load_idx %arg10[%get3A_159] : memref<80000xf32, #tpu.memory_space<vmem>>[vector<16xi32>], vector<16xf32>,
        %sub3A_164 = vector.broadcast %mul3A_21 : i32 to vector<16xi32>
        %sub3A_165 = arith.subi %get3A_162, %sub3A_164 : vector<16xi32>
        %ge3A_166 = arith.constant 0 : i32
        %ge3A_167 = vector.broadcast %ge3A_166 : i32 to vector<16xi32>
        %ge3A_168 = arith.cmpi sge, %sub3A_165, %ge3A_167 : vector<16xi32>
        %lt3A_169 = arith.constant 40960 : i32
        %lt3A_170 = vector.broadcast %lt3A_169 : i32 to vector<16xi32>
        %lt3A_171 = arith.cmpi slt, %sub3A_165, %lt3A_170 : vector<16xi32>
        %and3A_172 = arith.andi %ge3A_168, %lt3A_171 : vector<16xi1>
        %jit3A_173 = arith.constant 0 : i32
        %broadcast_in_dim3A_174 = vector.broadcast %jit3A_173 : i32 to vector<16xi32>
        %select_n3A_175 = arith.select %and3A_172, %sub3A_165, %broadcast_in_dim3A_174 : vector<16xi1>, vector<16xi32>
        tpu.vector_store_idx %arg11[%select_n3A_175], %gather3A_163 masked %and3A_172 {add = true} : memref<40960xf32, #tpu.memory_space<vmem>>[vector<16xi32>], vector<16xf32>, vector<16xi1>
        %get3A_176 = arith.index_cast %add3A_103 : i32 to index
        %get3A_177 = arith.constant 64 : index
        %get3A_178 = tpu.vector_load %arg8[%get3A_176, %get3A_177] {strides = array<i32>} : memref<16x128xi32, #tpu.memory_space<vmem>>, vector<16xi32>,
        %get3A_179 = arith.index_cast %add3A_103 : i32 to index
        %get3A_180 = arith.constant 64 : index
        %get3A_181 = tpu.vector_load %arg9[%get3A_179, %get3A_180] {strides = array<i32>} : memref<16x128xi32, #tpu.memory_space<vmem>>, vector<16xi32>,
        %gather3A_182 = tpu.vector_load_idx %arg10[%get3A_178] : memref<80000xf32, #tpu.memory_space<vmem>>[vector<16xi32>], vector<16xf32>,
        %sub3A_183 = vector.broadcast %mul3A_21 : i32 to vector<16xi32>
        %sub3A_184 = arith.subi %get3A_181, %sub3A_183 : vector<16xi32>
        %ge3A_185 = arith.constant 0 : i32
        %ge3A_186 = vector.broadcast %ge3A_185 : i32 to vector<16xi32>
        %ge3A_187 = arith.cmpi sge, %sub3A_184, %ge3A_186 : vector<16xi32>
        %lt3A_188 = arith.constant 40960 : i32
        %lt3A_189 = vector.broadcast %lt3A_188 : i32 to vector<16xi32>
        %lt3A_190 = arith.cmpi slt, %sub3A_184, %lt3A_189 : vector<16xi32>
        %and3A_191 = arith.andi %ge3A_187, %lt3A_190 : vector<16xi1>
        %jit3A_192 = arith.constant 0 : i32
        %broadcast_in_dim3A_193 = vector.broadcast %jit3A_192 : i32 to vector<16xi32>
        %select_n3A_194 = arith.select %and3A_191, %sub3A_184, %broadcast_in_dim3A_193 : vector<16xi1>, vector<16xi32>
        tpu.vector_store_idx %arg11[%select_n3A_194], %gather3A_182 masked %and3A_191 {add = true} : memref<40960xf32, #tpu.memory_space<vmem>>[vector<16xi32>], vector<16xf32>, vector<16xi1>
        %get3A_195 = arith.index_cast %add3A_103 : i32 to index
        %get3A_196 = arith.constant 80 : index
        %get3A_197 = tpu.vector_load %arg8[%get3A_195, %get3A_196] {strides = array<i32>} : memref<16x128xi32, #tpu.memory_space<vmem>>, vector<16xi32>,
        %get3A_198 = arith.index_cast %add3A_103 : i32 to index
        %get3A_199 = arith.constant 80 : index
        %get3A_200 = tpu.vector_load %arg9[%get3A_198, %get3A_199] {strides = array<i32>} : memref<16x128xi32, #tpu.memory_space<vmem>>, vector<16xi32>,
        %gather3A_201 = tpu.vector_load_idx %arg10[%get3A_197] : memref<80000xf32, #tpu.memory_space<vmem>>[vector<16xi32>], vector<16xf32>,
        %sub3A_202 = vector.broadcast %mul3A_21 : i32 to vector<16xi32>
        %sub3A_203 = arith.subi %get3A_200, %sub3A_202 : vector<16xi32>
        %ge3A_204 = arith.constant 0 : i32
        %ge3A_205 = vector.broadcast %ge3A_204 : i32 to vector<16xi32>
        %ge3A_206 = arith.cmpi sge, %sub3A_203, %ge3A_205 : vector<16xi32>
        %lt3A_207 = arith.constant 40960 : i32
        %lt3A_208 = vector.broadcast %lt3A_207 : i32 to vector<16xi32>
        %lt3A_209 = arith.cmpi slt, %sub3A_203, %lt3A_208 : vector<16xi32>
        %and3A_210 = arith.andi %ge3A_206, %lt3A_209 : vector<16xi1>
        %jit3A_211 = arith.constant 0 : i32
        %broadcast_in_dim3A_212 = vector.broadcast %jit3A_211 : i32 to vector<16xi32>
        %select_n3A_213 = arith.select %and3A_210, %sub3A_203, %broadcast_in_dim3A_212 : vector<16xi1>, vector<16xi32>
        tpu.vector_store_idx %arg11[%select_n3A_213], %gather3A_201 masked %and3A_210 {add = true} : memref<40960xf32, #tpu.memory_space<vmem>>[vector<16xi32>], vector<16xf32>, vector<16xi1>
        %get3A_214 = arith.index_cast %add3A_103 : i32 to index
        %get3A_215 = arith.constant 96 : index
        %get3A_216 = tpu.vector_load %arg8[%get3A_214, %get3A_215] {strides = array<i32>} : memref<16x128xi32, #tpu.memory_space<vmem>>, vector<16xi32>,
        %get3A_217 = arith.index_cast %add3A_103 : i32 to index
        %get3A_218 = arith.constant 96 : index
        %get3A_219 = tpu.vector_load %arg9[%get3A_217, %get3A_218] {strides = array<i32>} : memref<16x128xi32, #tpu.memory_space<vmem>>, vector<16xi32>,
        %gather3A_220 = tpu.vector_load_idx %arg10[%get3A_216] : memref<80000xf32, #tpu.memory_space<vmem>>[vector<16xi32>], vector<16xf32>,
        %sub3A_221 = vector.broadcast %mul3A_21 : i32 to vector<16xi32>
        %sub3A_222 = arith.subi %get3A_219, %sub3A_221 : vector<16xi32>
        %ge3A_223 = arith.constant 0 : i32
        %ge3A_224 = vector.broadcast %ge3A_223 : i32 to vector<16xi32>
        %ge3A_225 = arith.cmpi sge, %sub3A_222, %ge3A_224 : vector<16xi32>
        %lt3A_226 = arith.constant 40960 : i32
        %lt3A_227 = vector.broadcast %lt3A_226 : i32 to vector<16xi32>
        %lt3A_228 = arith.cmpi slt, %sub3A_222, %lt3A_227 : vector<16xi32>
        %and3A_229 = arith.andi %ge3A_225, %lt3A_228 : vector<16xi1>
        %jit3A_230 = arith.constant 0 : i32
        %broadcast_in_dim3A_231 = vector.broadcast %jit3A_230 : i32 to vector<16xi32>
        %select_n3A_232 = arith.select %and3A_229, %sub3A_222, %broadcast_in_dim3A_231 : vector<16xi1>, vector<16xi32>
        tpu.vector_store_idx %arg11[%select_n3A_232], %gather3A_220 masked %and3A_229 {add = true} : memref<40960xf32, #tpu.memory_space<vmem>>[vector<16xi32>], vector<16xf32>, vector<16xi1>
        %get3A_233 = arith.index_cast %add3A_103 : i32 to index
        %get3A_234 = arith.constant 112 : index
        %get3A_235 = tpu.vector_load %arg8[%get3A_233, %get3A_234] {strides = array<i32>} : memref<16x128xi32, #tpu.memory_space<vmem>>, vector<16xi32>,
        %get3A_236 = arith.index_cast %add3A_103 : i32 to index
        %get3A_237 = arith.constant 112 : index
        %get3A_238 = tpu.vector_load %arg9[%get3A_236, %get3A_237] {strides = array<i32>} : memref<16x128xi32, #tpu.memory_space<vmem>>, vector<16xi32>,
        %gather3A_239 = tpu.vector_load_idx %arg10[%get3A_235] : memref<80000xf32, #tpu.memory_space<vmem>>[vector<16xi32>], vector<16xf32>,
        %sub3A_240 = vector.broadcast %mul3A_21 : i32 to vector<16xi32>
        %sub3A_241 = arith.subi %get3A_238, %sub3A_240 : vector<16xi32>
        %ge3A_242 = arith.constant 0 : i32
        %ge3A_243 = vector.broadcast %ge3A_242 : i32 to vector<16xi32>
        %ge3A_244 = arith.cmpi sge, %sub3A_241, %ge3A_243 : vector<16xi32>
        %lt3A_245 = arith.constant 40960 : i32
        %lt3A_246 = vector.broadcast %lt3A_245 : i32 to vector<16xi32>
        %lt3A_247 = arith.cmpi slt, %sub3A_241, %lt3A_246 : vector<16xi32>
        %and3A_248 = arith.andi %ge3A_244, %lt3A_247 : vector<16xi1>
        %jit3A_249 = arith.constant 0 : i32
        %broadcast_in_dim3A_250 = vector.broadcast %jit3A_249 : i32 to vector<16xi32>
        %select_n3A_251 = arith.select %and3A_248, %sub3A_241, %broadcast_in_dim3A_250 : vector<16xi1>, vector<16xi32>
        tpu.vector_store_idx %arg11[%select_n3A_251], %gather3A_239 masked %and3A_248 {add = true} : memref<40960xf32, #tpu.memory_space<vmem>>[vector<16xi32>], vector<16xf32>, vector<16xi1>
      }
      %scan3A_98 = arith.constant 16 : i32
    }
    %scan3A_41 = arith.constant 80 : i32
    %mul3A_42 = arith.constant 40960 : i32
    %mul3A_43 = arith.muli %add3A, %mul3A_42 : i32
    "tpu.region"() ({
      %run_scoped3A = tpu.sem_alloc : memref<!tpu.dma_semaphore, #tpu.memory_space<semaphore_mem>>
      %dma_start3A_44 = tpu.memref_slice %arg5[%mul3A_43] : memref<1310720xf32, #tpu.memory_space<hbm>> -> memref<40960xf32, #tpu.memory_space<hbm>>
      %dma_start3A_45 = tpu.memref_slice %arg5[%mul3A_43] : memref<1310720xf32, #tpu.memory_space<hbm>> -> memref<40960xf32, #tpu.memory_space<hbm>>
      tpu.enqueue_dma source(%arg11 : memref<40960xf32, #tpu.memory_space<vmem>>) target(%dma_start3A_45 : memref<40960xf32, #tpu.memory_space<hbm>>) target_semaphore(%run_scoped3A : memref<!tpu.dma_semaphore, #tpu.memory_space<semaphore_mem>>)
      %dma_wait3A = tpu.memref_slice %arg5[%mul3A_43] : memref<1310720xf32, #tpu.memory_space<hbm>> -> memref<40960xf32, #tpu.memory_space<hbm>>
      %dma_wait3A_46 = tpu.memref_slice %arg5[%mul3A_43] : memref<1310720xf32, #tpu.memory_space<hbm>> -> memref<40960xf32, #tpu.memory_space<hbm>>
      tpu.wait_dma2 semaphore(%run_scoped3A : memref<!tpu.dma_semaphore, #tpu.memory_space<semaphore_mem>>) src(%arg11 : memref<40960xf32, #tpu.memory_space<vmem>>) dst(%dma_wait3A_46 : memref<40960xf32, #tpu.memory_space<hbm>>)
      tpu.yield
    }) : () -> ()
    return
  }
}

#map = affine_map<(d0, d1) -> (0)>
#map1 = affine_map<(d0, d1) -> (0, 0)>
module attributes {stable_mosaic.version = 14 : i64} {
  func.func @prop_kernel(%arg0: i32, %arg1: i32, %arg2: memref<163840xf32, #tpu.memory_space<hbm>>, %arg3: memref<20480x128xi32, #tpu.memory_space<hbm>>, %arg4: memref<20480x128xi32, #tpu.memory_space<hbm>>, %arg5: memref<1310720xf32, #tpu.memory_space<hbm>>, %arg6: memref<16x128xi32, #tpu.memory_space<vmem>>, %arg7: memref<16x128xi32, #tpu.memory_space<vmem>>, %arg8: memref<16x128xi32, #tpu.memory_space<vmem>>, %arg9: memref<16x128xi32, #tpu.memory_space<vmem>>, %arg10: memref<80000xf32, #tpu.memory_space<vmem>>, %arg11: memref<40960xf32, #tpu.memory_space<vmem>>, %arg12: memref<!tpu.dma_semaphore, #tpu.memory_space<semaphore_mem>>, %arg13: memref<!tpu.dma_semaphore, #tpu.memory_space<semaphore_mem>>) attributes {dimension_semantics = [#tpu.dimension_semantics<core_parallel>, #tpu.dimension_semantics<subcore_parallel>], iteration_bounds = array<i64: 2, 16>, scalar_prefetch = 0 : i64, scratch_operands = 8 : i64, tpu.core_type = #tpu.core_type<sc_vector_subcore>, window_params = [{transform_indices = #map}, {transform_indices = #map1}, {transform_indices = #map1}, {transform_indices = #map}]} {
    %mul3A = arith.constant 16 : i32
    %mul3A_0 = arith.muli %arg0, %mul3A : i32
    %add3A = arith.addi %mul3A_0, %arg1 : i32
    %jit3A = arith.constant 8 : i32
    %div3A = arith.divsi %arg1, %jit3A : i32
    %sign3A = arith.constant 0 : i32
    %sign3A_1 = arith.cmpi sgt, %arg1, %sign3A : i32
    %sign3A_2 = arith.extui %sign3A_1 : i1 to i32
    %sign3A_3 = arith.constant 0 : i32
    %sign3A_4 = arith.cmpi slt, %arg1, %sign3A_3 : i32
    %sign3A_5 = arith.extui %sign3A_4 : i1 to i32
    %sign3A_6 = arith.subi %sign3A_2, %sign3A_5 : i32
    %sign3A_7 = arith.constant 0 : i32
    %sign3A_8 = arith.cmpi sgt, %jit3A, %sign3A_7 : i32
    %sign3A_9 = arith.extui %sign3A_8 : i1 to i32
    %sign3A_10 = arith.constant 0 : i32
    %sign3A_11 = arith.cmpi slt, %jit3A, %sign3A_10 : i32
    %sign3A_12 = arith.extui %sign3A_11 : i1 to i32
    %sign3A_13 = arith.subi %sign3A_9, %sign3A_12 : i32
    %ne3A = arith.cmpi ne, %sign3A_6, %sign3A_13 : i32
    %rem3A = arith.remsi %arg1, %jit3A : i32
    %ne3A_14 = arith.constant 0 : i32
    %ne3A_15 = arith.cmpi ne, %rem3A, %ne3A_14 : i32
    %and3A = arith.andi %ne3A, %ne3A_15 : i1
    %sub3A = arith.constant 1 : i32
    %sub3A_16 = arith.subi %div3A, %sub3A : i32
    %select_n3A = arith.select %and3A, %sub3A_16, %div3A : i32
    %mul3A_17 = arith.constant 8 : i32
    %mul3A_18 = arith.muli %select_n3A, %mul3A_17 : i32
    %sub3A_19 = arith.subi %arg1, %mul3A_18 : i32
    %mul3A_20 = arith.constant 40960 : i32
    %mul3A_21 = arith.muli %arg0, %mul3A_20 : i32
    %scan3A = arith.constant 0 : i32
    %scan3A_22 = arith.constant 2560 : i32
    %scan3A_23 = arith.addi %scan3A, %scan3A_22 : i32
    %scan3A_24 = arith.constant 8 : i32
    scf.for %scan3A_44 = %scan3A to %scan3A_23 step %scan3A_24  : i32 {
      %mul3A_45 = arith.constant 1 : i32
      %mul3A_46 = arith.muli %scan3A_44, %mul3A_45 : i32
      %add3A_47 = arith.constant 0 : i32
      %add3A_48 = arith.addi %add3A_47, %mul3A_46 : i32
      %broadcast_in_dim3A = arith.constant 0.000000e+00 : f32
      %broadcast_in_dim3A_49 = vector.broadcast %broadcast_in_dim3A : f32 to vector<16xf32>
      %mul3A_50 = arith.constant 16 : i32
      %mul3A_51 = arith.muli %add3A_48, %mul3A_50 : i32
      %swap3A = arith.index_cast %mul3A_51 : i32 to index
      %swap3A_52 = tpu.vector_load %arg11[%swap3A] {strides = array<i32>} : memref<40960xf32, #tpu.memory_space<vmem>>, vector<16xf32>,
      tpu.vector_store %arg11[%swap3A], %broadcast_in_dim3A_49 {strides = array<i32>} : memref<40960xf32, #tpu.memory_space<vmem>>, vector<16xf32>,
      %scan3A_53 = arith.constant 1 : i32
      %scan3A_54 = arith.addi %scan3A_44, %scan3A_53 : i32
      %mul3A_55 = arith.constant 1 : i32
      %mul3A_56 = arith.muli %scan3A_54, %mul3A_55 : i32
      %add3A_57 = arith.constant 0 : i32
      %add3A_58 = arith.addi %add3A_57, %mul3A_56 : i32
      %broadcast_in_dim3A_59 = arith.constant 0.000000e+00 : f32
      %broadcast_in_dim3A_60 = vector.broadcast %broadcast_in_dim3A_59 : f32 to vector<16xf32>
      %mul3A_61 = arith.constant 16 : i32
      %mul3A_62 = arith.muli %add3A_58, %mul3A_61 : i32
      %swap3A_63 = arith.index_cast %mul3A_62 : i32 to index
      %swap3A_64 = tpu.vector_load %arg11[%swap3A_63] {strides = array<i32>} : memref<40960xf32, #tpu.memory_space<vmem>>, vector<16xf32>,
      tpu.vector_store %arg11[%swap3A_63], %broadcast_in_dim3A_60 {strides = array<i32>} : memref<40960xf32, #tpu.memory_space<vmem>>, vector<16xf32>,
      %scan3A_65 = arith.constant 2 : i32
      %scan3A_66 = arith.addi %scan3A_44, %scan3A_65 : i32
      %mul3A_67 = arith.constant 1 : i32
      %mul3A_68 = arith.muli %scan3A_66, %mul3A_67 : i32
      %add3A_69 = arith.constant 0 : i32
      %add3A_70 = arith.addi %add3A_69, %mul3A_68 : i32
      %broadcast_in_dim3A_71 = arith.constant 0.000000e+00 : f32
      %broadcast_in_dim3A_72 = vector.broadcast %broadcast_in_dim3A_71 : f32 to vector<16xf32>
      %mul3A_73 = arith.constant 16 : i32
      %mul3A_74 = arith.muli %add3A_70, %mul3A_73 : i32
      %swap3A_75 = arith.index_cast %mul3A_74 : i32 to index
      %swap3A_76 = tpu.vector_load %arg11[%swap3A_75] {strides = array<i32>} : memref<40960xf32, #tpu.memory_space<vmem>>, vector<16xf32>,
      tpu.vector_store %arg11[%swap3A_75], %broadcast_in_dim3A_72 {strides = array<i32>} : memref<40960xf32, #tpu.memory_space<vmem>>, vector<16xf32>,
      %scan3A_77 = arith.constant 3 : i32
      %scan3A_78 = arith.addi %scan3A_44, %scan3A_77 : i32
      %mul3A_79 = arith.constant 1 : i32
      %mul3A_80 = arith.muli %scan3A_78, %mul3A_79 : i32
      %add3A_81 = arith.constant 0 : i32
      %add3A_82 = arith.addi %add3A_81, %mul3A_80 : i32
      %broadcast_in_dim3A_83 = arith.constant 0.000000e+00 : f32
      %broadcast_in_dim3A_84 = vector.broadcast %broadcast_in_dim3A_83 : f32 to vector<16xf32>
      %mul3A_85 = arith.constant 16 : i32
      %mul3A_86 = arith.muli %add3A_82, %mul3A_85 : i32
      %swap3A_87 = arith.index_cast %mul3A_86 : i32 to index
      %swap3A_88 = tpu.vector_load %arg11[%swap3A_87] {strides = array<i32>} : memref<40960xf32, #tpu.memory_space<vmem>>, vector<16xf32>,
      tpu.vector_store %arg11[%swap3A_87], %broadcast_in_dim3A_84 {strides = array<i32>} : memref<40960xf32, #tpu.memory_space<vmem>>, vector<16xf32>,
      %scan3A_89 = arith.constant 4 : i32
      %scan3A_90 = arith.addi %scan3A_44, %scan3A_89 : i32
      %mul3A_91 = arith.constant 1 : i32
      %mul3A_92 = arith.muli %scan3A_90, %mul3A_91 : i32
      %add3A_93 = arith.constant 0 : i32
      %add3A_94 = arith.addi %add3A_93, %mul3A_92 : i32
      %broadcast_in_dim3A_95 = arith.constant 0.000000e+00 : f32
      %broadcast_in_dim3A_96 = vector.broadcast %broadcast_in_dim3A_95 : f32 to vector<16xf32>
      %mul3A_97 = arith.constant 16 : i32
      %mul3A_98 = arith.muli %add3A_94, %mul3A_97 : i32
      %swap3A_99 = arith.index_cast %mul3A_98 : i32 to index
      %swap3A_100 = tpu.vector_load %arg11[%swap3A_99] {strides = array<i32>} : memref<40960xf32, #tpu.memory_space<vmem>>, vector<16xf32>,
      tpu.vector_store %arg11[%swap3A_99], %broadcast_in_dim3A_96 {strides = array<i32>} : memref<40960xf32, #tpu.memory_space<vmem>>, vector<16xf32>,
      %scan3A_101 = arith.constant 5 : i32
      %scan3A_102 = arith.addi %scan3A_44, %scan3A_101 : i32
      %mul3A_103 = arith.constant 1 : i32
      %mul3A_104 = arith.muli %scan3A_102, %mul3A_103 : i32
      %add3A_105 = arith.constant 0 : i32
      %add3A_106 = arith.addi %add3A_105, %mul3A_104 : i32
      %broadcast_in_dim3A_107 = arith.constant 0.000000e+00 : f32
      %broadcast_in_dim3A_108 = vector.broadcast %broadcast_in_dim3A_107 : f32 to vector<16xf32>
      %mul3A_109 = arith.constant 16 : i32
      %mul3A_110 = arith.muli %add3A_106, %mul3A_109 : i32
      %swap3A_111 = arith.index_cast %mul3A_110 : i32 to index
      %swap3A_112 = tpu.vector_load %arg11[%swap3A_111] {strides = array<i32>} : memref<40960xf32, #tpu.memory_space<vmem>>, vector<16xf32>,
      tpu.vector_store %arg11[%swap3A_111], %broadcast_in_dim3A_108 {strides = array<i32>} : memref<40960xf32, #tpu.memory_space<vmem>>, vector<16xf32>,
      %scan3A_113 = arith.constant 6 : i32
      %scan3A_114 = arith.addi %scan3A_44, %scan3A_113 : i32
      %mul3A_115 = arith.constant 1 : i32
      %mul3A_116 = arith.muli %scan3A_114, %mul3A_115 : i32
      %add3A_117 = arith.constant 0 : i32
      %add3A_118 = arith.addi %add3A_117, %mul3A_116 : i32
      %broadcast_in_dim3A_119 = arith.constant 0.000000e+00 : f32
      %broadcast_in_dim3A_120 = vector.broadcast %broadcast_in_dim3A_119 : f32 to vector<16xf32>
      %mul3A_121 = arith.constant 16 : i32
      %mul3A_122 = arith.muli %add3A_118, %mul3A_121 : i32
      %swap3A_123 = arith.index_cast %mul3A_122 : i32 to index
      %swap3A_124 = tpu.vector_load %arg11[%swap3A_123] {strides = array<i32>} : memref<40960xf32, #tpu.memory_space<vmem>>, vector<16xf32>,
      tpu.vector_store %arg11[%swap3A_123], %broadcast_in_dim3A_120 {strides = array<i32>} : memref<40960xf32, #tpu.memory_space<vmem>>, vector<16xf32>,
      %scan3A_125 = arith.constant 7 : i32
      %scan3A_126 = arith.addi %scan3A_44, %scan3A_125 : i32
      %mul3A_127 = arith.constant 1 : i32
      %mul3A_128 = arith.muli %scan3A_126, %mul3A_127 : i32
      %add3A_129 = arith.constant 0 : i32
      %add3A_130 = arith.addi %add3A_129, %mul3A_128 : i32
      %broadcast_in_dim3A_131 = arith.constant 0.000000e+00 : f32
      %broadcast_in_dim3A_132 = vector.broadcast %broadcast_in_dim3A_131 : f32 to vector<16xf32>
      %mul3A_133 = arith.constant 16 : i32
      %mul3A_134 = arith.muli %add3A_130, %mul3A_133 : i32
      %swap3A_135 = arith.index_cast %mul3A_134 : i32 to index
      %swap3A_136 = tpu.vector_load %arg11[%swap3A_135] {strides = array<i32>} : memref<40960xf32, #tpu.memory_space<vmem>>, vector<16xf32>,
      tpu.vector_store %arg11[%swap3A_135], %broadcast_in_dim3A_132 {strides = array<i32>} : memref<40960xf32, #tpu.memory_space<vmem>>, vector<16xf32>,
    }
    %scan3A_25 = arith.constant 2560 : i32
    %mul3A_26 = arith.constant 81920 : i32
    %mul3A_27 = arith.muli %select_n3A, %mul3A_26 : i32
    "tpu.region"() ({
      %run_scoped3A = tpu.sem_alloc : memref<!tpu.dma_semaphore, #tpu.memory_space<semaphore_mem>>
      %dma_start3A_44 = tpu.memref_slice %arg2[%mul3A_27] : memref<163840xf32, #tpu.memory_space<hbm>> -> memref<80000xf32, #tpu.memory_space<hbm>>
      %dma_start3A_45 = tpu.memref_slice %arg2[%mul3A_27] : memref<163840xf32, #tpu.memory_space<hbm>> -> memref<80000xf32, #tpu.memory_space<hbm>>
      tpu.enqueue_dma source(%dma_start3A_45 : memref<80000xf32, #tpu.memory_space<hbm>>) target(%arg10 : memref<80000xf32, #tpu.memory_space<vmem>>) target_semaphore(%run_scoped3A : memref<!tpu.dma_semaphore, #tpu.memory_space<semaphore_mem>>)
      %dma_wait3A = tpu.memref_slice %arg2[%mul3A_27] : memref<163840xf32, #tpu.memory_space<hbm>> -> memref<80000xf32, #tpu.memory_space<hbm>>
      %dma_wait3A_46 = tpu.memref_slice %arg2[%mul3A_27] : memref<163840xf32, #tpu.memory_space<hbm>> -> memref<80000xf32, #tpu.memory_space<hbm>>
      tpu.wait_dma2 semaphore(%run_scoped3A : memref<!tpu.dma_semaphore, #tpu.memory_space<semaphore_mem>>) src(%dma_wait3A_46 : memref<80000xf32, #tpu.memory_space<hbm>>) dst(%arg10 : memref<80000xf32, #tpu.memory_space<vmem>>)
      tpu.yield
    }) : () -> ()
    %mul3A_28 = arith.constant 2560 : i32
    %mul3A_29 = arith.muli %sub3A_19, %mul3A_28 : i32
    %dma_start3A = arith.constant 0 : i32
    %dma_start3A_30 = tpu.memref_slice %arg3[%mul3A_29, %dma_start3A] : memref<20480x128xi32, #tpu.memory_space<hbm>> -> memref<16x128xi32, #tpu.memory_space<hbm>>
    %dma_start3A_31 = arith.constant 0 : i32
    %dma_start3A_32 = tpu.memref_slice %arg3[%mul3A_29, %dma_start3A_31] : memref<20480x128xi32, #tpu.memory_space<hbm>> -> memref<16x128xi32, #tpu.memory_space<hbm>>
    tpu.enqueue_dma source(%dma_start3A_32 : memref<16x128xi32, #tpu.memory_space<hbm>>) target(%arg6 : memref<16x128xi32, #tpu.memory_space<vmem>>) target_semaphore(%arg12 : memref<!tpu.dma_semaphore, #tpu.memory_space<semaphore_mem>>)
    %dma_start3A_33 = arith.constant 0 : i32
    %dma_start3A_34 = tpu.memref_slice %arg4[%mul3A_29, %dma_start3A_33] : memref<20480x128xi32, #tpu.memory_space<hbm>> -> memref<16x128xi32, #tpu.memory_space<hbm>>
    %dma_start3A_35 = arith.constant 0 : i32
    %dma_start3A_36 = tpu.memref_slice %arg4[%mul3A_29, %dma_start3A_35] : memref<20480x128xi32, #tpu.memory_space<hbm>> -> memref<16x128xi32, #tpu.memory_space<hbm>>
    tpu.enqueue_dma source(%dma_start3A_36 : memref<16x128xi32, #tpu.memory_space<hbm>>) target(%arg7 : memref<16x128xi32, #tpu.memory_space<vmem>>) target_semaphore(%arg12 : memref<!tpu.dma_semaphore, #tpu.memory_space<semaphore_mem>>)
    %scan3A_37 = arith.constant 0 : i32
    %scan3A_38 = arith.constant 80 : i32
    %scan3A_39 = arith.addi %scan3A_37, %scan3A_38 : i32
    %scan3A_40 = arith.constant 1 : i32
    scf.for %scan3A_44 = %scan3A_37 to %scan3A_39 step %scan3A_40  : i32 {
      %mul3A_45 = arith.constant 1 : i32
      %mul3A_46 = arith.muli %scan3A_44, %mul3A_45 : i32
      %add3A_47 = arith.constant 0 : i32
      %add3A_48 = arith.addi %add3A_47, %mul3A_46 : i32
      %mul3A_49 = arith.constant 2 : i32
      %mul3A_50 = arith.muli %mul3A_49, %add3A_48 : i32
      %add3A_51 = arith.constant 1 : i32
      %add3A_52 = arith.addi %mul3A_50, %add3A_51 : i32
      %mul3A_53 = arith.constant 16 : i32
      %mul3A_54 = arith.muli %add3A_52, %mul3A_53 : i32
      %add3A_55 = arith.addi %mul3A_29, %mul3A_54 : i32
      %dma_start3A_56 = arith.constant 0 : i32
      %dma_start3A_57 = tpu.memref_slice %arg3[%add3A_55, %dma_start3A_56] : memref<20480x128xi32, #tpu.memory_space<hbm>> -> memref<16x128xi32, #tpu.memory_space<hbm>>
      %dma_start3A_58 = arith.constant 0 : i32
      %dma_start3A_59 = tpu.memref_slice %arg3[%add3A_55, %dma_start3A_58] : memref<20480x128xi32, #tpu.memory_space<hbm>> -> memref<16x128xi32, #tpu.memory_space<hbm>>
      tpu.enqueue_dma source(%dma_start3A_59 : memref<16x128xi32, #tpu.memory_space<hbm>>) target(%arg8 : memref<16x128xi32, #tpu.memory_space<vmem>>) target_semaphore(%arg13 : memref<!tpu.dma_semaphore, #tpu.memory_space<semaphore_mem>>)
      %dma_start3A_60 = arith.constant 0 : i32
      %dma_start3A_61 = tpu.memref_slice %arg4[%add3A_55, %dma_start3A_60] : memref<20480x128xi32, #tpu.memory_space<hbm>> -> memref<16x128xi32, #tpu.memory_space<hbm>>
      %dma_start3A_62 = arith.constant 0 : i32
      %dma_start3A_63 = tpu.memref_slice %arg4[%add3A_55, %dma_start3A_62] : memref<20480x128xi32, #tpu.memory_space<hbm>> -> memref<16x128xi32, #tpu.memory_space<hbm>>
      tpu.enqueue_dma source(%dma_start3A_63 : memref<16x128xi32, #tpu.memory_space<hbm>>) target(%arg9 : memref<16x128xi32, #tpu.memory_space<vmem>>) target_semaphore(%arg13 : memref<!tpu.dma_semaphore, #tpu.memory_space<semaphore_mem>>)
      %dma_wait3A = arith.constant 0 : i32
      %dma_wait3A_64 = arith.constant 0 : i32
      %dma_wait3A_65 = tpu.memref_slice %arg3[%dma_wait3A, %dma_wait3A_64] : memref<20480x128xi32, #tpu.memory_space<hbm>> -> memref<16x128xi32, #tpu.memory_space<hbm>>
      %dma_wait3A_66 = arith.constant 0 : i32
      %dma_wait3A_67 = arith.constant 0 : i32
      %dma_wait3A_68 = tpu.memref_slice %arg3[%dma_wait3A_66, %dma_wait3A_67] : memref<20480x128xi32, #tpu.memory_space<hbm>> -> memref<16x128xi32, #tpu.memory_space<hbm>>
      tpu.wait_dma2 semaphore(%arg12 : memref<!tpu.dma_semaphore, #tpu.memory_space<semaphore_mem>>) src(%dma_wait3A_68 : memref<16x128xi32, #tpu.memory_space<hbm>>) dst(%arg6 : memref<16x128xi32, #tpu.memory_space<vmem>>)
      %dma_wait3A_69 = arith.constant 0 : i32
      %dma_wait3A_70 = arith.constant 0 : i32
      %dma_wait3A_71 = tpu.memref_slice %arg4[%dma_wait3A_69, %dma_wait3A_70] : memref<20480x128xi32, #tpu.memory_space<hbm>> -> memref<16x128xi32, #tpu.memory_space<hbm>>
      %dma_wait3A_72 = arith.constant 0 : i32
      %dma_wait3A_73 = arith.constant 0 : i32
      %dma_wait3A_74 = tpu.memref_slice %arg4[%dma_wait3A_72, %dma_wait3A_73] : memref<20480x128xi32, #tpu.memory_space<hbm>> -> memref<16x128xi32, #tpu.memory_space<hbm>>
      tpu.wait_dma2 semaphore(%arg12 : memref<!tpu.dma_semaphore, #tpu.memory_space<semaphore_mem>>) src(%dma_wait3A_74 : memref<16x128xi32, #tpu.memory_space<hbm>>) dst(%arg7 : memref<16x128xi32, #tpu.memory_space<vmem>>)
      %scan3A_75 = arith.constant 0 : i32
      %scan3A_76 = arith.constant 16 : i32
      %scan3A_77 = arith.addi %scan3A_75, %scan3A_76 : i32
      %scan3A_78 = arith.constant 1 : i32
      scf.for %scan3A_99 = %scan3A_75 to %scan3A_77 step %scan3A_78  : i32 {
        %mul3A_100 = arith.constant 1 : i32
        %mul3A_101 = arith.muli %scan3A_99, %mul3A_100 : i32
        %add3A_102 = arith.constant 0 : i32
        %add3A_103 = arith.addi %add3A_102, %mul3A_101 : i32
        %get3A = arith.index_cast %add3A_103 : i32 to index
        %get3A_104 = arith.constant 0 : index
        %get3A_105 = tpu.vector_load %arg6[%get3A, %get3A_104] {strides = array<i32>} : memref<16x128xi32, #tpu.memory_space<vmem>>, vector<16xi32>,
        %get3A_106 = arith.index_cast %add3A_103 : i32 to index
        %get3A_107 = arith.constant 0 : index
        %get3A_108 = tpu.vector_load %arg7[%get3A_106, %get3A_107] {strides = array<i32>} : memref<16x128xi32, #tpu.memory_space<vmem>>, vector<16xi32>,
        %gather3A = tpu.vector_load_idx %arg10[%get3A_105] : memref<80000xf32, #tpu.memory_space<vmem>>[vector<16xi32>], vector<16xf32>,
        %sub3A_109 = vector.broadcast %mul3A_21 : i32 to vector<16xi32>
        %sub3A_110 = arith.subi %get3A_108, %sub3A_109 : vector<16xi32>
        %ge3A = arith.constant 0 : i32
        %ge3A_111 = vector.broadcast %ge3A : i32 to vector<16xi32>
        %ge3A_112 = arith.cmpi sge, %sub3A_110, %ge3A_111 : vector<16xi32>
        %lt3A_113 = arith.constant 40960 : i32
        %lt3A_114 = vector.broadcast %lt3A_113 : i32 to vector<16xi32>
        %lt3A_115 = arith.cmpi slt, %sub3A_110, %lt3A_114 : vector<16xi32>
        %and3A_116 = arith.andi %ge3A_112, %lt3A_115 : vector<16xi1>
        %jit3A_117 = arith.constant 0 : i32
        %broadcast_in_dim3A = vector.broadcast %jit3A_117 : i32 to vector<16xi32>
        %select_n3A_118 = arith.select %and3A_116, %sub3A_110, %broadcast_in_dim3A : vector<16xi1>, vector<16xi32>
        tpu.vector_store_idx %arg11[%select_n3A_118], %gather3A masked %and3A_116 {add = true} : memref<40960xf32, #tpu.memory_space<vmem>>[vector<16xi32>], vector<16xf32>, vector<16xi1>
        %get3A_119 = arith.index_cast %add3A_103 : i32 to index
        %get3A_120 = arith.constant 16 : index
        %get3A_121 = tpu.vector_load %arg6[%get3A_119, %get3A_120] {strides = array<i32>} : memref<16x128xi32, #tpu.memory_space<vmem>>, vector<16xi32>,
        %get3A_122 = arith.index_cast %add3A_103 : i32 to index
        %get3A_123 = arith.constant 16 : index
        %get3A_124 = tpu.vector_load %arg7[%get3A_122, %get3A_123] {strides = array<i32>} : memref<16x128xi32, #tpu.memory_space<vmem>>, vector<16xi32>,
        %gather3A_125 = tpu.vector_load_idx %arg10[%get3A_121] : memref<80000xf32, #tpu.memory_space<vmem>>[vector<16xi32>], vector<16xf32>,
        %sub3A_126 = vector.broadcast %mul3A_21 : i32 to vector<16xi32>
        %sub3A_127 = arith.subi %get3A_124, %sub3A_126 : vector<16xi32>
        %ge3A_128 = arith.constant 0 : i32
        %ge3A_129 = vector.broadcast %ge3A_128 : i32 to vector<16xi32>
        %ge3A_130 = arith.cmpi sge, %sub3A_127, %ge3A_129 : vector<16xi32>
        %lt3A_131 = arith.constant 40960 : i32
        %lt3A_132 = vector.broadcast %lt3A_131 : i32 to vector<16xi32>
        %lt3A_133 = arith.cmpi slt, %sub3A_127, %lt3A_132 : vector<16xi32>
        %and3A_134 = arith.andi %ge3A_130, %lt3A_133 : vector<16xi1>
        %jit3A_135 = arith.constant 0 : i32
        %broadcast_in_dim3A_136 = vector.broadcast %jit3A_135 : i32 to vector<16xi32>
        %select_n3A_137 = arith.select %and3A_134, %sub3A_127, %broadcast_in_dim3A_136 : vector<16xi1>, vector<16xi32>
        tpu.vector_store_idx %arg11[%select_n3A_137], %gather3A_125 masked %and3A_134 {add = true} : memref<40960xf32, #tpu.memory_space<vmem>>[vector<16xi32>], vector<16xf32>, vector<16xi1>
        %get3A_138 = arith.index_cast %add3A_103 : i32 to index
        %get3A_139 = arith.constant 32 : index
        %get3A_140 = tpu.vector_load %arg6[%get3A_138, %get3A_139] {strides = array<i32>} : memref<16x128xi32, #tpu.memory_space<vmem>>, vector<16xi32>,
        %get3A_141 = arith.index_cast %add3A_103 : i32 to index
        %get3A_142 = arith.constant 32 : index
        %get3A_143 = tpu.vector_load %arg7[%get3A_141, %get3A_142] {strides = array<i32>} : memref<16x128xi32, #tpu.memory_space<vmem>>, vector<16xi32>,
        %gather3A_144 = tpu.vector_load_idx %arg10[%get3A_140] : memref<80000xf32, #tpu.memory_space<vmem>>[vector<16xi32>], vector<16xf32>,
        %sub3A_145 = vector.broadcast %mul3A_21 : i32 to vector<16xi32>
        %sub3A_146 = arith.subi %get3A_143, %sub3A_145 : vector<16xi32>
        %ge3A_147 = arith.constant 0 : i32
        %ge3A_148 = vector.broadcast %ge3A_147 : i32 to vector<16xi32>
        %ge3A_149 = arith.cmpi sge, %sub3A_146, %ge3A_148 : vector<16xi32>
        %lt3A_150 = arith.constant 40960 : i32
        %lt3A_151 = vector.broadcast %lt3A_150 : i32 to vector<16xi32>
        %lt3A_152 = arith.cmpi slt, %sub3A_146, %lt3A_151 : vector<16xi32>
        %and3A_153 = arith.andi %ge3A_149, %lt3A_152 : vector<16xi1>
        %jit3A_154 = arith.constant 0 : i32
        %broadcast_in_dim3A_155 = vector.broadcast %jit3A_154 : i32 to vector<16xi32>
        %select_n3A_156 = arith.select %and3A_153, %sub3A_146, %broadcast_in_dim3A_155 : vector<16xi1>, vector<16xi32>
        tpu.vector_store_idx %arg11[%select_n3A_156], %gather3A_144 masked %and3A_153 {add = true} : memref<40960xf32, #tpu.memory_space<vmem>>[vector<16xi32>], vector<16xf32>, vector<16xi1>
        %get3A_157 = arith.index_cast %add3A_103 : i32 to index
        %get3A_158 = arith.constant 48 : index
        %get3A_159 = tpu.vector_load %arg6[%get3A_157, %get3A_158] {strides = array<i32>} : memref<16x128xi32, #tpu.memory_space<vmem>>, vector<16xi32>,
        %get3A_160 = arith.index_cast %add3A_103 : i32 to index
        %get3A_161 = arith.constant 48 : index
        %get3A_162 = tpu.vector_load %arg7[%get3A_160, %get3A_161] {strides = array<i32>} : memref<16x128xi32, #tpu.memory_space<vmem>>, vector<16xi32>,
        %gather3A_163 = tpu.vector_load_idx %arg10[%get3A_159] : memref<80000xf32, #tpu.memory_space<vmem>>[vector<16xi32>], vector<16xf32>,
        %sub3A_164 = vector.broadcast %mul3A_21 : i32 to vector<16xi32>
        %sub3A_165 = arith.subi %get3A_162, %sub3A_164 : vector<16xi32>
        %ge3A_166 = arith.constant 0 : i32
        %ge3A_167 = vector.broadcast %ge3A_166 : i32 to vector<16xi32>
        %ge3A_168 = arith.cmpi sge, %sub3A_165, %ge3A_167 : vector<16xi32>
        %lt3A_169 = arith.constant 40960 : i32
        %lt3A_170 = vector.broadcast %lt3A_169 : i32 to vector<16xi32>
        %lt3A_171 = arith.cmpi slt, %sub3A_165, %lt3A_170 : vector<16xi32>
        %and3A_172 = arith.andi %ge3A_168, %lt3A_171 : vector<16xi1>
        %jit3A_173 = arith.constant 0 : i32
        %broadcast_in_dim3A_174 = vector.broadcast %jit3A_173 : i32 to vector<16xi32>
        %select_n3A_175 = arith.select %and3A_172, %sub3A_165, %broadcast_in_dim3A_174 : vector<16xi1>, vector<16xi32>
        tpu.vector_store_idx %arg11[%select_n3A_175], %gather3A_163 masked %and3A_172 {add = true} : memref<40960xf32, #tpu.memory_space<vmem>>[vector<16xi32>], vector<16xf32>, vector<16xi1>
        %get3A_176 = arith.index_cast %add3A_103 : i32 to index
        %get3A_177 = arith.constant 64 : index
        %get3A_178 = tpu.vector_load %arg6[%get3A_176, %get3A_177] {strides = array<i32>} : memref<16x128xi32, #tpu.memory_space<vmem>>, vector<16xi32>,
        %get3A_179 = arith.index_cast %add3A_103 : i32 to index
        %get3A_180 = arith.constant 64 : index
        %get3A_181 = tpu.vector_load %arg7[%get3A_179, %get3A_180] {strides = array<i32>} : memref<16x128xi32, #tpu.memory_space<vmem>>, vector<16xi32>,
        %gather3A_182 = tpu.vector_load_idx %arg10[%get3A_178] : memref<80000xf32, #tpu.memory_space<vmem>>[vector<16xi32>], vector<16xf32>,
        %sub3A_183 = vector.broadcast %mul3A_21 : i32 to vector<16xi32>
        %sub3A_184 = arith.subi %get3A_181, %sub3A_183 : vector<16xi32>
        %ge3A_185 = arith.constant 0 : i32
        %ge3A_186 = vector.broadcast %ge3A_185 : i32 to vector<16xi32>
        %ge3A_187 = arith.cmpi sge, %sub3A_184, %ge3A_186 : vector<16xi32>
        %lt3A_188 = arith.constant 40960 : i32
        %lt3A_189 = vector.broadcast %lt3A_188 : i32 to vector<16xi32>
        %lt3A_190 = arith.cmpi slt, %sub3A_184, %lt3A_189 : vector<16xi32>
        %and3A_191 = arith.andi %ge3A_187, %lt3A_190 : vector<16xi1>
        %jit3A_192 = arith.constant 0 : i32
        %broadcast_in_dim3A_193 = vector.broadcast %jit3A_192 : i32 to vector<16xi32>
        %select_n3A_194 = arith.select %and3A_191, %sub3A_184, %broadcast_in_dim3A_193 : vector<16xi1>, vector<16xi32>
        tpu.vector_store_idx %arg11[%select_n3A_194], %gather3A_182 masked %and3A_191 {add = true} : memref<40960xf32, #tpu.memory_space<vmem>>[vector<16xi32>], vector<16xf32>, vector<16xi1>
        %get3A_195 = arith.index_cast %add3A_103 : i32 to index
        %get3A_196 = arith.constant 80 : index
        %get3A_197 = tpu.vector_load %arg6[%get3A_195, %get3A_196] {strides = array<i32>} : memref<16x128xi32, #tpu.memory_space<vmem>>, vector<16xi32>,
        %get3A_198 = arith.index_cast %add3A_103 : i32 to index
        %get3A_199 = arith.constant 80 : index
        %get3A_200 = tpu.vector_load %arg7[%get3A_198, %get3A_199] {strides = array<i32>} : memref<16x128xi32, #tpu.memory_space<vmem>>, vector<16xi32>,
        %gather3A_201 = tpu.vector_load_idx %arg10[%get3A_197] : memref<80000xf32, #tpu.memory_space<vmem>>[vector<16xi32>], vector<16xf32>,
        %sub3A_202 = vector.broadcast %mul3A_21 : i32 to vector<16xi32>
        %sub3A_203 = arith.subi %get3A_200, %sub3A_202 : vector<16xi32>
        %ge3A_204 = arith.constant 0 : i32
        %ge3A_205 = vector.broadcast %ge3A_204 : i32 to vector<16xi32>
        %ge3A_206 = arith.cmpi sge, %sub3A_203, %ge3A_205 : vector<16xi32>
        %lt3A_207 = arith.constant 40960 : i32
        %lt3A_208 = vector.broadcast %lt3A_207 : i32 to vector<16xi32>
        %lt3A_209 = arith.cmpi slt, %sub3A_203, %lt3A_208 : vector<16xi32>
        %and3A_210 = arith.andi %ge3A_206, %lt3A_209 : vector<16xi1>
        %jit3A_211 = arith.constant 0 : i32
        %broadcast_in_dim3A_212 = vector.broadcast %jit3A_211 : i32 to vector<16xi32>
        %select_n3A_213 = arith.select %and3A_210, %sub3A_203, %broadcast_in_dim3A_212 : vector<16xi1>, vector<16xi32>
        tpu.vector_store_idx %arg11[%select_n3A_213], %gather3A_201 masked %and3A_210 {add = true} : memref<40960xf32, #tpu.memory_space<vmem>>[vector<16xi32>], vector<16xf32>, vector<16xi1>
        %get3A_214 = arith.index_cast %add3A_103 : i32 to index
        %get3A_215 = arith.constant 96 : index
        %get3A_216 = tpu.vector_load %arg6[%get3A_214, %get3A_215] {strides = array<i32>} : memref<16x128xi32, #tpu.memory_space<vmem>>, vector<16xi32>,
        %get3A_217 = arith.index_cast %add3A_103 : i32 to index
        %get3A_218 = arith.constant 96 : index
        %get3A_219 = tpu.vector_load %arg7[%get3A_217, %get3A_218] {strides = array<i32>} : memref<16x128xi32, #tpu.memory_space<vmem>>, vector<16xi32>,
        %gather3A_220 = tpu.vector_load_idx %arg10[%get3A_216] : memref<80000xf32, #tpu.memory_space<vmem>>[vector<16xi32>], vector<16xf32>,
        %sub3A_221 = vector.broadcast %mul3A_21 : i32 to vector<16xi32>
        %sub3A_222 = arith.subi %get3A_219, %sub3A_221 : vector<16xi32>
        %ge3A_223 = arith.constant 0 : i32
        %ge3A_224 = vector.broadcast %ge3A_223 : i32 to vector<16xi32>
        %ge3A_225 = arith.cmpi sge, %sub3A_222, %ge3A_224 : vector<16xi32>
        %lt3A_226 = arith.constant 40960 : i32
        %lt3A_227 = vector.broadcast %lt3A_226 : i32 to vector<16xi32>
        %lt3A_228 = arith.cmpi slt, %sub3A_222, %lt3A_227 : vector<16xi32>
        %and3A_229 = arith.andi %ge3A_225, %lt3A_228 : vector<16xi1>
        %jit3A_230 = arith.constant 0 : i32
        %broadcast_in_dim3A_231 = vector.broadcast %jit3A_230 : i32 to vector<16xi32>
        %select_n3A_232 = arith.select %and3A_229, %sub3A_222, %broadcast_in_dim3A_231 : vector<16xi1>, vector<16xi32>
        tpu.vector_store_idx %arg11[%select_n3A_232], %gather3A_220 masked %and3A_229 {add = true} : memref<40960xf32, #tpu.memory_space<vmem>>[vector<16xi32>], vector<16xf32>, vector<16xi1>
        %get3A_233 = arith.index_cast %add3A_103 : i32 to index
        %get3A_234 = arith.constant 112 : index
        %get3A_235 = tpu.vector_load %arg6[%get3A_233, %get3A_234] {strides = array<i32>} : memref<16x128xi32, #tpu.memory_space<vmem>>, vector<16xi32>,
        %get3A_236 = arith.index_cast %add3A_103 : i32 to index
        %get3A_237 = arith.constant 112 : index
        %get3A_238 = tpu.vector_load %arg7[%get3A_236, %get3A_237] {strides = array<i32>} : memref<16x128xi32, #tpu.memory_space<vmem>>, vector<16xi32>,
        %gather3A_239 = tpu.vector_load_idx %arg10[%get3A_235] : memref<80000xf32, #tpu.memory_space<vmem>>[vector<16xi32>], vector<16xf32>,
        %sub3A_240 = vector.broadcast %mul3A_21 : i32 to vector<16xi32>
        %sub3A_241 = arith.subi %get3A_238, %sub3A_240 : vector<16xi32>
        %ge3A_242 = arith.constant 0 : i32
        %ge3A_243 = vector.broadcast %ge3A_242 : i32 to vector<16xi32>
        %ge3A_244 = arith.cmpi sge, %sub3A_241, %ge3A_243 : vector<16xi32>
        %lt3A_245 = arith.constant 40960 : i32
        %lt3A_246 = vector.broadcast %lt3A_245 : i32 to vector<16xi32>
        %lt3A_247 = arith.cmpi slt, %sub3A_241, %lt3A_246 : vector<16xi32>
        %and3A_248 = arith.andi %ge3A_244, %lt3A_247 : vector<16xi1>
        %jit3A_249 = arith.constant 0 : i32
        %broadcast_in_dim3A_250 = vector.broadcast %jit3A_249 : i32 to vector<16xi32>
        %select_n3A_251 = arith.select %and3A_248, %sub3A_241, %broadcast_in_dim3A_250 : vector<16xi1>, vector<16xi32>
        tpu.vector_store_idx %arg11[%select_n3A_251], %gather3A_239 masked %and3A_248 {add = true} : memref<40960xf32, #tpu.memory_space<vmem>>[vector<16xi32>], vector<16xf32>, vector<16xi1>
      }
      %scan3A_79 = arith.constant 16 : i32
      %lt3A = arith.constant 79 : i32
      %lt3A_80 = arith.cmpi slt, %add3A_48, %lt3A : i32
      %convert_element_type3A = arith.extui %lt3A_80 : i1 to i32
      %cond3A = arith.constant 0 : i32
      %cond3A_81 = arith.cmpi ne, %convert_element_type3A, %cond3A : i32
      scf.if %cond3A_81 {
        %mul3A_99 = arith.constant 2 : i32
        %mul3A_100 = arith.muli %mul3A_99, %add3A_48 : i32
        %add3A_101 = arith.constant 2 : i32
        %add3A_102 = arith.addi %mul3A_100, %add3A_101 : i32
        %mul3A_103 = arith.constant 16 : i32
        %mul3A_104 = arith.muli %add3A_102, %mul3A_103 : i32
        %add3A_105 = arith.addi %mul3A_29, %mul3A_104 : i32
        %dma_start3A_106 = arith.constant 0 : i32
        %dma_start3A_107 = tpu.memref_slice %arg3[%add3A_105, %dma_start3A_106] : memref<20480x128xi32, #tpu.memory_space<hbm>> -> memref<16x128xi32, #tpu.memory_space<hbm>>
        %dma_start3A_108 = arith.constant 0 : i32
        %dma_start3A_109 = tpu.memref_slice %arg3[%add3A_105, %dma_start3A_108] : memref<20480x128xi32, #tpu.memory_space<hbm>> -> memref<16x128xi32, #tpu.memory_space<hbm>>
        tpu.enqueue_dma source(%dma_start3A_109 : memref<16x128xi32, #tpu.memory_space<hbm>>) target(%arg6 : memref<16x128xi32, #tpu.memory_space<vmem>>) target_semaphore(%arg12 : memref<!tpu.dma_semaphore, #tpu.memory_space<semaphore_mem>>)
        %dma_start3A_110 = arith.constant 0 : i32
        %dma_start3A_111 = tpu.memref_slice %arg4[%add3A_105, %dma_start3A_110] : memref<20480x128xi32, #tpu.memory_space<hbm>> -> memref<16x128xi32, #tpu.memory_space<hbm>>
        %dma_start3A_112 = arith.constant 0 : i32
        %dma_start3A_113 = tpu.memref_slice %arg4[%add3A_105, %dma_start3A_112] : memref<20480x128xi32, #tpu.memory_space<hbm>> -> memref<16x128xi32, #tpu.memory_space<hbm>>
        tpu.enqueue_dma source(%dma_start3A_113 : memref<16x128xi32, #tpu.memory_space<hbm>>) target(%arg7 : memref<16x128xi32, #tpu.memory_space<vmem>>) target_semaphore(%arg12 : memref<!tpu.dma_semaphore, #tpu.memory_space<semaphore_mem>>)
      } else {
      }
      %dma_wait3A_82 = arith.constant 0 : i32
      %dma_wait3A_83 = arith.constant 0 : i32
      %dma_wait3A_84 = tpu.memref_slice %arg3[%dma_wait3A_82, %dma_wait3A_83] : memref<20480x128xi32, #tpu.memory_space<hbm>> -> memref<16x128xi32, #tpu.memory_space<hbm>>
      %dma_wait3A_85 = arith.constant 0 : i32
      %dma_wait3A_86 = arith.constant 0 : i32
      %dma_wait3A_87 = tpu.memref_slice %arg3[%dma_wait3A_85, %dma_wait3A_86] : memref<20480x128xi32, #tpu.memory_space<hbm>> -> memref<16x128xi32, #tpu.memory_space<hbm>>
      tpu.wait_dma2 semaphore(%arg13 : memref<!tpu.dma_semaphore, #tpu.memory_space<semaphore_mem>>) src(%dma_wait3A_87 : memref<16x128xi32, #tpu.memory_space<hbm>>) dst(%arg8 : memref<16x128xi32, #tpu.memory_space<vmem>>)
      %dma_wait3A_88 = arith.constant 0 : i32
      %dma_wait3A_89 = arith.constant 0 : i32
      %dma_wait3A_90 = tpu.memref_slice %arg4[%dma_wait3A_88, %dma_wait3A_89] : memref<20480x128xi32, #tpu.memory_space<hbm>> -> memref<16x128xi32, #tpu.memory_space<hbm>>
      %dma_wait3A_91 = arith.constant 0 : i32
      %dma_wait3A_92 = arith.constant 0 : i32
      %dma_wait3A_93 = tpu.memref_slice %arg4[%dma_wait3A_91, %dma_wait3A_92] : memref<20480x128xi32, #tpu.memory_space<hbm>> -> memref<16x128xi32, #tpu.memory_space<hbm>>
      tpu.wait_dma2 semaphore(%arg13 : memref<!tpu.dma_semaphore, #tpu.memory_space<semaphore_mem>>) src(%dma_wait3A_93 : memref<16x128xi32, #tpu.memory_space<hbm>>) dst(%arg9 : memref<16x128xi32, #tpu.memory_space<vmem>>)
      %scan3A_94 = arith.constant 0 : i32
      %scan3A_95 = arith.constant 16 : i32
      %scan3A_96 = arith.addi %scan3A_94, %scan3A_95 : i32
      %scan3A_97 = arith.constant 1 : i32
      scf.for %scan3A_99 = %scan3A_94 to %scan3A_96 step %scan3A_97  : i32 {
        %mul3A_100 = arith.constant 1 : i32
        %mul3A_101 = arith.muli %scan3A_99, %mul3A_100 : i32
        %add3A_102 = arith.constant 0 : i32
        %add3A_103 = arith.addi %add3A_102, %mul3A_101 : i32
        %get3A = arith.index_cast %add3A_103 : i32 to index
        %get3A_104 = arith.constant 0 : index
        %get3A_105 = tpu.vector_load %arg8[%get3A, %get3A_104] {strides = array<i32>} : memref<16x128xi32, #tpu.memory_space<vmem>>, vector<16xi32>,
        %get3A_106 = arith.index_cast %add3A_103 : i32 to index
        %get3A_107 = arith.constant 0 : index
        %get3A_108 = tpu.vector_load %arg9[%get3A_106, %get3A_107] {strides = array<i32>} : memref<16x128xi32, #tpu.memory_space<vmem>>, vector<16xi32>,
        %gather3A = tpu.vector_load_idx %arg10[%get3A_105] : memref<80000xf32, #tpu.memory_space<vmem>>[vector<16xi32>], vector<16xf32>,
        %sub3A_109 = vector.broadcast %mul3A_21 : i32 to vector<16xi32>
        %sub3A_110 = arith.subi %get3A_108, %sub3A_109 : vector<16xi32>
        %ge3A = arith.constant 0 : i32
        %ge3A_111 = vector.broadcast %ge3A : i32 to vector<16xi32>
        %ge3A_112 = arith.cmpi sge, %sub3A_110, %ge3A_111 : vector<16xi32>
        %lt3A_113 = arith.constant 40960 : i32
        %lt3A_114 = vector.broadcast %lt3A_113 : i32 to vector<16xi32>
        %lt3A_115 = arith.cmpi slt, %sub3A_110, %lt3A_114 : vector<16xi32>
        %and3A_116 = arith.andi %ge3A_112, %lt3A_115 : vector<16xi1>
        %jit3A_117 = arith.constant 0 : i32
        %broadcast_in_dim3A = vector.broadcast %jit3A_117 : i32 to vector<16xi32>
        %select_n3A_118 = arith.select %and3A_116, %sub3A_110, %broadcast_in_dim3A : vector<16xi1>, vector<16xi32>
        tpu.vector_store_idx %arg11[%select_n3A_118], %gather3A masked %and3A_116 {add = true} : memref<40960xf32, #tpu.memory_space<vmem>>[vector<16xi32>], vector<16xf32>, vector<16xi1>
        %get3A_119 = arith.index_cast %add3A_103 : i32 to index
        %get3A_120 = arith.constant 16 : index
        %get3A_121 = tpu.vector_load %arg8[%get3A_119, %get3A_120] {strides = array<i32>} : memref<16x128xi32, #tpu.memory_space<vmem>>, vector<16xi32>,
        %get3A_122 = arith.index_cast %add3A_103 : i32 to index
        %get3A_123 = arith.constant 16 : index
        %get3A_124 = tpu.vector_load %arg9[%get3A_122, %get3A_123] {strides = array<i32>} : memref<16x128xi32, #tpu.memory_space<vmem>>, vector<16xi32>,
        %gather3A_125 = tpu.vector_load_idx %arg10[%get3A_121] : memref<80000xf32, #tpu.memory_space<vmem>>[vector<16xi32>], vector<16xf32>,
        %sub3A_126 = vector.broadcast %mul3A_21 : i32 to vector<16xi32>
        %sub3A_127 = arith.subi %get3A_124, %sub3A_126 : vector<16xi32>
        %ge3A_128 = arith.constant 0 : i32
        %ge3A_129 = vector.broadcast %ge3A_128 : i32 to vector<16xi32>
        %ge3A_130 = arith.cmpi sge, %sub3A_127, %ge3A_129 : vector<16xi32>
        %lt3A_131 = arith.constant 40960 : i32
        %lt3A_132 = vector.broadcast %lt3A_131 : i32 to vector<16xi32>
        %lt3A_133 = arith.cmpi slt, %sub3A_127, %lt3A_132 : vector<16xi32>
        %and3A_134 = arith.andi %ge3A_130, %lt3A_133 : vector<16xi1>
        %jit3A_135 = arith.constant 0 : i32
        %broadcast_in_dim3A_136 = vector.broadcast %jit3A_135 : i32 to vector<16xi32>
        %select_n3A_137 = arith.select %and3A_134, %sub3A_127, %broadcast_in_dim3A_136 : vector<16xi1>, vector<16xi32>
        tpu.vector_store_idx %arg11[%select_n3A_137], %gather3A_125 masked %and3A_134 {add = true} : memref<40960xf32, #tpu.memory_space<vmem>>[vector<16xi32>], vector<16xf32>, vector<16xi1>
        %get3A_138 = arith.index_cast %add3A_103 : i32 to index
        %get3A_139 = arith.constant 32 : index
        %get3A_140 = tpu.vector_load %arg8[%get3A_138, %get3A_139] {strides = array<i32>} : memref<16x128xi32, #tpu.memory_space<vmem>>, vector<16xi32>,
        %get3A_141 = arith.index_cast %add3A_103 : i32 to index
        %get3A_142 = arith.constant 32 : index
        %get3A_143 = tpu.vector_load %arg9[%get3A_141, %get3A_142] {strides = array<i32>} : memref<16x128xi32, #tpu.memory_space<vmem>>, vector<16xi32>,
        %gather3A_144 = tpu.vector_load_idx %arg10[%get3A_140] : memref<80000xf32, #tpu.memory_space<vmem>>[vector<16xi32>], vector<16xf32>,
        %sub3A_145 = vector.broadcast %mul3A_21 : i32 to vector<16xi32>
        %sub3A_146 = arith.subi %get3A_143, %sub3A_145 : vector<16xi32>
        %ge3A_147 = arith.constant 0 : i32
        %ge3A_148 = vector.broadcast %ge3A_147 : i32 to vector<16xi32>
        %ge3A_149 = arith.cmpi sge, %sub3A_146, %ge3A_148 : vector<16xi32>
        %lt3A_150 = arith.constant 40960 : i32
        %lt3A_151 = vector.broadcast %lt3A_150 : i32 to vector<16xi32>
        %lt3A_152 = arith.cmpi slt, %sub3A_146, %lt3A_151 : vector<16xi32>
        %and3A_153 = arith.andi %ge3A_149, %lt3A_152 : vector<16xi1>
        %jit3A_154 = arith.constant 0 : i32
        %broadcast_in_dim3A_155 = vector.broadcast %jit3A_154 : i32 to vector<16xi32>
        %select_n3A_156 = arith.select %and3A_153, %sub3A_146, %broadcast_in_dim3A_155 : vector<16xi1>, vector<16xi32>
        tpu.vector_store_idx %arg11[%select_n3A_156], %gather3A_144 masked %and3A_153 {add = true} : memref<40960xf32, #tpu.memory_space<vmem>>[vector<16xi32>], vector<16xf32>, vector<16xi1>
        %get3A_157 = arith.index_cast %add3A_103 : i32 to index
        %get3A_158 = arith.constant 48 : index
        %get3A_159 = tpu.vector_load %arg8[%get3A_157, %get3A_158] {strides = array<i32>} : memref<16x128xi32, #tpu.memory_space<vmem>>, vector<16xi32>,
        %get3A_160 = arith.index_cast %add3A_103 : i32 to index
        %get3A_161 = arith.constant 48 : index
        %get3A_162 = tpu.vector_load %arg9[%get3A_160, %get3A_161] {strides = array<i32>} : memref<16x128xi32, #tpu.memory_space<vmem>>, vector<16xi32>,
        %gather3A_163 = tpu.vector_load_idx %arg10[%get3A_159] : memref<80000xf32, #tpu.memory_space<vmem>>[vector<16xi32>], vector<16xf32>,
        %sub3A_164 = vector.broadcast %mul3A_21 : i32 to vector<16xi32>
        %sub3A_165 = arith.subi %get3A_162, %sub3A_164 : vector<16xi32>
        %ge3A_166 = arith.constant 0 : i32
        %ge3A_167 = vector.broadcast %ge3A_166 : i32 to vector<16xi32>
        %ge3A_168 = arith.cmpi sge, %sub3A_165, %ge3A_167 : vector<16xi32>
        %lt3A_169 = arith.constant 40960 : i32
        %lt3A_170 = vector.broadcast %lt3A_169 : i32 to vector<16xi32>
        %lt3A_171 = arith.cmpi slt, %sub3A_165, %lt3A_170 : vector<16xi32>
        %and3A_172 = arith.andi %ge3A_168, %lt3A_171 : vector<16xi1>
        %jit3A_173 = arith.constant 0 : i32
        %broadcast_in_dim3A_174 = vector.broadcast %jit3A_173 : i32 to vector<16xi32>
        %select_n3A_175 = arith.select %and3A_172, %sub3A_165, %broadcast_in_dim3A_174 : vector<16xi1>, vector<16xi32>
        tpu.vector_store_idx %arg11[%select_n3A_175], %gather3A_163 masked %and3A_172 {add = true} : memref<40960xf32, #tpu.memory_space<vmem>>[vector<16xi32>], vector<16xf32>, vector<16xi1>
        %get3A_176 = arith.index_cast %add3A_103 : i32 to index
        %get3A_177 = arith.constant 64 : index
        %get3A_178 = tpu.vector_load %arg8[%get3A_176, %get3A_177] {strides = array<i32>} : memref<16x128xi32, #tpu.memory_space<vmem>>, vector<16xi32>,
        %get3A_179 = arith.index_cast %add3A_103 : i32 to index
        %get3A_180 = arith.constant 64 : index
        %get3A_181 = tpu.vector_load %arg9[%get3A_179, %get3A_180] {strides = array<i32>} : memref<16x128xi32, #tpu.memory_space<vmem>>, vector<16xi32>,
        %gather3A_182 = tpu.vector_load_idx %arg10[%get3A_178] : memref<80000xf32, #tpu.memory_space<vmem>>[vector<16xi32>], vector<16xf32>,
        %sub3A_183 = vector.broadcast %mul3A_21 : i32 to vector<16xi32>
        %sub3A_184 = arith.subi %get3A_181, %sub3A_183 : vector<16xi32>
        %ge3A_185 = arith.constant 0 : i32
        %ge3A_186 = vector.broadcast %ge3A_185 : i32 to vector<16xi32>
        %ge3A_187 = arith.cmpi sge, %sub3A_184, %ge3A_186 : vector<16xi32>
        %lt3A_188 = arith.constant 40960 : i32
        %lt3A_189 = vector.broadcast %lt3A_188 : i32 to vector<16xi32>
        %lt3A_190 = arith.cmpi slt, %sub3A_184, %lt3A_189 : vector<16xi32>
        %and3A_191 = arith.andi %ge3A_187, %lt3A_190 : vector<16xi1>
        %jit3A_192 = arith.constant 0 : i32
        %broadcast_in_dim3A_193 = vector.broadcast %jit3A_192 : i32 to vector<16xi32>
        %select_n3A_194 = arith.select %and3A_191, %sub3A_184, %broadcast_in_dim3A_193 : vector<16xi1>, vector<16xi32>
        tpu.vector_store_idx %arg11[%select_n3A_194], %gather3A_182 masked %and3A_191 {add = true} : memref<40960xf32, #tpu.memory_space<vmem>>[vector<16xi32>], vector<16xf32>, vector<16xi1>
        %get3A_195 = arith.index_cast %add3A_103 : i32 to index
        %get3A_196 = arith.constant 80 : index
        %get3A_197 = tpu.vector_load %arg8[%get3A_195, %get3A_196] {strides = array<i32>} : memref<16x128xi32, #tpu.memory_space<vmem>>, vector<16xi32>,
        %get3A_198 = arith.index_cast %add3A_103 : i32 to index
        %get3A_199 = arith.constant 80 : index
        %get3A_200 = tpu.vector_load %arg9[%get3A_198, %get3A_199] {strides = array<i32>} : memref<16x128xi32, #tpu.memory_space<vmem>>, vector<16xi32>,
        %gather3A_201 = tpu.vector_load_idx %arg10[%get3A_197] : memref<80000xf32, #tpu.memory_space<vmem>>[vector<16xi32>], vector<16xf32>,
        %sub3A_202 = vector.broadcast %mul3A_21 : i32 to vector<16xi32>
        %sub3A_203 = arith.subi %get3A_200, %sub3A_202 : vector<16xi32>
        %ge3A_204 = arith.constant 0 : i32
        %ge3A_205 = vector.broadcast %ge3A_204 : i32 to vector<16xi32>
        %ge3A_206 = arith.cmpi sge, %sub3A_203, %ge3A_205 : vector<16xi32>
        %lt3A_207 = arith.constant 40960 : i32
        %lt3A_208 = vector.broadcast %lt3A_207 : i32 to vector<16xi32>
        %lt3A_209 = arith.cmpi slt, %sub3A_203, %lt3A_208 : vector<16xi32>
        %and3A_210 = arith.andi %ge3A_206, %lt3A_209 : vector<16xi1>
        %jit3A_211 = arith.constant 0 : i32
        %broadcast_in_dim3A_212 = vector.broadcast %jit3A_211 : i32 to vector<16xi32>
        %select_n3A_213 = arith.select %and3A_210, %sub3A_203, %broadcast_in_dim3A_212 : vector<16xi1>, vector<16xi32>
        tpu.vector_store_idx %arg11[%select_n3A_213], %gather3A_201 masked %and3A_210 {add = true} : memref<40960xf32, #tpu.memory_space<vmem>>[vector<16xi32>], vector<16xf32>, vector<16xi1>
        %get3A_214 = arith.index_cast %add3A_103 : i32 to index
        %get3A_215 = arith.constant 96 : index
        %get3A_216 = tpu.vector_load %arg8[%get3A_214, %get3A_215] {strides = array<i32>} : memref<16x128xi32, #tpu.memory_space<vmem>>, vector<16xi32>,
        %get3A_217 = arith.index_cast %add3A_103 : i32 to index
        %get3A_218 = arith.constant 96 : index
        %get3A_219 = tpu.vector_load %arg9[%get3A_217, %get3A_218] {strides = array<i32>} : memref<16x128xi32, #tpu.memory_space<vmem>>, vector<16xi32>,
        %gather3A_220 = tpu.vector_load_idx %arg10[%get3A_216] : memref<80000xf32, #tpu.memory_space<vmem>>[vector<16xi32>], vector<16xf32>,
        %sub3A_221 = vector.broadcast %mul3A_21 : i32 to vector<16xi32>
        %sub3A_222 = arith.subi %get3A_219, %sub3A_221 : vector<16xi32>
        %ge3A_223 = arith.constant 0 : i32
        %ge3A_224 = vector.broadcast %ge3A_223 : i32 to vector<16xi32>
        %ge3A_225 = arith.cmpi sge, %sub3A_222, %ge3A_224 : vector<16xi32>
        %lt3A_226 = arith.constant 40960 : i32
        %lt3A_227 = vector.broadcast %lt3A_226 : i32 to vector<16xi32>
        %lt3A_228 = arith.cmpi slt, %sub3A_222, %lt3A_227 : vector<16xi32>
        %and3A_229 = arith.andi %ge3A_225, %lt3A_228 : vector<16xi1>
        %jit3A_230 = arith.constant 0 : i32
        %broadcast_in_dim3A_231 = vector.broadcast %jit3A_230 : i32 to vector<16xi32>
        %select_n3A_232 = arith.select %and3A_229, %sub3A_222, %broadcast_in_dim3A_231 : vector<16xi1>, vector<16xi32>
        tpu.vector_store_idx %arg11[%select_n3A_232], %gather3A_220 masked %and3A_229 {add = true} : memref<40960xf32, #tpu.memory_space<vmem>>[vector<16xi32>], vector<16xf32>, vector<16xi1>
        %get3A_233 = arith.index_cast %add3A_103 : i32 to index
        %get3A_234 = arith.constant 112 : index
        %get3A_235 = tpu.vector_load %arg8[%get3A_233, %get3A_234] {strides = array<i32>} : memref<16x128xi32, #tpu.memory_space<vmem>>, vector<16xi32>,
        %get3A_236 = arith.index_cast %add3A_103 : i32 to index
        %get3A_237 = arith.constant 112 : index
        %get3A_238 = tpu.vector_load %arg9[%get3A_236, %get3A_237] {strides = array<i32>} : memref<16x128xi32, #tpu.memory_space<vmem>>, vector<16xi32>,
        %gather3A_239 = tpu.vector_load_idx %arg10[%get3A_235] : memref<80000xf32, #tpu.memory_space<vmem>>[vector<16xi32>], vector<16xf32>,
        %sub3A_240 = vector.broadcast %mul3A_21 : i32 to vector<16xi32>
        %sub3A_241 = arith.subi %get3A_238, %sub3A_240 : vector<16xi32>
        %ge3A_242 = arith.constant 0 : i32
        %ge3A_243 = vector.broadcast %ge3A_242 : i32 to vector<16xi32>
        %ge3A_244 = arith.cmpi sge, %sub3A_241, %ge3A_243 : vector<16xi32>
        %lt3A_245 = arith.constant 40960 : i32
        %lt3A_246 = vector.broadcast %lt3A_245 : i32 to vector<16xi32>
        %lt3A_247 = arith.cmpi slt, %sub3A_241, %lt3A_246 : vector<16xi32>
        %and3A_248 = arith.andi %ge3A_244, %lt3A_247 : vector<16xi1>
        %jit3A_249 = arith.constant 0 : i32
        %broadcast_in_dim3A_250 = vector.broadcast %jit3A_249 : i32 to vector<16xi32>
        %select_n3A_251 = arith.select %and3A_248, %sub3A_241, %broadcast_in_dim3A_250 : vector<16xi1>, vector<16xi32>
        tpu.vector_store_idx %arg11[%select_n3A_251], %gather3A_239 masked %and3A_248 {add = true} : memref<40960xf32, #tpu.memory_space<vmem>>[vector<16xi32>], vector<16xf32>, vector<16xi1>
      }
      %scan3A_98 = arith.constant 16 : i32
    }
    %scan3A_41 = arith.constant 80 : i32
    %mul3A_42 = arith.constant 40960 : i32
    %mul3A_43 = arith.muli %add3A, %mul3A_42 : i32
    "tpu.region"() ({
      %run_scoped3A = tpu.sem_alloc : memref<!tpu.dma_semaphore, #tpu.memory_space<semaphore_mem>>
      %dma_start3A_44 = tpu.memref_slice %arg5[%mul3A_43] : memref<1310720xf32, #tpu.memory_space<hbm>> -> memref<40960xf32, #tpu.memory_space<hbm>>
      %dma_start3A_45 = tpu.memref_slice %arg5[%mul3A_43] : memref<1310720xf32, #tpu.memory_space<hbm>> -> memref<40960xf32, #tpu.memory_space<hbm>>
      tpu.enqueue_dma source(%arg11 : memref<40960xf32, #tpu.memory_space<vmem>>) target(%dma_start3A_45 : memref<40960xf32, #tpu.memory_space<hbm>>) target_semaphore(%run_scoped3A : memref<!tpu.dma_semaphore, #tpu.memory_space<semaphore_mem>>)
      %dma_wait3A = tpu.memref_slice %arg5[%mul3A_43] : memref<1310720xf32, #tpu.memory_space<hbm>> -> memref<40960xf32, #tpu.memory_space<hbm>>
      %dma_wait3A_46 = tpu.memref_slice %arg5[%mul3A_43] : memref<1310720xf32, #tpu.memory_space<hbm>> -> memref<40960xf32, #tpu.memory_space<hbm>>
      tpu.wait_dma2 semaphore(%run_scoped3A : memref<!tpu.dma_semaphore, #tpu.memory_space<semaphore_mem>>) src(%arg11 : memref<40960xf32, #tpu.memory_space<vmem>>) dst(%dma_wait3A_46 : memref<40960xf32, #tpu.memory_space<hbm>>)
      tpu.yield
    }) : () -> ()
    return
  }
}

#map = affine_map<(d0, d1) -> (0, 0)>
#map1 = affine_map<(d0, d1) -> (0)>
module attributes {stable_mosaic.version = 14 : i64} {
  func.func @deg_kernel(%arg0: i32, %arg1: i32, %arg2: memref<2560x128xi32, #tpu.memory_space<hbm>>, %arg3: memref<327680xf32, #tpu.memory_space<hbm>>, %arg4: memref<16x128xi32, #tpu.memory_space<vmem>>, %arg5: memref<10240xf32, #tpu.memory_space<vmem>>) attributes {dimension_semantics = [#tpu.dimension_semantics<core_parallel>, #tpu.dimension_semantics<subcore_parallel>], iteration_bounds = array<i64: 2, 16>, scalar_prefetch = 0 : i64, scratch_operands = 2 : i64, tpu.core_type = #tpu.core_type<sc_vector_subcore>, window_params = [{transform_indices = #map}, {transform_indices = #map1}]} {
    %mul3A = arith.constant 16 : i32
    %mul3A_0 = arith.muli %arg0, %mul3A : i32
    %add3A = arith.addi %mul3A_0, %arg1 : i32
    %broadcast_in_dim3A = arith.constant 1.000000e+00 : f32
    %broadcast_in_dim3A_1 = vector.broadcast %broadcast_in_dim3A : f32 to vector<16xf32>
    %scan3A = arith.constant 0 : i32
    %scan3A_2 = arith.constant 640 : i32
    %scan3A_3 = arith.addi %scan3A, %scan3A_2 : i32
    %scan3A_4 = arith.constant 8 : i32
    scf.for %scan3A_13 = %scan3A to %scan3A_3 step %scan3A_4  : i32 {
      %mul3A_14 = arith.constant 1 : i32
      %mul3A_15 = arith.muli %scan3A_13, %mul3A_14 : i32
      %add3A_16 = arith.constant 0 : i32
      %add3A_17 = arith.addi %add3A_16, %mul3A_15 : i32
      %broadcast_in_dim3A_18 = arith.constant 0.000000e+00 : f32
      %broadcast_in_dim3A_19 = vector.broadcast %broadcast_in_dim3A_18 : f32 to vector<16xf32>
      %mul3A_20 = arith.constant 16 : i32
      %mul3A_21 = arith.muli %add3A_17, %mul3A_20 : i32
      %swap3A = arith.index_cast %mul3A_21 : i32 to index
      %swap3A_22 = tpu.vector_load %arg5[%swap3A] {strides = array<i32>} : memref<10240xf32, #tpu.memory_space<vmem>>, vector<16xf32>,
      tpu.vector_store %arg5[%swap3A], %broadcast_in_dim3A_19 {strides = array<i32>} : memref<10240xf32, #tpu.memory_space<vmem>>, vector<16xf32>,
      %scan3A_23 = arith.constant 1 : i32
      %scan3A_24 = arith.addi %scan3A_13, %scan3A_23 : i32
      %mul3A_25 = arith.constant 1 : i32
      %mul3A_26 = arith.muli %scan3A_24, %mul3A_25 : i32
      %add3A_27 = arith.constant 0 : i32
      %add3A_28 = arith.addi %add3A_27, %mul3A_26 : i32
      %broadcast_in_dim3A_29 = arith.constant 0.000000e+00 : f32
      %broadcast_in_dim3A_30 = vector.broadcast %broadcast_in_dim3A_29 : f32 to vector<16xf32>
      %mul3A_31 = arith.constant 16 : i32
      %mul3A_32 = arith.muli %add3A_28, %mul3A_31 : i32
      %swap3A_33 = arith.index_cast %mul3A_32 : i32 to index
      %swap3A_34 = tpu.vector_load %arg5[%swap3A_33] {strides = array<i32>} : memref<10240xf32, #tpu.memory_space<vmem>>, vector<16xf32>,
      tpu.vector_store %arg5[%swap3A_33], %broadcast_in_dim3A_30 {strides = array<i32>} : memref<10240xf32, #tpu.memory_space<vmem>>, vector<16xf32>,
      %scan3A_35 = arith.constant 2 : i32
      %scan3A_36 = arith.addi %scan3A_13, %scan3A_35 : i32
      %mul3A_37 = arith.constant 1 : i32
      %mul3A_38 = arith.muli %scan3A_36, %mul3A_37 : i32
      %add3A_39 = arith.constant 0 : i32
      %add3A_40 = arith.addi %add3A_39, %mul3A_38 : i32
      %broadcast_in_dim3A_41 = arith.constant 0.000000e+00 : f32
      %broadcast_in_dim3A_42 = vector.broadcast %broadcast_in_dim3A_41 : f32 to vector<16xf32>
      %mul3A_43 = arith.constant 16 : i32
      %mul3A_44 = arith.muli %add3A_40, %mul3A_43 : i32
      %swap3A_45 = arith.index_cast %mul3A_44 : i32 to index
      %swap3A_46 = tpu.vector_load %arg5[%swap3A_45] {strides = array<i32>} : memref<10240xf32, #tpu.memory_space<vmem>>, vector<16xf32>,
      tpu.vector_store %arg5[%swap3A_45], %broadcast_in_dim3A_42 {strides = array<i32>} : memref<10240xf32, #tpu.memory_space<vmem>>, vector<16xf32>,
      %scan3A_47 = arith.constant 3 : i32
      %scan3A_48 = arith.addi %scan3A_13, %scan3A_47 : i32
      %mul3A_49 = arith.constant 1 : i32
      %mul3A_50 = arith.muli %scan3A_48, %mul3A_49 : i32
      %add3A_51 = arith.constant 0 : i32
      %add3A_52 = arith.addi %add3A_51, %mul3A_50 : i32
      %broadcast_in_dim3A_53 = arith.constant 0.000000e+00 : f32
      %broadcast_in_dim3A_54 = vector.broadcast %broadcast_in_dim3A_53 : f32 to vector<16xf32>
      %mul3A_55 = arith.constant 16 : i32
      %mul3A_56 = arith.muli %add3A_52, %mul3A_55 : i32
      %swap3A_57 = arith.index_cast %mul3A_56 : i32 to index
      %swap3A_58 = tpu.vector_load %arg5[%swap3A_57] {strides = array<i32>} : memref<10240xf32, #tpu.memory_space<vmem>>, vector<16xf32>,
      tpu.vector_store %arg5[%swap3A_57], %broadcast_in_dim3A_54 {strides = array<i32>} : memref<10240xf32, #tpu.memory_space<vmem>>, vector<16xf32>,
      %scan3A_59 = arith.constant 4 : i32
      %scan3A_60 = arith.addi %scan3A_13, %scan3A_59 : i32
      %mul3A_61 = arith.constant 1 : i32
      %mul3A_62 = arith.muli %scan3A_60, %mul3A_61 : i32
      %add3A_63 = arith.constant 0 : i32
      %add3A_64 = arith.addi %add3A_63, %mul3A_62 : i32
      %broadcast_in_dim3A_65 = arith.constant 0.000000e+00 : f32
      %broadcast_in_dim3A_66 = vector.broadcast %broadcast_in_dim3A_65 : f32 to vector<16xf32>
      %mul3A_67 = arith.constant 16 : i32
      %mul3A_68 = arith.muli %add3A_64, %mul3A_67 : i32
      %swap3A_69 = arith.index_cast %mul3A_68 : i32 to index
      %swap3A_70 = tpu.vector_load %arg5[%swap3A_69] {strides = array<i32>} : memref<10240xf32, #tpu.memory_space<vmem>>, vector<16xf32>,
      tpu.vector_store %arg5[%swap3A_69], %broadcast_in_dim3A_66 {strides = array<i32>} : memref<10240xf32, #tpu.memory_space<vmem>>, vector<16xf32>,
      %scan3A_71 = arith.constant 5 : i32
      %scan3A_72 = arith.addi %scan3A_13, %scan3A_71 : i32
      %mul3A_73 = arith.constant 1 : i32
      %mul3A_74 = arith.muli %scan3A_72, %mul3A_73 : i32
      %add3A_75 = arith.constant 0 : i32
      %add3A_76 = arith.addi %add3A_75, %mul3A_74 : i32
      %broadcast_in_dim3A_77 = arith.constant 0.000000e+00 : f32
      %broadcast_in_dim3A_78 = vector.broadcast %broadcast_in_dim3A_77 : f32 to vector<16xf32>
      %mul3A_79 = arith.constant 16 : i32
      %mul3A_80 = arith.muli %add3A_76, %mul3A_79 : i32
      %swap3A_81 = arith.index_cast %mul3A_80 : i32 to index
      %swap3A_82 = tpu.vector_load %arg5[%swap3A_81] {strides = array<i32>} : memref<10240xf32, #tpu.memory_space<vmem>>, vector<16xf32>,
      tpu.vector_store %arg5[%swap3A_81], %broadcast_in_dim3A_78 {strides = array<i32>} : memref<10240xf32, #tpu.memory_space<vmem>>, vector<16xf32>,
      %scan3A_83 = arith.constant 6 : i32
      %scan3A_84 = arith.addi %scan3A_13, %scan3A_83 : i32
      %mul3A_85 = arith.constant 1 : i32
      %mul3A_86 = arith.muli %scan3A_84, %mul3A_85 : i32
      %add3A_87 = arith.constant 0 : i32
      %add3A_88 = arith.addi %add3A_87, %mul3A_86 : i32
      %broadcast_in_dim3A_89 = arith.constant 0.000000e+00 : f32
      %broadcast_in_dim3A_90 = vector.broadcast %broadcast_in_dim3A_89 : f32 to vector<16xf32>
      %mul3A_91 = arith.constant 16 : i32
      %mul3A_92 = arith.muli %add3A_88, %mul3A_91 : i32
      %swap3A_93 = arith.index_cast %mul3A_92 : i32 to index
      %swap3A_94 = tpu.vector_load %arg5[%swap3A_93] {strides = array<i32>} : memref<10240xf32, #tpu.memory_space<vmem>>, vector<16xf32>,
      tpu.vector_store %arg5[%swap3A_93], %broadcast_in_dim3A_90 {strides = array<i32>} : memref<10240xf32, #tpu.memory_space<vmem>>, vector<16xf32>,
      %scan3A_95 = arith.constant 7 : i32
      %scan3A_96 = arith.addi %scan3A_13, %scan3A_95 : i32
      %mul3A_97 = arith.constant 1 : i32
      %mul3A_98 = arith.muli %scan3A_96, %mul3A_97 : i32
      %add3A_99 = arith.constant 0 : i32
      %add3A_100 = arith.addi %add3A_99, %mul3A_98 : i32
      %broadcast_in_dim3A_101 = arith.constant 0.000000e+00 : f32
      %broadcast_in_dim3A_102 = vector.broadcast %broadcast_in_dim3A_101 : f32 to vector<16xf32>
      %mul3A_103 = arith.constant 16 : i32
      %mul3A_104 = arith.muli %add3A_100, %mul3A_103 : i32
      %swap3A_105 = arith.index_cast %mul3A_104 : i32 to index
      %swap3A_106 = tpu.vector_load %arg5[%swap3A_105] {strides = array<i32>} : memref<10240xf32, #tpu.memory_space<vmem>>, vector<16xf32>,
      tpu.vector_store %arg5[%swap3A_105], %broadcast_in_dim3A_102 {strides = array<i32>} : memref<10240xf32, #tpu.memory_space<vmem>>, vector<16xf32>,
    }
    %scan3A_5 = arith.constant 640 : i32
    %scan3A_6 = arith.constant 0 : i32
    %scan3A_7 = arith.constant 5 : i32
    %scan3A_8 = arith.addi %scan3A_6, %scan3A_7 : i32
    %scan3A_9 = arith.constant 1 : i32
    scf.for %scan3A_13 = %scan3A_6 to %scan3A_8 step %scan3A_9  : i32 {
      %mul3A_14 = arith.constant 1 : i32
      %mul3A_15 = arith.muli %scan3A_13, %mul3A_14 : i32
      %add3A_16 = arith.constant 0 : i32
      %add3A_17 = arith.addi %add3A_16, %mul3A_15 : i32
      %mul3A_18 = arith.constant 80 : i32
      %mul3A_19 = arith.muli %add3A, %mul3A_18 : i32
      %mul3A_20 = arith.constant 16 : i32
      %mul3A_21 = arith.muli %add3A_17, %mul3A_20 : i32
      %add3A_22 = arith.addi %mul3A_19, %mul3A_21 : i32
      "tpu.region"() ({
        %run_scoped3A = tpu.sem_alloc : memref<!tpu.dma_semaphore, #tpu.memory_space<semaphore_mem>>
        %dma_start3A = arith.constant 0 : i32
        %dma_start3A_28 = tpu.memref_slice %arg2[%add3A_22, %dma_start3A] : memref<2560x128xi32, #tpu.memory_space<hbm>> -> memref<16x128xi32, #tpu.memory_space<hbm>>
        %dma_start3A_29 = arith.constant 0 : i32
        %dma_start3A_30 = tpu.memref_slice %arg2[%add3A_22, %dma_start3A_29] : memref<2560x128xi32, #tpu.memory_space<hbm>> -> memref<16x128xi32, #tpu.memory_space<hbm>>
        tpu.enqueue_dma source(%dma_start3A_30 : memref<16x128xi32, #tpu.memory_space<hbm>>) target(%arg4 : memref<16x128xi32, #tpu.memory_space<vmem>>) target_semaphore(%run_scoped3A : memref<!tpu.dma_semaphore, #tpu.memory_space<semaphore_mem>>)
        %dma_wait3A = arith.constant 0 : i32
        %dma_wait3A_31 = tpu.memref_slice %arg2[%add3A_22, %dma_wait3A] : memref<2560x128xi32, #tpu.memory_space<hbm>> -> memref<16x128xi32, #tpu.memory_space<hbm>>
        %dma_wait3A_32 = arith.constant 0 : i32
        %dma_wait3A_33 = tpu.memref_slice %arg2[%add3A_22, %dma_wait3A_32] : memref<2560x128xi32, #tpu.memory_space<hbm>> -> memref<16x128xi32, #tpu.memory_space<hbm>>
        tpu.wait_dma2 semaphore(%run_scoped3A : memref<!tpu.dma_semaphore, #tpu.memory_space<semaphore_mem>>) src(%dma_wait3A_33 : memref<16x128xi32, #tpu.memory_space<hbm>>) dst(%arg4 : memref<16x128xi32, #tpu.memory_space<vmem>>)
        tpu.yield
      }) : () -> ()
      %scan3A_23 = arith.constant 0 : i32
      %scan3A_24 = arith.constant 16 : i32
      %scan3A_25 = arith.addi %scan3A_23, %scan3A_24 : i32
      %scan3A_26 = arith.constant 1 : i32
      scf.for %scan3A_28 = %scan3A_23 to %scan3A_25 step %scan3A_26  : i32 {
        %mul3A_29 = arith.constant 1 : i32
        %mul3A_30 = arith.muli %scan3A_28, %mul3A_29 : i32
        %add3A_31 = arith.constant 0 : i32
        %add3A_32 = arith.addi %add3A_31, %mul3A_30 : i32
        %get3A = arith.index_cast %add3A_32 : i32 to index
        %get3A_33 = arith.constant 0 : index
        %get3A_34 = tpu.vector_load %arg4[%get3A, %get3A_33] {strides = array<i32>} : memref<16x128xi32, #tpu.memory_space<vmem>>, vector<16xi32>,
        tpu.vector_store_idx %arg5[%get3A_34], %broadcast_in_dim3A_1 {add = true} : memref<10240xf32, #tpu.memory_space<vmem>>[vector<16xi32>], vector<16xf32>,
        %get3A_35 = arith.index_cast %add3A_32 : i32 to index
        %get3A_36 = arith.constant 16 : index
        %get3A_37 = tpu.vector_load %arg4[%get3A_35, %get3A_36] {strides = array<i32>} : memref<16x128xi32, #tpu.memory_space<vmem>>, vector<16xi32>,
        tpu.vector_store_idx %arg5[%get3A_37], %broadcast_in_dim3A_1 {add = true} : memref<10240xf32, #tpu.memory_space<vmem>>[vector<16xi32>], vector<16xf32>,
        %get3A_38 = arith.index_cast %add3A_32 : i32 to index
        %get3A_39 = arith.constant 32 : index
        %get3A_40 = tpu.vector_load %arg4[%get3A_38, %get3A_39] {strides = array<i32>} : memref<16x128xi32, #tpu.memory_space<vmem>>, vector<16xi32>,
        tpu.vector_store_idx %arg5[%get3A_40], %broadcast_in_dim3A_1 {add = true} : memref<10240xf32, #tpu.memory_space<vmem>>[vector<16xi32>], vector<16xf32>,
        %get3A_41 = arith.index_cast %add3A_32 : i32 to index
        %get3A_42 = arith.constant 48 : index
        %get3A_43 = tpu.vector_load %arg4[%get3A_41, %get3A_42] {strides = array<i32>} : memref<16x128xi32, #tpu.memory_space<vmem>>, vector<16xi32>,
        tpu.vector_store_idx %arg5[%get3A_43], %broadcast_in_dim3A_1 {add = true} : memref<10240xf32, #tpu.memory_space<vmem>>[vector<16xi32>], vector<16xf32>,
        %get3A_44 = arith.index_cast %add3A_32 : i32 to index
        %get3A_45 = arith.constant 64 : index
        %get3A_46 = tpu.vector_load %arg4[%get3A_44, %get3A_45] {strides = array<i32>} : memref<16x128xi32, #tpu.memory_space<vmem>>, vector<16xi32>,
        tpu.vector_store_idx %arg5[%get3A_46], %broadcast_in_dim3A_1 {add = true} : memref<10240xf32, #tpu.memory_space<vmem>>[vector<16xi32>], vector<16xf32>,
        %get3A_47 = arith.index_cast %add3A_32 : i32 to index
        %get3A_48 = arith.constant 80 : index
        %get3A_49 = tpu.vector_load %arg4[%get3A_47, %get3A_48] {strides = array<i32>} : memref<16x128xi32, #tpu.memory_space<vmem>>, vector<16xi32>,
        tpu.vector_store_idx %arg5[%get3A_49], %broadcast_in_dim3A_1 {add = true} : memref<10240xf32, #tpu.memory_space<vmem>>[vector<16xi32>], vector<16xf32>,
        %get3A_50 = arith.index_cast %add3A_32 : i32 to index
        %get3A_51 = arith.constant 96 : index
        %get3A_52 = tpu.vector_load %arg4[%get3A_50, %get3A_51] {strides = array<i32>} : memref<16x128xi32, #tpu.memory_space<vmem>>, vector<16xi32>,
        tpu.vector_store_idx %arg5[%get3A_52], %broadcast_in_dim3A_1 {add = true} : memref<10240xf32, #tpu.memory_space<vmem>>[vector<16xi32>], vector<16xf32>,
        %get3A_53 = arith.index_cast %add3A_32 : i32 to index
        %get3A_54 = arith.constant 112 : index
        %get3A_55 = tpu.vector_load %arg4[%get3A_53, %get3A_54] {strides = array<i32>} : memref<16x128xi32, #tpu.memory_space<vmem>>, vector<16xi32>,
        tpu.vector_store_idx %arg5[%get3A_55], %broadcast_in_dim3A_1 {add = true} : memref<10240xf32, #tpu.memory_space<vmem>>[vector<16xi32>], vector<16xf32>,
      }
      %scan3A_27 = arith.constant 16 : i32
    }
    %scan3A_10 = arith.constant 5 : i32
    %mul3A_11 = arith.constant 10240 : i32
    %mul3A_12 = arith.muli %add3A, %mul3A_11 : i32
    "tpu.region"() ({
      %run_scoped3A = tpu.sem_alloc : memref<!tpu.dma_semaphore, #tpu.memory_space<semaphore_mem>>
      %dma_start3A = tpu.memref_slice %arg3[%mul3A_12] : memref<327680xf32, #tpu.memory_space<hbm>> -> memref<10240xf32, #tpu.memory_space<hbm>>
      %dma_start3A_13 = tpu.memref_slice %arg3[%mul3A_12] : memref<327680xf32, #tpu.memory_space<hbm>> -> memref<10240xf32, #tpu.memory_space<hbm>>
      tpu.enqueue_dma source(%arg5 : memref<10240xf32, #tpu.memory_space<vmem>>) target(%dma_start3A_13 : memref<10240xf32, #tpu.memory_space<hbm>>) target_semaphore(%run_scoped3A : memref<!tpu.dma_semaphore, #tpu.memory_space<semaphore_mem>>)
      %dma_wait3A = tpu.memref_slice %arg3[%mul3A_12] : memref<327680xf32, #tpu.memory_space<hbm>> -> memref<10240xf32, #tpu.memory_space<hbm>>
      %dma_wait3A_14 = tpu.memref_slice %arg3[%mul3A_12] : memref<327680xf32, #tpu.memory_space<hbm>> -> memref<10240xf32, #tpu.memory_space<hbm>>
      tpu.wait_dma2 semaphore(%run_scoped3A : memref<!tpu.dma_semaphore, #tpu.memory_space<semaphore_mem>>) src(%arg5 : memref<10240xf32, #tpu.memory_space<vmem>>) dst(%dma_wait3A_14 : memref<10240xf32, #tpu.memory_space<hbm>>)
      tpu.yield
    }) : () -> ()
    return
  }
}

module attributes {stable_mosaic.version = 14 : i64} {
  func.func @_tc1_body(%arg0: i32, %arg1: memref<1024x128xf32, #tpu.memory_space<vmem>>, %arg2: memref<128x16xf32, #tpu.memory_space<vmem>>, %arg3: memref<32x1024xf32, #tpu.memory_space<vmem>>, %arg4: memref<2x1024x8xf32, #tpu.memory_space<vmem>>, %arg5: memref<1024x1xf32, #tpu.memory_space<vmem>>) attributes {dimension_semantics = [#tpu.dimension_semantics<arbitrary>], iteration_bounds = array<i64: 10>, scalar_prefetch = 0 : i64, scratch_operands = 0 : i64, tpu.core_type = #tpu.core_type<tc>, window_params = [{transform_indices = @transform_0, window_bounds = array<i64: 1024, 128>}, {pipeline_mode = #tpu.pipeline_mode<synchronous>, transform_indices = @transform_1, window_bounds = array<i64: 128, 16>}, {transform_indices = @transform_2, window_bounds = array<i64: 32, 1024>}, {transform_indices = @transform_3, window_bounds = array<i64: 2, 1024, 8>}, {transform_indices = @transform_4, window_bounds = array<i64: 1024, 1>}]} {
    %get3A = arith.constant 0 : index
    %get3A_0 = arith.constant 0 : index
    %get3A_1 = vector.load %arg3[%get3A, %get3A_0] : memref<32x1024xf32, #tpu.memory_space<vmem>>, vector<32x1024xf32>
    %reduce_sum3A = arith.constant dense<0.000000e+00> : vector<1024xf32>
    %reduce_sum3A_2 = vector.multi_reduction <add>, %get3A_1, %reduce_sum3A [0] : vector<32x1024xf32> to vector<1024xf32>
    %broadcast_in_dim3A = vector.shape_cast %reduce_sum3A_2 : vector<1024xf32> to vector<1x1024xf32>
    %add3A = arith.constant 1.000000e+00 : f32
    %add3A_3 = vector.broadcast %add3A : f32 to vector<1x1024xf32>
    %add3A_4 = arith.addf %broadcast_in_dim3A, %add3A_3 : vector<1x1024xf32>
    %sqrt3A = math.sqrt %add3A_4 : vector<1x1024xf32>
    %div3A = arith.constant 1.000000e+00 : f32
    %div3A_5 = vector.broadcast %div3A : f32 to vector<1x1024xf32>
    %div3A_6 = arith.divf %div3A_5, %sqrt3A : vector<1x1024xf32>
    %transpose3A = tpu.transpose %div3A_6, [1, 0] : vector<1x1024xf32> -> vector<1024x1xf32>
    %get3A_7 = arith.constant 0 : index
    %get3A_8 = arith.constant 0 : index
    %get3A_9 = vector.load %arg1[%get3A_7, %get3A_8] : memref<1024x128xf32, #tpu.memory_space<vmem>>, vector<1024x128xf32>
    %get3A_10 = arith.constant 0 : index
    %get3A_11 = arith.constant 0 : index
    %get3A_12 = vector.load %arg2[%get3A_10, %get3A_11] : memref<128x16xf32, #tpu.memory_space<vmem>>, vector<128x16xf32>
    %dot_general3A = arith.constant dense<0.000000e+00> : vector<1024x16xf32>
    %dot_general3A_13 = tpu.matmul %get3A_9, %get3A_12, %dot_general3A {dimension_numbers = #tpu.dot_dimension_numbers<[1], [0], [0], [1], [0, 0, 1, 1], [], []>, precision = #tpu.contract_precision<fp32>, transpose_lhs_hint = false} : vector<1024x128xf32>, vector<128x16xf32>, vector<1024x16xf32> -> vector<1024x16xf32>
    %mul3A = vector.broadcast %transpose3A : vector<1024x1xf32> to vector<1024x16xf32>
    %mul3A_14 = arith.mulf %dot_general3A_13, %mul3A : vector<1024x16xf32>
    %slice3A = vector.extract_strided_slice %mul3A_14 {offsets = [0, 0], sizes = [1024, 8], strides = [1, 1]} : vector<1024x16xf32> to vector<1024x8xf32>
    %slice3A_15 = vector.extract_strided_slice %mul3A_14 {offsets = [0, 8], sizes = [1024, 8], strides = [1, 1]} : vector<1024x16xf32> to vector<1024x8xf32>
    %stack3A = vector.shape_cast %slice3A : vector<1024x8xf32> to vector<1x1024x8xf32>
    %stack3A_16 = vector.shape_cast %slice3A_15 : vector<1024x8xf32> to vector<1x1024x8xf32>
    %stack3A_17 = tpu.concatenate %stack3A, %stack3A_16 in 0 : vector<1x1024x8xf32>, vector<1x1024x8xf32> -> vector<2x1024x8xf32>
    %swap3A = arith.constant 0 : index
    %swap3A_18 = arith.constant 0 : index
    %swap3A_19 = arith.constant 0 : index
    %swap3A_20 = vector.load %arg4[%swap3A, %swap3A_18, %swap3A_19] : memref<2x1024x8xf32, #tpu.memory_space<vmem>>, vector<2x1024x8xf32>
    tpu.vector_store %arg4[%swap3A, %swap3A_18, %swap3A_19], %stack3A_17 {strides = array<i32>} : memref<2x1024x8xf32, #tpu.memory_space<vmem>>, vector<2x1024x8xf32>,
    %swap3A_21 = arith.constant 0 : index
    %swap3A_22 = arith.constant 0 : index
    %swap3A_23 = vector.load %arg5[%swap3A_21, %swap3A_22] : memref<1024x1xf32, #tpu.memory_space<vmem>>, vector<1024x1xf32>
    tpu.vector_store %arg5[%swap3A_21, %swap3A_22], %transpose3A {strides = array<i32>} : memref<1024x1xf32, #tpu.memory_space<vmem>>, vector<1024x1xf32>,
    return
  }
  func.func @transform_0(%arg0: i32) -> (i32, i32) {
    %c0_i32 = arith.constant 0 : i32
    %c0_i32_0 = arith.constant 0 : i32
    return %arg0, %c0_i32 : i32, i32
  }
  func.func @transform_1(%arg0: i32) -> (i32, i32) {
    %c0_i32 = arith.constant 0 : i32
    %c0_i32_0 = arith.constant 0 : i32
    %c0_i32_1 = arith.constant 0 : i32
    return %c0_i32, %c0_i32_0 : i32, i32
  }
  func.func @transform_2(%arg0: i32) -> (i32, i32) {
    %c0_i32 = arith.constant 0 : i32
    %c0_i32_0 = arith.constant 0 : i32
    return %c0_i32, %arg0 : i32, i32
  }
  func.func @transform_3(%arg0: i32) -> (i32, i32, i32) {
    %c0_i32 = arith.constant 0 : i32
    %c0_i32_0 = arith.constant 0 : i32
    %c0_i32_1 = arith.constant 0 : i32
    return %c0_i32, %arg0, %c0_i32_0 : i32, i32, i32
  }
  func.func @transform_4(%arg0: i32) -> (i32, i32) {
    %c0_i32 = arith.constant 0 : i32
    %c0_i32_0 = arith.constant 0 : i32
    return %arg0, %c0_i32 : i32, i32
  }
}

module attributes {stable_mosaic.version = 14 : i64} {
  func.func @_tc2_body(%arg0: i32, %arg1: memref<1x1x8x1280x8xf32, #tpu.memory_space<vmem>>, %arg2: memref<1x1x8x1280x8xf32, #tpu.memory_space<vmem>>, %arg3: memref<1x1280x8xf32, #tpu.memory_space<vmem>>, %arg4: memref<1x1280x8xf32, #tpu.memory_space<vmem>>, %arg5: memref<1280x1xf32, #tpu.memory_space<vmem>>, %arg6: memref<1x16xf32, #tpu.memory_space<vmem>>, %arg7: memref<1280x8xf32, #tpu.memory_space<vmem>>, %arg8: memref<1280x8xf32, #tpu.memory_space<vmem>>) attributes {dimension_semantics = [#tpu.dimension_semantics<arbitrary>], iteration_bounds = array<i64: 8>, scalar_prefetch = 0 : i64, scratch_operands = 0 : i64, tpu.core_type = #tpu.core_type<tc>, window_params = [{transform_indices = @transform_0, window_bounds = array<i64: 1, 1, 8, 1280, 8>}, {transform_indices = @transform_1, window_bounds = array<i64: 1, 1, 8, 1280, 8>}, {transform_indices = @transform_2, window_bounds = array<i64: 1, 1280, 8>}, {transform_indices = @transform_3, window_bounds = array<i64: 1, 1280, 8>}, {transform_indices = @transform_4, window_bounds = array<i64: 1280, 1>}, {pipeline_mode = #tpu.pipeline_mode<synchronous>, transform_indices = @transform_5, window_bounds = array<i64: 1, 16>}, {transform_indices = @transform_6, window_bounds = array<i64: 1280, 8>}, {transform_indices = @transform_7, window_bounds = array<i64: 1280, 8>}]} {
    %get3A = arith.constant 0 : index
    %get3A_0 = arith.constant 0 : index
    %get3A_1 = vector.load %arg5[%get3A, %get3A_0] : memref<1280x1xf32, #tpu.memory_space<vmem>>, vector<1280x1xf32>
    %get3A_2 = arith.constant 0 : index
    %get3A_3 = arith.constant 0 : index
    %get3A_4 = arith.constant 0 : index
    %get3A_5 = arith.constant 0 : index
    %get3A_6 = arith.constant 0 : index
    %get3A_7 = vector.load %arg1[%get3A_2, %get3A_3, %get3A_4, %get3A_5, %get3A_6] : memref<1x1x8x1280x8xf32, #tpu.memory_space<vmem>>, vector<1x1x8x1280x8xf32>
    %get3A_8 = vector.shape_cast %get3A_7 : vector<1x1x8x1280x8xf32> to vector<8x1280x8xf32>
    %reduce_sum3A = arith.constant dense<0.000000e+00> : vector<1280x8xf32>
    %reduce_sum3A_9 = vector.multi_reduction <add>, %get3A_8, %reduce_sum3A [0] : vector<8x1280x8xf32> to vector<1280x8xf32>
    %get3A_10 = arith.constant 0 : index
    %get3A_11 = arith.constant 0 : index
    %get3A_12 = arith.constant 0 : index
    %get3A_13 = vector.load %arg3[%get3A_10, %get3A_11, %get3A_12] : memref<1x1280x8xf32, #tpu.memory_space<vmem>>, vector<1x1280x8xf32>
    %get3A_14 = vector.shape_cast %get3A_13 : vector<1x1280x8xf32> to vector<1280x8xf32>
    %add3A = arith.addf %reduce_sum3A_9, %get3A_14 : vector<1280x8xf32>
    %mul3A = vector.broadcast %get3A_1 : vector<1280x1xf32> to vector<1280x8xf32>
    %mul3A_15 = arith.mulf %add3A, %mul3A : vector<1280x8xf32>
    %get3A_16 = arith.constant 0 : index
    %get3A_17 = arith.constant 0 : index
    %get3A_18 = vector.load %arg6[%get3A_16, %get3A_17] : memref<1x16xf32, #tpu.memory_space<vmem>>, vector<1x8xf32>
    %add3A_19 = vector.broadcast %get3A_18 : vector<1x8xf32> to vector<1280x8xf32>
    %add3A_20 = arith.addf %mul3A_15, %add3A_19 : vector<1280x8xf32>
    %max3A = arith.constant 0.000000e+00 : f32
    %max3A_21 = vector.broadcast %max3A : f32 to vector<1280x8xf32>
    %max3A_22 = arith.maximumf %add3A_20, %max3A_21 : vector<1280x8xf32>
    %mul3A_23 = vector.broadcast %get3A_1 : vector<1280x1xf32> to vector<1280x8xf32>
    %mul3A_24 = arith.mulf %max3A_22, %mul3A_23 : vector<1280x8xf32>
    %swap3A = arith.constant 0 : index
    %swap3A_25 = arith.constant 0 : index
    %swap3A_26 = vector.load %arg7[%swap3A, %swap3A_25] : memref<1280x8xf32, #tpu.memory_space<vmem>>, vector<1280x8xf32>
    tpu.vector_store %arg7[%swap3A, %swap3A_25], %mul3A_24 {strides = array<i32>} : memref<1280x8xf32, #tpu.memory_space<vmem>>, vector<1280x8xf32>,
    %get3A_27 = arith.constant 0 : index
    %get3A_28 = arith.constant 0 : index
    %get3A_29 = arith.constant 0 : index
    %get3A_30 = arith.constant 0 : index
    %get3A_31 = arith.constant 0 : index
    %get3A_32 = vector.load %arg2[%get3A_27, %get3A_28, %get3A_29, %get3A_30, %get3A_31] : memref<1x1x8x1280x8xf32, #tpu.memory_space<vmem>>, vector<1x1x8x1280x8xf32>
    %get3A_33 = vector.shape_cast %get3A_32 : vector<1x1x8x1280x8xf32> to vector<8x1280x8xf32>
    %reduce_sum3A_34 = arith.constant dense<0.000000e+00> : vector<1280x8xf32>
    %reduce_sum3A_35 = vector.multi_reduction <add>, %get3A_33, %reduce_sum3A_34 [0] : vector<8x1280x8xf32> to vector<1280x8xf32>
    %get3A_36 = arith.constant 0 : index
    %get3A_37 = arith.constant 0 : index
    %get3A_38 = arith.constant 0 : index
    %get3A_39 = vector.load %arg4[%get3A_36, %get3A_37, %get3A_38] : memref<1x1280x8xf32, #tpu.memory_space<vmem>>, vector<1x1280x8xf32>
    %get3A_40 = vector.shape_cast %get3A_39 : vector<1x1280x8xf32> to vector<1280x8xf32>
    %add3A_41 = arith.addf %reduce_sum3A_35, %get3A_40 : vector<1280x8xf32>
    %mul3A_42 = vector.broadcast %get3A_1 : vector<1280x1xf32> to vector<1280x8xf32>
    %mul3A_43 = arith.mulf %add3A_41, %mul3A_42 : vector<1280x8xf32>
    %get3A_44 = arith.constant 0 : index
    %get3A_45 = arith.constant 8 : index
    %get3A_46 = vector.load %arg6[%get3A_44, %get3A_45] : memref<1x16xf32, #tpu.memory_space<vmem>>, vector<1x8xf32>
    %add3A_47 = vector.broadcast %get3A_46 : vector<1x8xf32> to vector<1280x8xf32>
    %add3A_48 = arith.addf %mul3A_43, %add3A_47 : vector<1280x8xf32>
    %max3A_49 = arith.constant 0.000000e+00 : f32
    %max3A_50 = vector.broadcast %max3A_49 : f32 to vector<1280x8xf32>
    %max3A_51 = arith.maximumf %add3A_48, %max3A_50 : vector<1280x8xf32>
    %mul3A_52 = vector.broadcast %get3A_1 : vector<1280x1xf32> to vector<1280x8xf32>
    %mul3A_53 = arith.mulf %max3A_51, %mul3A_52 : vector<1280x8xf32>
    %swap3A_54 = arith.constant 0 : index
    %swap3A_55 = arith.constant 0 : index
    %swap3A_56 = vector.load %arg8[%swap3A_54, %swap3A_55] : memref<1280x8xf32, #tpu.memory_space<vmem>>, vector<1280x8xf32>
    tpu.vector_store %arg8[%swap3A_54, %swap3A_55], %mul3A_53 {strides = array<i32>} : memref<1280x8xf32, #tpu.memory_space<vmem>>, vector<1280x8xf32>,
    return
  }
  func.func @transform_0(%arg0: i32) -> (i32, i32, i32, i32, i32) {
    %jit3A = arith.constant 4 : i32
    %div3A = arith.divsi %arg0, %jit3A : i32
    %sign3A = arith.constant 0 : i32
    %sign3A_0 = arith.cmpi sgt, %arg0, %sign3A : i32
    %sign3A_1 = arith.extui %sign3A_0 : i1 to i32
    %sign3A_2 = arith.constant 0 : i32
    %sign3A_3 = arith.cmpi slt, %arg0, %sign3A_2 : i32
    %sign3A_4 = arith.extui %sign3A_3 : i1 to i32
    %sign3A_5 = arith.subi %sign3A_1, %sign3A_4 : i32
    %sign3A_6 = arith.constant 0 : i32
    %sign3A_7 = arith.cmpi sgt, %jit3A, %sign3A_6 : i32
    %sign3A_8 = arith.extui %sign3A_7 : i1 to i32
    %sign3A_9 = arith.constant 0 : i32
    %sign3A_10 = arith.cmpi slt, %jit3A, %sign3A_9 : i32
    %sign3A_11 = arith.extui %sign3A_10 : i1 to i32
    %sign3A_12 = arith.subi %sign3A_8, %sign3A_11 : i32
    %ne3A = arith.cmpi ne, %sign3A_5, %sign3A_12 : i32
    %rem3A = arith.remsi %arg0, %jit3A : i32
    %ne3A_13 = arith.constant 0 : i32
    %ne3A_14 = arith.cmpi ne, %rem3A, %ne3A_13 : i32
    %and3A = arith.andi %ne3A, %ne3A_14 : i1
    %sub3A = arith.constant 1 : i32
    %sub3A_15 = arith.subi %div3A, %sub3A : i32
    %select_n3A = arith.select %and3A, %sub3A_15, %div3A : i32
    %jit3A_16 = arith.constant 4 : i32
    %eq3A = arith.constant 0 : i32
    %eq3A_17 = arith.cmpi eq, %jit3A_16, %eq3A : i32
    %jit3A_18 = arith.constant 1 : i32
    %select_n3A_19 = arith.select %eq3A_17, %jit3A_18, %jit3A_16 : i32
    %rem3A_20 = arith.remsi %arg0, %select_n3A_19 : i32
    %ne3A_21 = arith.constant 0 : i32
    %ne3A_22 = arith.cmpi ne, %rem3A_20, %ne3A_21 : i32
    %lt3A = arith.constant 0 : i32
    %lt3A_23 = arith.cmpi slt, %rem3A_20, %lt3A : i32
    %lt3A_24 = arith.constant 0 : i32
    %lt3A_25 = arith.cmpi slt, %select_n3A_19, %lt3A_24 : i32
    %ne3A_26 = arith.xori %lt3A_23, %lt3A_25 : i1
    %and3A_27 = arith.andi %ne3A_26, %ne3A_22 : i1
    %add3A = arith.addi %rem3A_20, %select_n3A_19 : i32
    %select_n3A_28 = arith.select %and3A_27, %add3A, %rem3A_20 : i32
    %c0_i32 = arith.constant 0 : i32
    %c0_i32_29 = arith.constant 0 : i32
    %c0_i32_30 = arith.constant 0 : i32
    %c0_i32_31 = arith.constant 0 : i32
    return %select_n3A, %c0_i32, %c0_i32_29, %select_n3A_28, %c0_i32_30 : i32, i32, i32, i32, i32
  }
  func.func @transform_1(%arg0: i32) -> (i32, i32, i32, i32, i32) {
    %jit3A = arith.constant 4 : i32
    %div3A = arith.divsi %arg0, %jit3A : i32
    %sign3A = arith.constant 0 : i32
    %sign3A_0 = arith.cmpi sgt, %arg0, %sign3A : i32
    %sign3A_1 = arith.extui %sign3A_0 : i1 to i32
    %sign3A_2 = arith.constant 0 : i32
    %sign3A_3 = arith.cmpi slt, %arg0, %sign3A_2 : i32
    %sign3A_4 = arith.extui %sign3A_3 : i1 to i32
    %sign3A_5 = arith.subi %sign3A_1, %sign3A_4 : i32
    %sign3A_6 = arith.constant 0 : i32
    %sign3A_7 = arith.cmpi sgt, %jit3A, %sign3A_6 : i32
    %sign3A_8 = arith.extui %sign3A_7 : i1 to i32
    %sign3A_9 = arith.constant 0 : i32
    %sign3A_10 = arith.cmpi slt, %jit3A, %sign3A_9 : i32
    %sign3A_11 = arith.extui %sign3A_10 : i1 to i32
    %sign3A_12 = arith.subi %sign3A_8, %sign3A_11 : i32
    %ne3A = arith.cmpi ne, %sign3A_5, %sign3A_12 : i32
    %rem3A = arith.remsi %arg0, %jit3A : i32
    %ne3A_13 = arith.constant 0 : i32
    %ne3A_14 = arith.cmpi ne, %rem3A, %ne3A_13 : i32
    %and3A = arith.andi %ne3A, %ne3A_14 : i1
    %sub3A = arith.constant 1 : i32
    %sub3A_15 = arith.subi %div3A, %sub3A : i32
    %select_n3A = arith.select %and3A, %sub3A_15, %div3A : i32
    %jit3A_16 = arith.constant 4 : i32
    %eq3A = arith.constant 0 : i32
    %eq3A_17 = arith.cmpi eq, %jit3A_16, %eq3A : i32
    %jit3A_18 = arith.constant 1 : i32
    %select_n3A_19 = arith.select %eq3A_17, %jit3A_18, %jit3A_16 : i32
    %rem3A_20 = arith.remsi %arg0, %select_n3A_19 : i32
    %ne3A_21 = arith.constant 0 : i32
    %ne3A_22 = arith.cmpi ne, %rem3A_20, %ne3A_21 : i32
    %lt3A = arith.constant 0 : i32
    %lt3A_23 = arith.cmpi slt, %rem3A_20, %lt3A : i32
    %lt3A_24 = arith.constant 0 : i32
    %lt3A_25 = arith.cmpi slt, %select_n3A_19, %lt3A_24 : i32
    %ne3A_26 = arith.xori %lt3A_23, %lt3A_25 : i1
    %and3A_27 = arith.andi %ne3A_26, %ne3A_22 : i1
    %add3A = arith.addi %rem3A_20, %select_n3A_19 : i32
    %select_n3A_28 = arith.select %and3A_27, %add3A, %rem3A_20 : i32
    %c1_i32 = arith.constant 1 : i32
    %c0_i32 = arith.constant 0 : i32
    %c0_i32_29 = arith.constant 0 : i32
    %c0_i32_30 = arith.constant 0 : i32
    return %select_n3A, %c1_i32, %c0_i32, %select_n3A_28, %c0_i32_29 : i32, i32, i32, i32, i32
  }
  func.func @transform_2(%arg0: i32) -> (i32, i32, i32) {
    %c0_i32 = arith.constant 0 : i32
    %c0_i32_0 = arith.constant 0 : i32
    %c0_i32_1 = arith.constant 0 : i32
    return %c0_i32, %arg0, %c0_i32_0 : i32, i32, i32
  }
  func.func @transform_3(%arg0: i32) -> (i32, i32, i32) {
    %c1_i32 = arith.constant 1 : i32
    %c0_i32 = arith.constant 0 : i32
    %c0_i32_0 = arith.constant 0 : i32
    return %c1_i32, %arg0, %c0_i32 : i32, i32, i32
  }
  func.func @transform_4(%arg0: i32) -> (i32, i32) {
    %c0_i32 = arith.constant 0 : i32
    %c0_i32_0 = arith.constant 0 : i32
    return %arg0, %c0_i32 : i32, i32
  }
  func.func @transform_5(%arg0: i32) -> (i32, i32) {
    %c0_i32 = arith.constant 0 : i32
    %c0_i32_0 = arith.constant 0 : i32
    %c0_i32_1 = arith.constant 0 : i32
    return %c0_i32, %c0_i32_0 : i32, i32
  }
  func.func @transform_6(%arg0: i32) -> (i32, i32) {
    %c0_i32 = arith.constant 0 : i32
    %c0_i32_0 = arith.constant 0 : i32
    return %arg0, %c0_i32 : i32, i32
  }
  func.func @transform_7(%arg0: i32) -> (i32, i32) {
    %c0_i32 = arith.constant 0 : i32
    %c0_i32_0 = arith.constant 0 : i32
    return %arg0, %c0_i32 : i32, i32
  }
}

module attributes {stable_mosaic.version = 14 : i64} {
  func.func @_tc3_body(%arg0: i32, %arg1: memref<1x1x8x1280x8xf32, #tpu.memory_space<vmem>>, %arg2: memref<1x1x8x1280x8xf32, #tpu.memory_space<vmem>>, %arg3: memref<1x1280x8xf32, #tpu.memory_space<vmem>>, %arg4: memref<1x1280x8xf32, #tpu.memory_space<vmem>>, %arg5: memref<1280x1xf32, #tpu.memory_space<vmem>>, %arg6: memref<8x2xf32, #tpu.memory_space<vmem>>, %arg7: memref<8x2xf32, #tpu.memory_space<vmem>>, %arg8: memref<1x2xf32, #tpu.memory_space<vmem>>, %arg9: memref<1280x2xf32, #tpu.memory_space<vmem>>) attributes {dimension_semantics = [#tpu.dimension_semantics<arbitrary>], iteration_bounds = array<i64: 8>, scalar_prefetch = 0 : i64, scratch_operands = 0 : i64, tpu.core_type = #tpu.core_type<tc>, window_params = [{transform_indices = @transform_0, window_bounds = array<i64: 1, 1, 8, 1280, 8>}, {transform_indices = @transform_1, window_bounds = array<i64: 1, 1, 8, 1280, 8>}, {transform_indices = @transform_2, window_bounds = array<i64: 1, 1280, 8>}, {transform_indices = @transform_3, window_bounds = array<i64: 1, 1280, 8>}, {transform_indices = @transform_4, window_bounds = array<i64: 1280, 1>}, {pipeline_mode = #tpu.pipeline_mode<synchronous>, transform_indices = @transform_5, window_bounds = array<i64: 8, 2>}, {pipeline_mode = #tpu.pipeline_mode<synchronous>, transform_indices = @transform_6, window_bounds = array<i64: 8, 2>}, {pipeline_mode = #tpu.pipeline_mode<synchronous>, transform_indices = @transform_7, window_bounds = array<i64: 1, 2>}, {transform_indices = @transform_8, window_bounds = array<i64: 1280, 2>}]} {
    %get3A = arith.constant 0 : index
    %get3A_0 = arith.constant 0 : index
    %get3A_1 = arith.constant 0 : index
    %get3A_2 = arith.constant 0 : index
    %get3A_3 = arith.constant 0 : index
    %get3A_4 = vector.load %arg1[%get3A, %get3A_0, %get3A_1, %get3A_2, %get3A_3] : memref<1x1x8x1280x8xf32, #tpu.memory_space<vmem>>, vector<1x1x8x1280x8xf32>
    %get3A_5 = vector.shape_cast %get3A_4 : vector<1x1x8x1280x8xf32> to vector<8x1280x8xf32>
    %reduce_sum3A = arith.constant dense<0.000000e+00> : vector<1280x8xf32>
    %reduce_sum3A_6 = vector.multi_reduction <add>, %get3A_5, %reduce_sum3A [0] : vector<8x1280x8xf32> to vector<1280x8xf32>
    %get3A_7 = arith.constant 0 : index
    %get3A_8 = arith.constant 0 : index
    %get3A_9 = arith.constant 0 : index
    %get3A_10 = vector.load %arg3[%get3A_7, %get3A_8, %get3A_9] : memref<1x1280x8xf32, #tpu.memory_space<vmem>>, vector<1x1280x8xf32>
    %get3A_11 = vector.shape_cast %get3A_10 : vector<1x1280x8xf32> to vector<1280x8xf32>
    %add3A = arith.addf %reduce_sum3A_6, %get3A_11 : vector<1280x8xf32>
    %get3A_12 = arith.constant 0 : index
    %get3A_13 = arith.constant 0 : index
    %get3A_14 = vector.load %arg5[%get3A_12, %get3A_13] : memref<1280x1xf32, #tpu.memory_space<vmem>>, vector<1280x1xf32>
    %mul3A = vector.broadcast %get3A_14 : vector<1280x1xf32> to vector<1280x8xf32>
    %mul3A_15 = arith.mulf %add3A, %mul3A : vector<1280x8xf32>
    %get3A_16 = arith.constant 0 : index
    %get3A_17 = arith.constant 0 : index
    %get3A_18 = arith.constant 0 : index
    %get3A_19 = arith.constant 0 : index
    %get3A_20 = arith.constant 0 : index
    %get3A_21 = vector.load %arg2[%get3A_16, %get3A_17, %get3A_18, %get3A_19, %get3A_20] : memref<1x1x8x1280x8xf32, #tpu.memory_space<vmem>>, vector<1x1x8x1280x8xf32>
    %get3A_22 = vector.shape_cast %get3A_21 : vector<1x1x8x1280x8xf32> to vector<8x1280x8xf32>
    %reduce_sum3A_23 = arith.constant dense<0.000000e+00> : vector<1280x8xf32>
    %reduce_sum3A_24 = vector.multi_reduction <add>, %get3A_22, %reduce_sum3A_23 [0] : vector<8x1280x8xf32> to vector<1280x8xf32>
    %get3A_25 = arith.constant 0 : index
    %get3A_26 = arith.constant 0 : index
    %get3A_27 = arith.constant 0 : index
    %get3A_28 = vector.load %arg4[%get3A_25, %get3A_26, %get3A_27] : memref<1x1280x8xf32, #tpu.memory_space<vmem>>, vector<1x1280x8xf32>
    %get3A_29 = vector.shape_cast %get3A_28 : vector<1x1280x8xf32> to vector<1280x8xf32>
    %add3A_30 = arith.addf %reduce_sum3A_24, %get3A_29 : vector<1280x8xf32>
    %get3A_31 = arith.constant 0 : index
    %get3A_32 = arith.constant 0 : index
    %get3A_33 = vector.load %arg5[%get3A_31, %get3A_32] : memref<1280x1xf32, #tpu.memory_space<vmem>>, vector<1280x1xf32>
    %mul3A_34 = vector.broadcast %get3A_33 : vector<1280x1xf32> to vector<1280x8xf32>
    %mul3A_35 = arith.mulf %add3A_30, %mul3A_34 : vector<1280x8xf32>
    %get3A_36 = arith.constant 0 : index
    %get3A_37 = arith.constant 0 : index
    %get3A_38 = vector.load %arg6[%get3A_36, %get3A_37] : memref<8x2xf32, #tpu.memory_space<vmem>>, vector<8x2xf32>
    %dot_general3A = arith.constant dense<0.000000e+00> : vector<1280x2xf32>
    %dot_general3A_39 = tpu.matmul %mul3A_15, %get3A_38, %dot_general3A {dimension_numbers = #tpu.dot_dimension_numbers<[1], [0], [0], [1], [0, 0, 1, 1], [], []>, precision = #tpu.contract_precision<fp32>, transpose_lhs_hint = false} : vector<1280x8xf32>, vector<8x2xf32>, vector<1280x2xf32> -> vector<1280x2xf32>
    %get3A_40 = arith.constant 0 : index
    %get3A_41 = arith.constant 0 : index
    %get3A_42 = vector.load %arg7[%get3A_40, %get3A_41] : memref<8x2xf32, #tpu.memory_space<vmem>>, vector<8x2xf32>
    %dot_general3A_43 = arith.constant dense<0.000000e+00> : vector<1280x2xf32>
    %dot_general3A_44 = tpu.matmul %mul3A_35, %get3A_42, %dot_general3A_43 {dimension_numbers = #tpu.dot_dimension_numbers<[1], [0], [0], [1], [0, 0, 1, 1], [], []>, precision = #tpu.contract_precision<fp32>, transpose_lhs_hint = false} : vector<1280x8xf32>, vector<8x2xf32>, vector<1280x2xf32> -> vector<1280x2xf32>
    %add3A_45 = arith.addf %dot_general3A_39, %dot_general3A_44 : vector<1280x2xf32>
    %get3A_46 = arith.constant 0 : index
    %get3A_47 = arith.constant 0 : index
    %get3A_48 = vector.load %arg8[%get3A_46, %get3A_47] : memref<1x2xf32, #tpu.memory_space<vmem>>, vector<1x2xf32>
    %add3A_49 = vector.broadcast %get3A_48 : vector<1x2xf32> to vector<1280x2xf32>
    %add3A_50 = arith.addf %add3A_45, %add3A_49 : vector<1280x2xf32>
    %reduce_max3A = arith.constant dense<0xFF800000> : vector<1280xf32>
    %reduce_max3A_51 = vector.multi_reduction <maximumf>, %add3A_50, %reduce_max3A [1] : vector<1280x2xf32> to vector<1280xf32>
    %broadcast_in_dim3A = vector.shape_cast %reduce_max3A_51 : vector<1280xf32> to vector<1280x1xf32>
    %sub3A = vector.broadcast %broadcast_in_dim3A : vector<1280x1xf32> to vector<1280x2xf32>
    %sub3A_52 = arith.subf %add3A_50, %sub3A : vector<1280x2xf32>
    %exp3A = math.exp %sub3A_52 : vector<1280x2xf32>
    %reduce_sum3A_53 = arith.constant dense<0.000000e+00> : vector<1280xf32>
    %reduce_sum3A_54 = vector.multi_reduction <add>, %exp3A, %reduce_sum3A_53 [1] : vector<1280x2xf32> to vector<1280xf32>
    %broadcast_in_dim3A_55 = vector.shape_cast %reduce_sum3A_54 : vector<1280xf32> to vector<1280x1xf32>
    %log3A = math.log %broadcast_in_dim3A_55 : vector<1280x1xf32>
    %sub3A_56 = vector.broadcast %log3A : vector<1280x1xf32> to vector<1280x2xf32>
    %sub3A_57 = arith.subf %sub3A_52, %sub3A_56 : vector<1280x2xf32>
    %swap3A = arith.constant 0 : index
    %swap3A_58 = arith.constant 0 : index
    %swap3A_59 = vector.load %arg9[%swap3A, %swap3A_58] : memref<1280x2xf32, #tpu.memory_space<vmem>>, vector<1280x2xf32>
    tpu.vector_store %arg9[%swap3A, %swap3A_58], %sub3A_57 {strides = array<i32>} : memref<1280x2xf32, #tpu.memory_space<vmem>>, vector<1280x2xf32>,
    return
  }
  func.func @transform_0(%arg0: i32) -> (i32, i32, i32, i32, i32) {
    %jit3A = arith.constant 4 : i32
    %div3A = arith.divsi %arg0, %jit3A : i32
    %sign3A = arith.constant 0 : i32
    %sign3A_0 = arith.cmpi sgt, %arg0, %sign3A : i32
    %sign3A_1 = arith.extui %sign3A_0 : i1 to i32
    %sign3A_2 = arith.constant 0 : i32
    %sign3A_3 = arith.cmpi slt, %arg0, %sign3A_2 : i32
    %sign3A_4 = arith.extui %sign3A_3 : i1 to i32
    %sign3A_5 = arith.subi %sign3A_1, %sign3A_4 : i32
    %sign3A_6 = arith.constant 0 : i32
    %sign3A_7 = arith.cmpi sgt, %jit3A, %sign3A_6 : i32
    %sign3A_8 = arith.extui %sign3A_7 : i1 to i32
    %sign3A_9 = arith.constant 0 : i32
    %sign3A_10 = arith.cmpi slt, %jit3A, %sign3A_9 : i32
    %sign3A_11 = arith.extui %sign3A_10 : i1 to i32
    %sign3A_12 = arith.subi %sign3A_8, %sign3A_11 : i32
    %ne3A = arith.cmpi ne, %sign3A_5, %sign3A_12 : i32
    %rem3A = arith.remsi %arg0, %jit3A : i32
    %ne3A_13 = arith.constant 0 : i32
    %ne3A_14 = arith.cmpi ne, %rem3A, %ne3A_13 : i32
    %and3A = arith.andi %ne3A, %ne3A_14 : i1
    %sub3A = arith.constant 1 : i32
    %sub3A_15 = arith.subi %div3A, %sub3A : i32
    %select_n3A = arith.select %and3A, %sub3A_15, %div3A : i32
    %jit3A_16 = arith.constant 4 : i32
    %eq3A = arith.constant 0 : i32
    %eq3A_17 = arith.cmpi eq, %jit3A_16, %eq3A : i32
    %jit3A_18 = arith.constant 1 : i32
    %select_n3A_19 = arith.select %eq3A_17, %jit3A_18, %jit3A_16 : i32
    %rem3A_20 = arith.remsi %arg0, %select_n3A_19 : i32
    %ne3A_21 = arith.constant 0 : i32
    %ne3A_22 = arith.cmpi ne, %rem3A_20, %ne3A_21 : i32
    %lt3A = arith.constant 0 : i32
    %lt3A_23 = arith.cmpi slt, %rem3A_20, %lt3A : i32
    %lt3A_24 = arith.constant 0 : i32
    %lt3A_25 = arith.cmpi slt, %select_n3A_19, %lt3A_24 : i32
    %ne3A_26 = arith.xori %lt3A_23, %lt3A_25 : i1
    %and3A_27 = arith.andi %ne3A_26, %ne3A_22 : i1
    %add3A = arith.addi %rem3A_20, %select_n3A_19 : i32
    %select_n3A_28 = arith.select %and3A_27, %add3A, %rem3A_20 : i32
    %c0_i32 = arith.constant 0 : i32
    %c0_i32_29 = arith.constant 0 : i32
    %c0_i32_30 = arith.constant 0 : i32
    %c0_i32_31 = arith.constant 0 : i32
    return %select_n3A, %c0_i32, %c0_i32_29, %select_n3A_28, %c0_i32_30 : i32, i32, i32, i32, i32
  }
  func.func @transform_1(%arg0: i32) -> (i32, i32, i32, i32, i32) {
    %jit3A = arith.constant 4 : i32
    %div3A = arith.divsi %arg0, %jit3A : i32
    %sign3A = arith.constant 0 : i32
    %sign3A_0 = arith.cmpi sgt, %arg0, %sign3A : i32
    %sign3A_1 = arith.extui %sign3A_0 : i1 to i32
    %sign3A_2 = arith.constant 0 : i32
    %sign3A_3 = arith.cmpi slt, %arg0, %sign3A_2 : i32
    %sign3A_4 = arith.extui %sign3A_3 : i1 to i32
    %sign3A_5 = arith.subi %sign3A_1, %sign3A_4 : i32
    %sign3A_6 = arith.constant 0 : i32
    %sign3A_7 = arith.cmpi sgt, %jit3A, %sign3A_6 : i32
    %sign3A_8 = arith.extui %sign3A_7 : i1 to i32
    %sign3A_9 = arith.constant 0 : i32
    %sign3A_10 = arith.cmpi slt, %jit3A, %sign3A_9 : i32
    %sign3A_11 = arith.extui %sign3A_10 : i1 to i32
    %sign3A_12 = arith.subi %sign3A_8, %sign3A_11 : i32
    %ne3A = arith.cmpi ne, %sign3A_5, %sign3A_12 : i32
    %rem3A = arith.remsi %arg0, %jit3A : i32
    %ne3A_13 = arith.constant 0 : i32
    %ne3A_14 = arith.cmpi ne, %rem3A, %ne3A_13 : i32
    %and3A = arith.andi %ne3A, %ne3A_14 : i1
    %sub3A = arith.constant 1 : i32
    %sub3A_15 = arith.subi %div3A, %sub3A : i32
    %select_n3A = arith.select %and3A, %sub3A_15, %div3A : i32
    %jit3A_16 = arith.constant 4 : i32
    %eq3A = arith.constant 0 : i32
    %eq3A_17 = arith.cmpi eq, %jit3A_16, %eq3A : i32
    %jit3A_18 = arith.constant 1 : i32
    %select_n3A_19 = arith.select %eq3A_17, %jit3A_18, %jit3A_16 : i32
    %rem3A_20 = arith.remsi %arg0, %select_n3A_19 : i32
    %ne3A_21 = arith.constant 0 : i32
    %ne3A_22 = arith.cmpi ne, %rem3A_20, %ne3A_21 : i32
    %lt3A = arith.constant 0 : i32
    %lt3A_23 = arith.cmpi slt, %rem3A_20, %lt3A : i32
    %lt3A_24 = arith.constant 0 : i32
    %lt3A_25 = arith.cmpi slt, %select_n3A_19, %lt3A_24 : i32
    %ne3A_26 = arith.xori %lt3A_23, %lt3A_25 : i1
    %and3A_27 = arith.andi %ne3A_26, %ne3A_22 : i1
    %add3A = arith.addi %rem3A_20, %select_n3A_19 : i32
    %select_n3A_28 = arith.select %and3A_27, %add3A, %rem3A_20 : i32
    %c1_i32 = arith.constant 1 : i32
    %c0_i32 = arith.constant 0 : i32
    %c0_i32_29 = arith.constant 0 : i32
    %c0_i32_30 = arith.constant 0 : i32
    return %select_n3A, %c1_i32, %c0_i32, %select_n3A_28, %c0_i32_29 : i32, i32, i32, i32, i32
  }
  func.func @transform_2(%arg0: i32) -> (i32, i32, i32) {
    %c0_i32 = arith.constant 0 : i32
    %c0_i32_0 = arith.constant 0 : i32
    %c0_i32_1 = arith.constant 0 : i32
    return %c0_i32, %arg0, %c0_i32_0 : i32, i32, i32
  }
  func.func @transform_3(%arg0: i32) -> (i32, i32, i32) {
    %c1_i32 = arith.constant 1 : i32
    %c0_i32 = arith.constant 0 : i32
    %c0_i32_0 = arith.constant 0 : i32
    return %c1_i32, %arg0, %c0_i32 : i32, i32, i32
  }
  func.func @transform_4(%arg0: i32) -> (i32, i32) {
    %c0_i32 = arith.constant 0 : i32
    %c0_i32_0 = arith.constant 0 : i32
    return %arg0, %c0_i32 : i32, i32
  }
  func.func @transform_5(%arg0: i32) -> (i32, i32) {
    %c0_i32 = arith.constant 0 : i32
    %c0_i32_0 = arith.constant 0 : i32
    %c0_i32_1 = arith.constant 0 : i32
    return %c0_i32, %c0_i32_0 : i32, i32
  }
  func.func @transform_6(%arg0: i32) -> (i32, i32) {
    %c0_i32 = arith.constant 0 : i32
    %c0_i32_0 = arith.constant 0 : i32
    %c0_i32_1 = arith.constant 0 : i32
    return %c0_i32, %c0_i32_0 : i32, i32
  }
  func.func @transform_7(%arg0: i32) -> (i32, i32) {
    %c0_i32 = arith.constant 0 : i32
    %c0_i32_0 = arith.constant 0 : i32
    %c0_i32_1 = arith.constant 0 : i32
    return %c0_i32, %c0_i32_0 : i32, i32
  }
  func.func @transform_8(%arg0: i32) -> (i32, i32) {
    %c0_i32 = arith.constant 0 : i32
    %c0_i32_0 = arith.constant 0 : i32
    return %arg0, %c0_i32 : i32, i32
  }
}

</mosaic_0001>

<sc_bundles>
// kernel: kernel.11.cloned.1.call-start
scs
__scs_entry_jumppad:
0x0: {  	(pc) =	sbr.rel $0x88, $3  }
0x1: {  	(tag) =	ssettag $0x0;
	lr =	simm.s32 $0x1  }
0x2: {  	[smem:$0x3F9B] =	sst lr;
	_ =	strace $0xD0000000  }
0x3: {  	_ = 	snop  }
0x4: {  	_ = 	snop  }
0x5: {  	_ = 	snop  }
0x6: {  	_ = 	snop  }
0x7: {  	_ = 	snop  }
__scs_overlays_trampoline_lowered:
0x8: {  	[smem:$0x3FAA] =	sst s0  }
0x9: {  	[smem:$0x3FAB] =	sst s1  }
0xa: {  	[smem:$0x3FAC] =	sst s2  }
0xb: {  	[smem:$0x3FAD] =	sst s3  }
0xc: {  	[smem:$0x3FAE] =	sst s4  }
0xd: {  	[smem:$0x3FAF] =	sst s5  }
0xe: {  	[smem:$0x3FB0] =	sst s6  }
0xf: {  	[smem:$0x3FB1] =	sst s7  }
0x10: {  	[smem:$0x3FB2] =	sst s8  }
0x11: {  	[smem:$0x3FB3] =	sst s9;
	s0 =	simm.s32 @!p0 $0x0  }
0x12: {  	s1 =	sld [smem:$0x3F99];
	s0 =	simm.s32 @p0 $0x1  }
0x13: {  	[smem:$0x3FB4] =	sst s0;
	s0 =	simm.s32 @!p1 $0x0  }
0x14: {  	s2 =	sld [smem:$0x3F98];
	s0 =	simm.s32 @p1 $0x1  }
0x15: {  	[smem:$0x3FB5] =	sst s0;
	s0 =	simm.s32 @!p2 $0x0  }
0x16: {  	s3 =	sld [smem:$0x3FDB];
	s0 =	simm.s32 @p2 $0x1  }
0x17: {  	s4 =	simm.s32 $0x1BF5;
	[smem:$0x3FB7] =	sst s0  }
0x18: {  	s0 =	sld [smem:$0x3F9A];
	_ =	swait.ge [sflag:s4], $0x0  }
0x19: {  	s7 =	sld [smem:$0x3F9B]  }
0x1a: {  	s8 =	sadd.s32 $0xFFFFE003, lr  }
0x1b: {  	s9 =	sadd.s32 $0xFFFFFEF7, lr;
	s5 =	simm.s32 $0xFFFFFFFF;
	p2 =	slt.u32 s8, $0xFFFFF086  }
0x1c: {  	p1 =	slt.u32 s9, $0xF7A;
	s5 =	simm.s32 @!p2 $0x0  }
0x1d: {  	s5 =	simm.s32 @p1 $0x1;
	p0 =	seq.s32 s7, s2  }
0x1e: {  	s7 =	smul.u32 @!p0 $0xF7A, s2;
	p2 =	seq.s32 @!p0 s5, $0x0  }
0x1f: {  	s9 =	smul.u32 $0xF7A, s1;
	s8 =	simm.s32 @!p0 $0x1BF5;
	p2 =	por !p2, p0  }
0x20: {  	[sflag:s8] =	ssyncset.s32 @!p0 $0xFFFFF086;
	s6 =	sadd.s32 @!p0 s3, s7;
	s7 =	simm.s32 @!p0 $0x108  }
0x21: {  	s3 =	sadd.s32 s3, s9;
	s6 =	sadd.s32 @!p0 $0x88, s6;
	s7 =	simm.s32 @p2 $0x1082  }
0x22: {  	[simem:s7], [sflag:s8] =	dma.local @!p0 [hbm:s6], $0xF7A  }
0x23: {  	s9 =	sor.u32 $0xD0000000, s2;
	s6 =	simm.s32 $0x108;
	_ =	swait.ge @!p0 [sflag:s8], $0x0  }
0x24: {  	s3 =	sadd.s32 $0x88, s3;
	s6 =	simm.s32 @!p1 $0x1082;
	[sflag:s4] =	ssyncset.s32 $0xFFFFF086  }
0x25: {  	[simem:s6], [sflag:s4] =	dma.local [hbm:s3], $0xF7A  }
0x26: {  	[smem:$0x3F9B] =	sst s1;
	(tag) =	ssettag s2;
	_ =	strace s9  }
0x27: {  	s1 =	sld [smem:$0x3FAB]  }
0x28: {  	s2 =	sld [smem:$0x3FAC]  }
0x29: {  	s4 =	sld [smem:$0x3FAE]  }
0x2a: {  	p0 =	seq.s32 s5, $0x0;
	s5 =	sld [smem:$0x3FAF]  }
0x2b: {  	s6 =	sld [smem:$0x3FB0]  }
0x2c: {  	s7 =	sld [smem:$0x3FB1]  }
0x2d: {  	s3 =	simm.s32 $0x108;
	s8 =	sld [smem:$0x3FB2]  }
0x2e: {  	s3 =	simm.s32 @!p0 $0x1082;
	s9 =	sld [smem:$0x3FB3]  }
0x2f: {  	lr =	sadd.s32 s0, s3;
	s0 =	sld [smem:$0x3FAA]  }
0x30: {  	s3 =	sld [smem:$0x3FAD]  }
0x31: {  	[smem:$0x3FB6] =	sst s10  }
0x32: {  	s10 =	sld [smem:$0x3FB4];
	_ =	sdelay $0x3  }
0x33: {  	p0 =	seq.s32 s10, $0x1;
	s10 =	sld [smem:$0x3FB6];
	_ =	sdelay $0x3  }
0x34: {  	[smem:$0x3FB6] =	sst s10  }
0x35: {  	s10 =	sld [smem:$0x3FB5];
	_ =	sdelay $0x3  }
0x36: {  	p1 =	seq.s32 s10, $0x1;
	s10 =	sld [smem:$0x3FB6];
	_ =	sdelay $0x3  }
0x37: {  	[smem:$0x3FB6] =	sst s10  }
0x38: {  	s10 =	sld [smem:$0x3FB7]  }
0x39: {  	_ = 	snop;
	(pc) =	sbr.ind lr, $3  }
0x3a: {  	_ = 	snop  }
0x3b: {  	_ = 	snop  }
0x3c: {  	p2 =	seq.s32 s10, $0x1;
	s10 =	sld [smem:$0x3FB6]  }
0x3d: {  	_ =	shalt  }
0x3e: {  	_ =	shalt  }
0x3f: {  	_ =	shalt  }
0x40: {  	_ =	shalt  }
0x41: {  	_ =	shalt  }
0x42: {  	_ =	shalt  }
0x43: {  	_ =	shalt  }
0x44: {  	_ =	shalt  }
0x45: {  	_ =	shalt  }
0x46: {  	_ =	shalt  }
0x47: {  	_ =	shalt  }
0x48: {  	_ =	shalt  }
0x49: {  	_ =	shalt  }
0x4a: {  	_ =	shalt  }
0x4b: {  	_ =	shalt  }
0x4c: {  	_ =	shalt  }
0x4d: {  	_ =	shalt  }
0x4e: {  	_ =	shalt  }
0x4f: {  	_ =	shalt  }
0x50: {  	_ =	shalt  }
0x51: {  	_ =	shalt  }
0x52: {  	_ =	shalt  }
0x53: {  	_ =	shalt  }
0x54: {  	_ =	shalt  }
0x55: {  	_ =	shalt  }
0x56: {  	_ =	shalt  }
0x57: {  	_ =	shalt  }
0x58: {  	_ =	shalt  }
0x59: {  	_ =	shalt  }
0x5a: {  	_ =	shalt  }
0x5b: {  	_ =	shalt  }
0x5c: {  	_ =	shalt  }
0x5d: {  	_ =	shalt  }
0x5e: {  	_ =	shalt  }
0x5f: {  	_ =	shalt  }
0x60: {  	_ =	shalt  }
0x61: {  	_ =	shalt  }
0x62: {  	_ =	shalt  }
0x63: {  	_ =	shalt  }
0x64: {  	_ =	shalt  }
0x65: {  	_ =	shalt  }
0x66: {  	_ =	shalt  }
0x67: {  	_ =	shalt  }
0x68: {  	_ =	shalt  }
0x69: {  	_ =	shalt  }
0x6a: {  	_ =	shalt  }
0x6b: {  	_ =	shalt  }
0x6c: {  	_ =	shalt  }
0x6d: {  	_ =	shalt  }
0x6e: {  	_ =	shalt  }
0x6f: {  	_ =	shalt  }
0x70: {  	_ =	shalt  }
0x71: {  	_ =	shalt  }
0x72: {  	_ =	shalt  }
0x73: {  	_ =	shalt  }
0x74: {  	_ =	shalt  }
0x75: {  	_ =	shalt  }
0x76: {  	_ =	shalt  }
0x77: {  	_ =	shalt  }
0x78: {  	_ =	shalt  }
0x79: {  	_ =	shalt  }
0x7a: {  	_ =	shalt  }
0x7b: {  	_ =	shalt  }
0x7c: {  	_ =	shalt  }
0x7d: {  	_ =	shalt  }
0x7e: {  	_ =	shalt  }
0x7f: {  	_ =	shalt  }
0x80: {  	_ =	shalt  }
0x81: {  	_ =	shalt  }
0x82: {  	_ =	shalt  }
0x83: {  	_ =	shalt  }
0x84: {  	_ =	shalt  }
0x85: {  	_ =	shalt  }
0x86: {  	_ =	shalt  }
0x87: {  	_ =	shalt  }
.Lfunc_end0:
.L_simem_size_0:
called_computation.1_lowered:
.L_overlay_start_0:
0x88: {  	s2 =	sld [smem:$0x3FD9]  }
0x89: {  	s3 =	sld [smem:$0x3FFE];
	_ =	sdelay $0x1  }
0x8a: {  	s1 =	srdreg.scid  }
0x8b: {  	s0 =	sand.u32 $0x1, s1  }
0x8c: {  	s16 =	sshll.u32 s0, $0xA;
	s2 =	sadd.s32 s3, s2  }
0x8d: {  	s2 =	sadd.s32 s2, s16  }
0x8e: {  	[smem:$0x3FC2] =	sst s2  }
0x8f: {  	_ = 	snop  }
0x90: {  	(tm) =	ssettm $0x1  }
0x91: {  	s17 =	sld [smem:$0x3FFB];
	_ =	sdelay $0x3  }
0x92: {  	_ =	strace s17  }
0x93: {  	s2 =	sld [smem:$0x3FFC];
	_ =	sdelay $0x3  }
0x94: {  	_ =	strace s2  }
0x95: {  	s2 =	sld [smem:$0x3FFD];
	_ =	sdelay $0x3  }
0x96: {  	_ =	strace s2  }
0x97: {  	_ =	strace $0x8FFFFFFF  }
0x98: {  	s18 =	sld [smem:$0x3FDB];
	_ =	sdelay $0x1  }
0x99: {  	s19 =	simm.s32 $_scs_section_size  }
0x9a: {  	s4 =	simm.s32 $_size__tile_overlayer_lowered;
	s5 =	simm.s32 $_tile_overlayer_lowered  }
0x9b: {  	s22 =	simm.s32 $0x1BFF;
	s21 =	sshll.u32 s5, $0x1;
	s2 =	sadd.s32 s19, s18  }
0x9c: {  	s6 =	simm.s32 $0x0;
	s20 =	sshll.u32 s4, $0x1;
	s4 =	sadd.s32 s21, s2  }
0x9d: {  	[timem:s6], [sflag:s22] =	dma.local [hbm:s4], s20  }
0x9e: {  	_ =	swait.ge [sflag:s22], s20  }
0x9f: {  	s3 =	ssub.s32 $0x0, s20;
	[sflag:s22] =	ssyncset.done $0x0  }
0xa0: {  	[sflag:s22] =	ssyncadd.s32 s3;
	_ =	sdelay $0x1  }
0xa1: {  	s23 =	simm.s32 $0x1B8B  }
0xa2: {  	_ =	swait.ge [sflag:s23], $0x1  }
0xa3: {  	[sflag:s23] =	ssyncset.done $0x0  }
0xa4: {  	s25 =	simm.s32 $0x1B8E;
	s24 =	sld [smem:$0x3FFE];
	[sflag:s23] =	ssyncadd.s32 $0xFFFFFFFF  }
0xa5: {  	s26 =	simm.s32 $execute0_lowered;
	[smem:$0x3FD2] =	sst s25  }
0xa6: {  	s4 =	sshll.u32 s26, $0x1;
	_ =	strace $0x80000049;
	[dreg:$0x1] =	wrdreg $0xFFFFFFFF  }
0xa7: {  	s28 =	simm.s32 $_size_execute0_lowered;
	s2 =	sadd.s32 s2, s4;
	[dreg:$0x0] =	wrdreg $0x0  }
0xa8: {  	s4 =	sshll.u32 s28, $0x1;
	[dreg:$0x2] =	wrdreg s2  }
0xa9: {  	[dreg:$0x3] =	wrdreg s4  }
0xaa: {  	[dreg:$0x4] =	wrdreg $0xC0  }
0xab: {  	_ =	task [dreg:s6], $0x5FFFF  }
0xac: {  	[dreg:$0x1] =	wrdreg $0xFFFFFFFF  }
0xad: {  	[dreg:$0x0] =	wrdreg $0x60  }
0xae: {  	[dreg:$0x2] =	wrdreg s24  }
0xaf: {  	[dreg:$0x3] =	wrdreg $0x9  }
0xb0: {  	_ =	task.clear_ibuf [dreg:s6], $0x4FFFF;
	_ =	strace $0x90000049  }
0xb1: {  	s29 =	simm.s32 $0x9;
	_ =	strace $0x8000004B  }
0xb2: {  	_ =	swait.ge [sflag:s29], $0x1  }
0xb3: {  	[sflag:s29] =	ssyncadd.s32 $0xFFFFFFFF  }
0xb4: {  	_ =	strace $0x9000004B  }
0xb5: {  	_ =	sfence  }
0xb6: {  	s30 =	sld [smem:$0x0];
	_ =	sdelay $0x2  }
0xb7: {  	s31 =	sshll.u32 s1, $0xD;
	s1 =	sshrl.u32 s1, $0x2  }
0xb8: {  	s3 =	sand.u32 $0x4000, s31;
	s1 =	sadd.s32 s1, s30  }
0xb9: {  	s0 =	sor.u32 s3, s0;
	s1 =	sshll.u32 s1, $0x11  }
0xba: {  	s0 =	sor.u32 s1, s0  }
0xbb: {  	s0 =	sadd.s32 $0x8F2B, s0  }
0xbc: {  	[sflag:s0] =	ssyncadd.remote.s32 $0x1  }
0xbd: {  	_ =	sfence.sel $0xFFFF  }
0xbe: {  	[dreg:$0x0] =	wrdreg $0xFFFFFFFF;
	(pc) =	sbr.abs _section_cstart, $3  }
0xbf: {  	[dreg:$0x1] =	wrdreg $0xFFFFFFFF  }
0xc0: {  	_ =	task.clear_ibuf [dreg:s6], $0x2FFFF;
	_ =	strace $0x9FFFFFFF  }
0xc1: {  	(tm) =	ssettm $0x7FFFFFFF  }
tec
execute0_lowered:
.L_overlay_start_1:
0x0: {  	(tag) =	ssettag $0x1  }
0x1: {  	s5 =	rddreg [dreg:$0x0];
	s1 =	stileid.u32  }
0x2: {  	s0 =	rddreg [dreg:$0x1];
	s4 =	srdreg.scid  }
0x3: {  	s2 =	simm.s32 $0x0;
	s14 =	simm.s32 $0x800;
	s15 =	simm.s32 $0x1000  }
0x4: {  	s16 =	simm.s32 $0x1800;
	s17 =	simm.s32 $0x1;
	s3 =	sshrl.u32 s1, $0x3  }
0x5: {  	s19 =	simm.s32 $0x2;
	s9 =	sand.u32 $0x7, s1;
	s3 =	smul.u32 $0x2800, s3  }
0x6: {  	s20 =	simm.s32 $0x0;
	s6 =	sand.u32 $0x1, s4;
	s11 =	smul.u32 $0xA00, s9  }
0x7: {  	[smem:$0x7FF] =	sst s2;
	s4 =	sshll.u32 s6, $0x4;
	s31 =	smul.u32 $0xA000, s9  }
0x8: {  	_ =	strace $0x8000004A;
	s10 =	ssub.s32 $0x2, s6;
	s18 =	smul.u32 $0xA000, s6  }
0x9: {  	s4 =	sor.u32 s1, s4;
	s30 =	sshrl.u32 s10, $0x1;
	s7 =	sadd.s32 s3, s5  }
0xa: {  	s3 =	sadd.s32 $0x66A00, s5;
	s8 =	smul.u32 $0x1400, s4;
	s4 =	sadd.s32 $0x16A00, s5  }
0xb: {  	s13 =	ssub.s32 s10, s30;
	s9 =	sor.u32 $0x20, s11;
	v0 =	vmov s18;
	s18 =	simm.s32 $0x15880  }
0xc: {  	s6 =	sadd.s32 s3, s31;
	s12 =	sadd.s32 s8, s5;
	s5 =	sadd.s32 $0x2A00, s7  }
0xd: {  	s7 =	sadd.s32 s4, s31;
	s8 =	sor.u32 $0x10, s11;
	s11 =	smax.u32 s13, $0x1  }
0xe: {  	v1 =	vimm.f32 $0.0e+00;
	s13 =	simm.s32 $0x3;
	s10 =	sadd.s32 $0x12EA00, s12;
	s12 =	simm.s32 $0x2000  }
.LBB2_1:
0xf: {  	s21 =	simm.s32 $0x158C0  }
0x10: {  	[tilespmem:s21+$0xFFFFFFC0] =	vst v1  }
0x11: {  	[tilespmem:s21+$0x30] =	vst v1  }
0x12: {  	[tilespmem:s21+$0x20] =	vst v1  }
0x13: {  	[tilespmem:s21+$0x10] =	vst v1  }
0x14: {  	[tilespmem:s21+$0x0] =	vst v1  }
0x15: {  	[tilespmem:s21+$0xFFFFFFF0] =	vst v1  }
0x16: {  	s22 =	simm.s32 $0x0;
	[tilespmem:s21+$0xFFFFFFE0] =	vst v1  }
.LBB2_2:
0x17: {  	s22 =	sadd.s32 $0x8, s22;
	[tilespmem:s21+$0xFFFFFFD0] =	vst v1;
	s21 =	sadd.s32 $0x80, s21  }
0x18: {  	[tilespmem:s21+$0xFFFFFFC0] =	vst v1;
	p0 =	slt.u32 s22, $0x9F8  }
0x19: {  	[tilespmem:s21+$0x30] =	vst v1  }
.Ltmp0:
0x1a: {  	[tilespmem:s21+$0x20] =	vst v1;
	(pc) =	sbr.rel @p0 .LBB2_2-.Ltmp0, $4  }
0x1b: {  	[tilespmem:s21+$0x10] =	vst v1  }
0x1c: {  	[tilespmem:s21+$0x0] =	vst v1  }
0x1d: {  	[tilespmem:s21+$0xFFFFFFF0] =	vst v1  }
0x1e: {  	[tilespmem:s21+$0xFFFFFFE0] =	vst v1  }
0x1f: {  	[tilespmem:s21+$0xFFFFFFD0] =	vst v1;
	s21 =	simm.s32 $0x0  }
0x20: {  	[tilespmem:s12], [sflag:$0x3] =	stream.linear.gather [hbm4b:s5+s21], $0x13880, $0x38;
	[tilespmem:$0x1F880] =	vst v63  }
0x21: {  	_ =	swait.ge [sflag:s13], $0x13880  }
0x22: {  	[sflag:s13] =	ssyncset.done $0x0  }
0x23: {  	[sflag:s13] =	ssyncadd.s32 $0xFFFEC780  }
0x24: {  	[tilespmem:s21], [sflag:$0x1] =	stream.linear.gather [hbm4b:s6+s21], $0x800, $0x38;
	[tilespmem:$0x1F880] =	vst v63  }
0x25: {  	s22 =	simm.s32 $0x0  }
0x26: {  	[tilespmem:s14], [sflag:$0x1] =	stream.linear.gather [hbm4b:s7+s21], $0x800, $0x38;
	[tilespmem:$0x1F880] =	vst v63  }
.LBB2_4:
0x27: {  	s23 =	sshll.u32 s22, $0x5  }
0x28: {  	s24 =	sadd.s32 s23, s8  }
0x29: {  	s24 =	sshll.u32 s24, $0x4  }
0x2a: {  	s25 =	sadd.s32 s3, s24  }
0x2b: {  	[tilespmem:s15], [sflag:$0x2] =	stream.linear.gather [hbm4b:s25+s21], $0x800, $0x38;
	[tilespmem:$0x1F880] =	vst v63  }
0x2c: {  	s24 =	sadd.s32 s4, s24  }
0x2d: {  	[tilespmem:s16], [sflag:$0x2] =	stream.linear.gather [hbm4b:s24+s21], $0x800, $0x38;
	[tilespmem:$0x1F880] =	vst v63  }
0x2e: {  	_ =	swait.ge [sflag:s17], $0x800  }
0x2f: {  	[sflag:s17] =	ssyncset.done $0x0  }
0x30: {  	[sflag:s17] =	ssyncadd.s32 $0xFFFFF800  }
0x31: {  	_ =	swait.ge [sflag:s17], $0x800  }
0x32: {  	[sflag:s17] =	ssyncset.done $0x0  }
0x33: {  	s24 =	simm.s32 $0x0;
	[sflag:s17] =	ssyncadd.s32 $0xFFFFF800  }
.LBB2_5:
0x34: {  	s25 =	sshra.s32 s24, $0x2  }
0x35: {  	v2 =	vld [tilespmem:s25+$0x0]  }
0x36: {  	v3 =	vld [tilespmem:s25+$0x800];
	_ =	sdelay $0x4  }
0x37: {  	v3 =	vsub.s32 v3, v0  }
0x38: {  	vm0 =	vlt.u32 v3, $0xA000  }
0x39: {  	v3 =	vnsel vm0, $0x0, v3;
	v2 =	vld.idx.msk [tilespmem:v2+s12+$0x0], $0xffff;
	_ =	sdelay $0x4  }
0x3a: {  	[tilespmem:v3+s18+$0x0] =	vst.idx.add.f32.msk vm0, v2  }
0x3b: {  	v2 =	vld [tilespmem:s25+$0x10]  }
0x3c: {  	v3 =	vld [tilespmem:s25+$0x810];
	_ =	sdelay $0x4  }
0x3d: {  	v3 =	vsub.s32 v3, v0  }
0x3e: {  	vm9 =	vlt.u32 v3, $0xA000  }
0x3f: {  	v3 =	vnsel vm9, $0x0, v3;
	v2 =	vld.idx.msk [tilespmem:v2+s12+$0x0], $0xffff;
	_ =	sdelay $0x4  }
0x40: {  	[tilespmem:v3+s18+$0x0] =	vst.idx.add.f32.msk vm9, v2  }
0x41: {  	v2 =	vld [tilespmem:s25+$0x20]  }
0x42: {  	v3 =	vld [tilespmem:s25+$0x820];
	_ =	sdelay $0x4  }
0x43: {  	v3 =	vsub.s32 v3, v0  }
0x44: {  	vm10 =	vlt.u32 v3, $0xA000  }
0x45: {  	v3 =	vnsel vm10, $0x0, v3;
	v2 =	vld.idx.msk [tilespmem:v2+s12+$0x0], $0xffff;
	_ =	sdelay $0x4  }
0x46: {  	[tilespmem:v3+s18+$0x0] =	vst.idx.add.f32.msk vm10, v2  }
0x47: {  	v2 =	vld [tilespmem:s25+$0x30]  }
0x48: {  	v3 =	vld [tilespmem:s25+$0x830];
	_ =	sdelay $0x4  }
0x49: {  	v3 =	vsub.s32 v3, v0  }
0x4a: {  	vm11 =	vlt.u32 v3, $0xA000  }
0x4b: {  	v3 =	vnsel vm11, $0x0, v3;
	v2 =	vld.idx.msk [tilespmem:v2+s12+$0x0], $0xffff;
	_ =	sdelay $0x4  }
0x4c: {  	[tilespmem:v3+s18+$0x0] =	vst.idx.add.f32.msk vm11, v2  }
0x4d: {  	v2 =	vld [tilespmem:s25+$0x40]  }
0x4e: {  	v3 =	vld [tilespmem:s25+$0x840];
	_ =	sdelay $0x4  }
0x4f: {  	v3 =	vsub.s32 v3, v0  }
0x50: {  	vm12 =	vlt.u32 v3, $0xA000  }
0x51: {  	v3 =	vnsel vm12, $0x0, v3;
	v2 =	vld.idx.msk [tilespmem:v2+s12+$0x0], $0xffff;
	_ =	sdelay $0x4  }
0x52: {  	[tilespmem:v3+s18+$0x0] =	vst.idx.add.f32.msk vm12, v2  }
0x53: {  	v2 =	vld [tilespmem:s25+$0x50]  }
0x54: {  	v3 =	vld [tilespmem:s25+$0x850];
	_ =	sdelay $0x4  }
0x55: {  	v3 =	vsub.s32 v3, v0  }
0x56: {  	vm13 =	vlt.u32 v3, $0xA000  }
0x57: {  	v3 =	vnsel vm13, $0x0, v3;
	v2 =	vld.idx.msk [tilespmem:v2+s12+$0x0], $0xffff;
	_ =	sdelay $0x4  }
0x58: {  	[tilespmem:v3+s18+$0x0] =	vst.idx.add.f32.msk vm13, v2  }
0x59: {  	v2 =	vld [tilespmem:s25+$0x60]  }
0x5a: {  	v3 =	vld [tilespmem:s25+$0x860];
	_ =	sdelay $0x4  }
0x5b: {  	v3 =	vsub.s32 v3, v0  }
0x5c: {  	vm14 =	vlt.u32 v3, $0xA000  }
0x5d: {  	v3 =	vnsel vm14, $0x0, v3;
	v2 =	vld.idx.msk [tilespmem:v2+s12+$0x0], $0xffff;
	_ =	sdelay $0x4  }
0x5e: {  	[tilespmem:v3+s18+$0x0] =	vst.idx.add.f32.msk vm14, v2  }
0x5f: {  	v2 =	vld [tilespmem:s25+$0x70]  }
0x60: {  	v3 =	vld [tilespmem:s25+$0x870];
	_ =	sdelay $0x4  }
0x61: {  	v3 =	vsub.s32 v3, v0  }
0x62: {  	vm15 =	vlt.u32 v3, $0xA000  }
0x63: {  	p0 =	sne.s32 s24, $0x1E00;
	v3 =	vnsel vm15, $0x0, v3;
	v2 =	vld.idx.msk [tilespmem:v2+s12+$0x0], $0xffff  }
.Ltmp1:
0x64: {  	_ = 	snop;
	(pc) =	sbr.rel @p0 .LBB2_5-.Ltmp1, $2  }
0x65: {  	_ =	sdelay $0x2  }
0x66: {  	s24 =	sadd.s32 $0x200, s24;
	[tilespmem:v3+s18+$0x0] =	vst.idx.add.f32.msk vm15, v2  }
0x67: {  	p0 =	seq.s32 s22, $0x4F  }
0x68: {  	s23 =	sadd.s32 @!p0 s23, s9  }
0x69: {  	s23 =	sshll.u32 @!p0 s23, $0x4  }
0x6a: {  	s25 =	simm.s32 @!p0 $0x0;
	s24 =	sadd.s32 @!p0 s3, s23  }
0x6b: {  	[tilespmem:s25], [sflag:$0x1] =	stream.linear.gather @!p0 [hbm4b:s24+s25], $0x800, $0x38;
	[tilespmem:$0x1F880] =	vst v63  }
0x6c: {  	s23 =	sadd.s32 @!p0 s4, s23;
	s24 =	simm.s32 @!p0 $0x800  }
0x6d: {  	[tilespmem:s24], [sflag:$0x1] =	stream.linear.gather @!p0 [hbm4b:s23+s25], $0x800, $0x38;
	[tilespmem:$0x1F880] =	vst v63  }
0x6e: {  	_ =	swait.ge [sflag:s19], $0x800  }
0x6f: {  	[sflag:s19] =	ssyncset.done $0x0  }
0x70: {  	[sflag:s19] =	ssyncadd.s32 $0xFFFFF800  }
0x71: {  	_ =	swait.ge [sflag:s19], $0x800  }
0x72: {  	[sflag:s19] =	ssyncset.done $0x0  }
0x73: {  	s23 =	simm.s32 $0x0;
	[sflag:s19] =	ssyncadd.s32 $0xFFFFF800  }
.LBB2_7:
0x74: {  	s24 =	sshra.s32 s23, $0x2  }
0x75: {  	v2 =	vld [tilespmem:s24+$0x1000]  }
0x76: {  	v3 =	vld [tilespmem:s24+$0x1800];
	_ =	sdelay $0x4  }
0x77: {  	v3 =	vsub.s32 v3, v0  }
0x78: {  	vm0 =	vlt.u32 v3, $0xA000  }
0x79: {  	v3 =	vnsel vm0, $0x0, v3;
	v2 =	vld.idx.msk [tilespmem:v2+s12+$0x0], $0xffff;
	_ =	sdelay $0x4  }
0x7a: {  	[tilespmem:v3+s18+$0x0] =	vst.idx.add.f32.msk vm0, v2  }
0x7b: {  	v2 =	vld [tilespmem:s24+$0x1010]  }
0x7c: {  	v3 =	vld [tilespmem:s24+$0x1810];
	_ =	sdelay $0x4  }
0x7d: {  	v3 =	vsub.s32 v3, v0  }
0x7e: {  	vm9 =	vlt.u32 v3, $0xA000  }
0x7f: {  	v3 =	vnsel vm9, $0x0, v3;
	v2 =	vld.idx.msk [tilespmem:v2+s12+$0x0], $0xffff;
	_ =	sdelay $0x4  }
0x80: {  	[tilespmem:v3+s18+$0x0] =	vst.idx.add.f32.msk vm9, v2  }
0x81: {  	v2 =	vld [tilespmem:s24+$0x1020]  }
0x82: {  	v3 =	vld [tilespmem:s24+$0x1820];
	_ =	sdelay $0x4  }
0x83: {  	v3 =	vsub.s32 v3, v0  }
0x84: {  	vm10 =	vlt.u32 v3, $0xA000  }
0x85: {  	v3 =	vnsel vm10, $0x0, v3;
	v2 =	vld.idx.msk [tilespmem:v2+s12+$0x0], $0xffff;
	_ =	sdelay $0x4  }
0x86: {  	[tilespmem:v3+s18+$0x0] =	vst.idx.add.f32.msk vm10, v2  }
0x87: {  	v2 =	vld [tilespmem:s24+$0x1030]  }
0x88: {  	v3 =	vld [tilespmem:s24+$0x1830];
	_ =	sdelay $0x4  }
0x89: {  	v3 =	vsub.s32 v3, v0  }
0x8a: {  	vm11 =	vlt.u32 v3, $0xA000  }
0x8b: {  	v3 =	vnsel vm11, $0x0, v3;
	v2 =	vld.idx.msk [tilespmem:v2+s12+$0x0], $0xffff;
	_ =	sdelay $0x4  }
0x8c: {  	[tilespmem:v3+s18+$0x0] =	vst.idx.add.f32.msk vm11, v2  }
0x8d: {  	v2 =	vld [tilespmem:s24+$0x1040]  }
0x8e: {  	v3 =	vld [tilespmem:s24+$0x1840];
	_ =	sdelay $0x4  }
0x8f: {  	v3 =	vsub.s32 v3, v0  }
0x90: {  	vm12 =	vlt.u32 v3, $0xA000  }
0x91: {  	v3 =	vnsel vm12, $0x0, v3;
	v2 =	vld.idx.msk [tilespmem:v2+s12+$0x0], $0xffff;
	_ =	sdelay $0x4  }
0x92: {  	[tilespmem:v3+s18+$0x0] =	vst.idx.add.f32.msk vm12, v2  }
0x93: {  	v2 =	vld [tilespmem:s24+$0x1050]  }
0x94: {  	v3 =	vld [tilespmem:s24+$0x1850];
	_ =	sdelay $0x4  }
0x95: {  	v3 =	vsub.s32 v3, v0  }
0x96: {  	vm13 =	vlt.u32 v3, $0xA000  }
0x97: {  	v3 =	vnsel vm13, $0x0, v3;
	v2 =	vld.idx.msk [tilespmem:v2+s12+$0x0], $0xffff;
	_ =	sdelay $0x4  }
0x98: {  	[tilespmem:v3+s18+$0x0] =	vst.idx.add.f32.msk vm13, v2  }
0x99: {  	v2 =	vld [tilespmem:s24+$0x1060]  }
0x9a: {  	v3 =	vld [tilespmem:s24+$0x1860];
	_ =	sdelay $0x4  }
0x9b: {  	v3 =	vsub.s32 v3, v0  }
0x9c: {  	vm14 =	vlt.u32 v3, $0xA000  }
0x9d: {  	v3 =	vnsel vm14, $0x0, v3;
	v2 =	vld.idx.msk [tilespmem:v2+s12+$0x0], $0xffff;
	_ =	sdelay $0x4  }
0x9e: {  	[tilespmem:v3+s18+$0x0] =	vst.idx.add.f32.msk vm14, v2  }
0x9f: {  	v2 =	vld [tilespmem:s24+$0x1070]  }
0xa0: {  	v3 =	vld [tilespmem:s24+$0x1870];
	_ =	sdelay $0x4  }
0xa1: {  	v3 =	vsub.s32 v3, v0  }
0xa2: {  	vm15 =	vlt.u32 v3, $0xA000  }
0xa3: {  	p0 =	sne.s32 s23, $0x1E00;
	v3 =	vnsel vm15, $0x0, v3;
	v2 =	vld.idx.msk [tilespmem:v2+s12+$0x0], $0xffff  }
.Ltmp2:
0xa4: {  	_ = 	snop;
	(pc) =	sbr.rel @p0 .LBB2_7-.Ltmp2, $2  }
0xa5: {  	_ =	sdelay $0x2  }
0xa6: {  	s23 =	sadd.s32 $0x200, s23;
	[tilespmem:v3+s18+$0x0] =	vst.idx.add.f32.msk vm15, v2  }
0xa7: {  	s22 =	sadd.s32 $0x1, s22  }
0xa8: {  	p0 =	sne.s32 s22, $0x50  }
.Ltmp3:
0xa9: {  	_ = 	snop;
	(pc) =	sbr.rel @p0 .LBB2_4-.Ltmp3, $1  }
0xaa: {  	_ =	sdelay $0x3  }
0xab: {  	s20 =	sadd.s32 $0x1, s20  }
0xac: {  	p0 =	sne.s32 s20, s11  }
.Ltmp4:
0xad: {  	_ = 	snop;
	(pc) =	sbr.rel @p0 .LBB2_1-.Ltmp4, $4  }
0xae: {  	[hbm4b:s10+s2] =	stream.linear.scatter [tilespmem:s18], [sflag:$0x3], $0xA000, $0x38;
	[tilespmem:$0x1F880] =	vst v63  }
0xaf: {  	_ =	swait.ge [sflag:s13], $0xA000  }
0xb0: {  	[sflag:s13] =	ssyncset.done $0x0  }
0xb1: {  	[sflag:s13] =	ssyncadd.s32 $0xFFFF6000  }
0xb2: {  	_ =	sfence.sel $0x180000  }
0xb3: {  	[bflag:$0x0] =	sbarrier.arrive $0xFFFF  }
0xb4: {  	p0 =	sne.s32 s1, $0x0;
	_ =	strace $0x9000004A  }
0xb5: {  	s0 =	sadd.s32 @!p0 $0x100000, s0;
	[bflag:$0x2] =	sbarrier.arrive $0xFFFF  }
0xb6: {  	[sflag:s0] =	ssyncadd.tile.s32 @!p0 $0x1;
	_ =	shalt  }
.Lfunc_end2:
_tile_overlayer_lowered:
.L_overlay_start_2:
0xb7: {  	(tag) =	ssettag $0x2  }
0xb8: {  	s0 =	rddreg [dreg:$0x0];
	s2 =	stileid.u32  }
0xb9: {  	s1 =	rddreg [dreg:$0x1];
	p0 =	sne.s32 s2, $0x0  }
0xba: {  	s3 =	rddreg [dreg:$0x2];
	[bflag:$0x3] =	sbarrier.arrive $0xFFFF;
	s2 =	simm.s32 @!p0 $0x1C03  }
0xbb: {  	[timem:s3], [sflag:s2] =	dma.local @!p0 [hbm:s0], s1  }
0xbc: {  	s0 =	simm.s32 @!p0 $0x3  }
0xbd: {  	_ =	swait.ge @!p0 [sflag:s0], s1  }
0xbe: {  	s1 =	ssub.s32 @!p0 $0x0, s1;
	[sflag:s0] =	ssyncset.done @!p0 $0x0  }
0xbf: {  	[sflag:s0] =	ssyncadd.s32 @!p0 s1  }
0xc0: {  	[bflag:$0x3] =	sbarrier.arrive $0xFFFF  }
0xc1: {  	_ =	shalt  }

// kernel: kernel.14.cloned.1.call-start
scs
__scs_entry_jumppad:
0x0: {  	(pc) =	sbr.rel $0x88, $3  }
0x1: {  	(tag) =	ssettag $0x0;
	lr =	simm.s32 $0x1  }
0x2: {  	[smem:$0x3F9B] =	sst lr;
	_ =	strace $0xD0000000  }
0x3: {  	_ = 	snop  }
0x4: {  	_ = 	snop  }
0x5: {  	_ = 	snop  }
0x6: {  	_ = 	snop  }
0x7: {  	_ = 	snop  }
__scs_overlays_trampoline_lowered:
0x8: {  	[smem:$0x3FAA] =	sst s0  }
0x9: {  	[smem:$0x3FAB] =	sst s1  }
0xa: {  	[smem:$0x3FAC] =	sst s2  }
0xb: {  	[smem:$0x3FAD] =	sst s3  }
0xc: {  	[smem:$0x3FAE] =	sst s4  }
0xd: {  	[smem:$0x3FAF] =	sst s5  }
0xe: {  	[smem:$0x3FB0] =	sst s6  }
0xf: {  	[smem:$0x3FB1] =	sst s7  }
0x10: {  	[smem:$0x3FB2] =	sst s8  }
0x11: {  	[smem:$0x3FB3] =	sst s9;
	s0 =	simm.s32 @!p0 $0x0  }
0x12: {  	s1 =	sld [smem:$0x3F99];
	s0 =	simm.s32 @p0 $0x1  }
0x13: {  	[smem:$0x3FB4] =	sst s0;
	s0 =	simm.s32 @!p1 $0x0  }
0x14: {  	s2 =	sld [smem:$0x3F98];
	s0 =	simm.s32 @p1 $0x1  }
0x15: {  	[smem:$0x3FB5] =	sst s0;
	s0 =	simm.s32 @!p2 $0x0  }
0x16: {  	s3 =	sld [smem:$0x3FDB];
	s0 =	simm.s32 @p2 $0x1  }
0x17: {  	s4 =	simm.s32 $0x1BF5;
	[smem:$0x3FB7] =	sst s0  }
0x18: {  	s0 =	sld [smem:$0x3F9A];
	_ =	swait.ge [sflag:s4], $0x0  }
0x19: {  	s7 =	sld [smem:$0x3F9B]  }
0x1a: {  	s8 =	sadd.s32 $0xFFFFE003, lr  }
0x1b: {  	s9 =	sadd.s32 $0xFFFFFEF7, lr;
	s5 =	simm.s32 $0xFFFFFFFF;
	p2 =	slt.u32 s8, $0xFFFFF086  }
0x1c: {  	p1 =	slt.u32 s9, $0xF7A;
	s5 =	simm.s32 @!p2 $0x0  }
0x1d: {  	s5 =	simm.s32 @p1 $0x1;
	p0 =	seq.s32 s7, s2  }
0x1e: {  	s7 =	smul.u32 @!p0 $0xF7A, s2;
	p2 =	seq.s32 @!p0 s5, $0x0  }
0x1f: {  	s9 =	smul.u32 $0xF7A, s1;
	s8 =	simm.s32 @!p0 $0x1BF5;
	p2 =	por !p2, p0  }
0x20: {  	[sflag:s8] =	ssyncset.s32 @!p0 $0xFFFFF086;
	s6 =	sadd.s32 @!p0 s3, s7;
	s7 =	simm.s32 @!p0 $0x108  }
0x21: {  	s3 =	sadd.s32 s3, s9;
	s6 =	sadd.s32 @!p0 $0x88, s6;
	s7 =	simm.s32 @p2 $0x1082  }
0x22: {  	[simem:s7], [sflag:s8] =	dma.local @!p0 [hbm:s6], $0xF7A  }
0x23: {  	s9 =	sor.u32 $0xD0000000, s2;
	s6 =	simm.s32 $0x108;
	_ =	swait.ge @!p0 [sflag:s8], $0x0  }
0x24: {  	s3 =	sadd.s32 $0x88, s3;
	s6 =	simm.s32 @!p1 $0x1082;
	[sflag:s4] =	ssyncset.s32 $0xFFFFF086  }
0x25: {  	[simem:s6], [sflag:s4] =	dma.local [hbm:s3], $0xF7A  }
0x26: {  	[smem:$0x3F9B] =	sst s1;
	(tag) =	ssettag s2;
	_ =	strace s9  }
0x27: {  	s1 =	sld [smem:$0x3FAB]  }
0x28: {  	s2 =	sld [smem:$0x3FAC]  }
0x29: {  	s4 =	sld [smem:$0x3FAE]  }
0x2a: {  	p0 =	seq.s32 s5, $0x0;
	s5 =	sld [smem:$0x3FAF]  }
0x2b: {  	s6 =	sld [smem:$0x3FB0]  }
0x2c: {  	s7 =	sld [smem:$0x3FB1]  }
0x2d: {  	s3 =	simm.s32 $0x108;
	s8 =	sld [smem:$0x3FB2]  }
0x2e: {  	s3 =	simm.s32 @!p0 $0x1082;
	s9 =	sld [smem:$0x3FB3]  }
0x2f: {  	lr =	sadd.s32 s0, s3;
	s0 =	sld [smem:$0x3FAA]  }
0x30: {  	s3 =	sld [smem:$0x3FAD]  }
0x31: {  	[smem:$0x3FB6] =	sst s10  }
0x32: {  	s10 =	sld [smem:$0x3FB4];
	_ =	sdelay $0x3  }
0x33: {  	p0 =	seq.s32 s10, $0x1;
	s10 =	sld [smem:$0x3FB6];
	_ =	sdelay $0x3  }
0x34: {  	[smem:$0x3FB6] =	sst s10  }
0x35: {  	s10 =	sld [smem:$0x3FB5];
	_ =	sdelay $0x3  }
0x36: {  	p1 =	seq.s32 s10, $0x1;
	s10 =	sld [smem:$0x3FB6];
	_ =	sdelay $0x3  }
0x37: {  	[smem:$0x3FB6] =	sst s10  }
0x38: {  	s10 =	sld [smem:$0x3FB7]  }
0x39: {  	_ = 	snop;
	(pc) =	sbr.ind lr, $3  }
0x3a: {  	_ = 	snop  }
0x3b: {  	_ = 	snop  }
0x3c: {  	p2 =	seq.s32 s10, $0x1;
	s10 =	sld [smem:$0x3FB6]  }
0x3d: {  	_ =	shalt  }
0x3e: {  	_ =	shalt  }
0x3f: {  	_ =	shalt  }
0x40: {  	_ =	shalt  }
0x41: {  	_ =	shalt  }
0x42: {  	_ =	shalt  }
0x43: {  	_ =	shalt  }
0x44: {  	_ =	shalt  }
0x45: {  	_ =	shalt  }
0x46: {  	_ =	shalt  }
0x47: {  	_ =	shalt  }
0x48: {  	_ =	shalt  }
0x49: {  	_ =	shalt  }
0x4a: {  	_ =	shalt  }
0x4b: {  	_ =	shalt  }
0x4c: {  	_ =	shalt  }
0x4d: {  	_ =	shalt  }
0x4e: {  	_ =	shalt  }
0x4f: {  	_ =	shalt  }
0x50: {  	_ =	shalt  }
0x51: {  	_ =	shalt  }
0x52: {  	_ =	shalt  }
0x53: {  	_ =	shalt  }
0x54: {  	_ =	shalt  }
0x55: {  	_ =	shalt  }
0x56: {  	_ =	shalt  }
0x57: {  	_ =	shalt  }
0x58: {  	_ =	shalt  }
0x59: {  	_ =	shalt  }
0x5a: {  	_ =	shalt  }
0x5b: {  	_ =	shalt  }
0x5c: {  	_ =	shalt  }
0x5d: {  	_ =	shalt  }
0x5e: {  	_ =	shalt  }
0x5f: {  	_ =	shalt  }
0x60: {  	_ =	shalt  }
0x61: {  	_ =	shalt  }
0x62: {  	_ =	shalt  }
0x63: {  	_ =	shalt  }
0x64: {  	_ =	shalt  }
0x65: {  	_ =	shalt  }
0x66: {  	_ =	shalt  }
0x67: {  	_ =	shalt  }
0x68: {  	_ =	shalt  }
0x69: {  	_ =	shalt  }
0x6a: {  	_ =	shalt  }
0x6b: {  	_ =	shalt  }
0x6c: {  	_ =	shalt  }
0x6d: {  	_ =	shalt  }
0x6e: {  	_ =	shalt  }
0x6f: {  	_ =	shalt  }
0x70: {  	_ =	shalt  }
0x71: {  	_ =	shalt  }
0x72: {  	_ =	shalt  }
0x73: {  	_ =	shalt  }
0x74: {  	_ =	shalt  }
0x75: {  	_ =	shalt  }
0x76: {  	_ =	shalt  }
0x77: {  	_ =	shalt  }
0x78: {  	_ =	shalt  }
0x79: {  	_ =	shalt  }
0x7a: {  	_ =	shalt  }
0x7b: {  	_ =	shalt  }
0x7c: {  	_ =	shalt  }
0x7d: {  	_ =	shalt  }
0x7e: {  	_ =	shalt  }
0x7f: {  	_ =	shalt  }
0x80: {  	_ =	shalt  }
0x81: {  	_ =	shalt  }
0x82: {  	_ =	shalt  }
0x83: {  	_ =	shalt  }
0x84: {  	_ =	shalt  }
0x85: {  	_ =	shalt  }
0x86: {  	_ =	shalt  }
0x87: {  	_ =	shalt  }
.Lfunc_end0:
.L_simem_size_0:
called_computation.2_lowered:
.L_overlay_start_0:
0x88: {  	s2 =	sld [smem:$0x3FD9]  }
0x89: {  	s3 =	sld [smem:$0x3FFE];
	_ =	sdelay $0x1  }
0x8a: {  	s1 =	srdreg.scid  }
0x8b: {  	s0 =	sand.u32 $0x1, s1  }
0x8c: {  	s16 =	sshll.u32 s0, $0xA;
	s2 =	sadd.s32 s3, s2  }
0x8d: {  	s2 =	sadd.s32 s2, s16  }
0x8e: {  	[smem:$0x3FC2] =	sst s2  }
0x8f: {  	_ = 	snop  }
0x90: {  	(tm) =	ssettm $0x1  }
0x91: {  	s17 =	sld [smem:$0x3FFB];
	_ =	sdelay $0x3  }
0x92: {  	_ =	strace s17  }
0x93: {  	s2 =	sld [smem:$0x3FFC];
	_ =	sdelay $0x3  }
0x94: {  	_ =	strace s2  }
0x95: {  	s2 =	sld [smem:$0x3FFD];
	_ =	sdelay $0x3  }
0x96: {  	_ =	strace s2  }
0x97: {  	_ =	strace $0x8FFFFFFF  }
0x98: {  	s18 =	sld [smem:$0x3FDB];
	_ =	sdelay $0x1  }
0x99: {  	s19 =	simm.s32 $_scs_section_size  }
0x9a: {  	s4 =	simm.s32 $_size__tile_overlayer_lowered;
	s5 =	simm.s32 $_tile_overlayer_lowered  }
0x9b: {  	s22 =	simm.s32 $0x1BFF;
	s21 =	sshll.u32 s5, $0x1;
	s2 =	sadd.s32 s19, s18  }
0x9c: {  	s6 =	simm.s32 $0x0;
	s20 =	sshll.u32 s4, $0x1;
	s4 =	sadd.s32 s21, s2  }
0x9d: {  	[timem:s6], [sflag:s22] =	dma.local [hbm:s4], s20  }
0x9e: {  	_ =	swait.ge [sflag:s22], s20  }
0x9f: {  	s3 =	ssub.s32 $0x0, s20;
	[sflag:s22] =	ssyncset.done $0x0  }
0xa0: {  	[sflag:s22] =	ssyncadd.s32 s3;
	_ =	sdelay $0x1  }
0xa1: {  	s23 =	simm.s32 $0x1B8B  }
0xa2: {  	_ =	swait.ge [sflag:s23], $0x1  }
0xa3: {  	[sflag:s23] =	ssyncset.done $0x0  }
0xa4: {  	s25 =	simm.s32 $0x1B8E;
	s24 =	sld [smem:$0x3FFE];
	[sflag:s23] =	ssyncadd.s32 $0xFFFFFFFF  }
0xa5: {  	s26 =	simm.s32 $execute0_lowered;
	[smem:$0x3FD2] =	sst s25  }
0xa6: {  	s4 =	sshll.u32 s26, $0x1;
	_ =	strace $0x8000004C;
	[dreg:$0x1] =	wrdreg $0xFFFFFFFF  }
0xa7: {  	s28 =	simm.s32 $_size_execute0_lowered;
	s2 =	sadd.s32 s2, s4;
	[dreg:$0x0] =	wrdreg $0x0  }
0xa8: {  	s4 =	sshll.u32 s28, $0x1;
	[dreg:$0x2] =	wrdreg s2  }
0xa9: {  	[dreg:$0x3] =	wrdreg s4  }
0xaa: {  	[dreg:$0x4] =	wrdreg $0xC0  }
0xab: {  	_ =	task [dreg:s6], $0x5FFFF  }
0xac: {  	[dreg:$0x1] =	wrdreg $0xFFFFFFFF  }
0xad: {  	[dreg:$0x0] =	wrdreg $0x60  }
0xae: {  	[dreg:$0x2] =	wrdreg s24  }
0xaf: {  	[dreg:$0x3] =	wrdreg $0x9  }
0xb0: {  	_ =	task.clear_ibuf [dreg:s6], $0x4FFFF;
	_ =	strace $0x9000004C  }
0xb1: {  	s29 =	simm.s32 $0x9;
	_ =	strace $0x8000004E  }
0xb2: {  	_ =	swait.ge [sflag:s29], $0x1  }
0xb3: {  	[sflag:s29] =	ssyncadd.s32 $0xFFFFFFFF  }
0xb4: {  	_ =	strace $0x9000004E  }
0xb5: {  	_ =	sfence  }
0xb6: {  	s30 =	sld [smem:$0x0];
	_ =	sdelay $0x2  }
0xb7: {  	s31 =	sshll.u32 s1, $0xD;
	s1 =	sshrl.u32 s1, $0x2  }
0xb8: {  	s3 =	sand.u32 $0x4000, s31;
	s1 =	sadd.s32 s1, s30  }
0xb9: {  	s0 =	sor.u32 s3, s0;
	s1 =	sshll.u32 s1, $0x11  }
0xba: {  	s0 =	sor.u32 s1, s0  }
0xbb: {  	s0 =	sadd.s32 $0x8F2B, s0  }
0xbc: {  	[sflag:s0] =	ssyncadd.remote.s32 $0x1  }
0xbd: {  	_ =	sfence.sel $0xFFFF  }
0xbe: {  	[dreg:$0x0] =	wrdreg $0xFFFFFFFF;
	(pc) =	sbr.abs _section_cstart, $3  }
0xbf: {  	[dreg:$0x1] =	wrdreg $0xFFFFFFFF  }
0xc0: {  	_ =	task.clear_ibuf [dreg:s6], $0x2FFFF;
	_ =	strace $0x9FFFFFFF  }
0xc1: {  	(tm) =	ssettm $0x7FFFFFFF  }
tec
execute0_lowered:
.L_overlay_start_1:
0x0: {  	(tag) =	ssettag $0x1  }
0x1: {  	s5 =	rddreg [dreg:$0x0];
	s1 =	stileid.u32  }
0x2: {  	s0 =	rddreg [dreg:$0x1];
	s4 =	srdreg.scid  }
0x3: {  	s2 =	simm.s32 $0x0;
	s14 =	simm.s32 $0x800;
	s15 =	simm.s32 $0x1000  }
0x4: {  	s16 =	simm.s32 $0x1800;
	s17 =	simm.s32 $0x1;
	s3 =	sshrl.u32 s1, $0x3  }
0x5: {  	s19 =	simm.s32 $0x2;
	s9 =	sand.u32 $0x7, s1;
	s3 =	smul.u32 $0x2800, s3  }
0x6: {  	s20 =	simm.s32 $0x0;
	s6 =	sand.u32 $0x1, s4;
	s11 =	smul.u32 $0xA00, s9  }
0x7: {  	[smem:$0x7FF] =	sst s2;
	s4 =	sshll.u32 s6, $0x4;
	s31 =	smul.u32 $0xA000, s9  }
0x8: {  	_ =	strace $0x8000004D;
	s10 =	ssub.s32 $0x2, s6;
	s18 =	smul.u32 $0xA000, s6  }
0x9: {  	s4 =	sor.u32 s1, s4;
	s30 =	sshrl.u32 s10, $0x1;
	s7 =	sadd.s32 s3, s5  }
0xa: {  	s3 =	sadd.s32 $0x66A00, s5;
	s8 =	smul.u32 $0x1400, s4;
	s4 =	sadd.s32 $0x16A00, s5  }
0xb: {  	s13 =	ssub.s32 s10, s30;
	s9 =	sor.u32 $0x20, s11;
	v0 =	vmov s18;
	s18 =	simm.s32 $0x15880  }
0xc: {  	s6 =	sadd.s32 s3, s31;
	s12 =	sadd.s32 s8, s5;
	s5 =	sadd.s32 $0x2A00, s7  }
0xd: {  	s7 =	sadd.s32 s4, s31;
	s8 =	sor.u32 $0x10, s11;
	s11 =	smax.u32 s13, $0x1  }
0xe: {  	v1 =	vimm.f32 $0.0e+00;
	s13 =	simm.s32 $0x3;
	s10 =	sadd.s32 $0xB6A00, s12;
	s12 =	simm.s32 $0x2000  }
.LBB2_1:
0xf: {  	s21 =	simm.s32 $0x158C0  }
0x10: {  	[tilespmem:s21+$0xFFFFFFC0] =	vst v1  }
0x11: {  	[tilespmem:s21+$0x30] =	vst v1  }
0x12: {  	[tilespmem:s21+$0x20] =	vst v1  }
0x13: {  	[tilespmem:s21+$0x10] =	vst v1  }
0x14: {  	[tilespmem:s21+$0x0] =	vst v1  }
0x15: {  	[tilespmem:s21+$0xFFFFFFF0] =	vst v1  }
0x16: {  	s22 =	simm.s32 $0x0;
	[tilespmem:s21+$0xFFFFFFE0] =	vst v1  }
.LBB2_2:
0x17: {  	s22 =	sadd.s32 $0x8, s22;
	[tilespmem:s21+$0xFFFFFFD0] =	vst v1;
	s21 =	sadd.s32 $0x80, s21  }
0x18: {  	[tilespmem:s21+$0xFFFFFFC0] =	vst v1;
	p0 =	slt.u32 s22, $0x9F8  }
0x19: {  	[tilespmem:s21+$0x30] =	vst v1  }
.Ltmp0:
0x1a: {  	[tilespmem:s21+$0x20] =	vst v1;
	(pc) =	sbr.rel @p0 .LBB2_2-.Ltmp0, $4  }
0x1b: {  	[tilespmem:s21+$0x10] =	vst v1  }
0x1c: {  	[tilespmem:s21+$0x0] =	vst v1  }
0x1d: {  	[tilespmem:s21+$0xFFFFFFF0] =	vst v1  }
0x1e: {  	[tilespmem:s21+$0xFFFFFFE0] =	vst v1  }
0x1f: {  	[tilespmem:s21+$0xFFFFFFD0] =	vst v1;
	s21 =	simm.s32 $0x0  }
0x20: {  	[tilespmem:s12], [sflag:$0x3] =	stream.linear.gather [hbm4b:s5+s21], $0x13880, $0x38;
	[tilespmem:$0x1F880] =	vst v63  }
0x21: {  	_ =	swait.ge [sflag:s13], $0x13880  }
0x22: {  	[sflag:s13] =	ssyncset.done $0x0  }
0x23: {  	[sflag:s13] =	ssyncadd.s32 $0xFFFEC780  }
0x24: {  	[tilespmem:s21], [sflag:$0x1] =	stream.linear.gather [hbm4b:s6+s21], $0x800, $0x38;
	[tilespmem:$0x1F880] =	vst v63  }
0x25: {  	s22 =	simm.s32 $0x0  }
0x26: {  	[tilespmem:s14], [sflag:$0x1] =	stream.linear.gather [hbm4b:s7+s21], $0x800, $0x38;
	[tilespmem:$0x1F880] =	vst v63  }
.LBB2_4:
0x27: {  	s23 =	sshll.u32 s22, $0x5  }
0x28: {  	s24 =	sadd.s32 s23, s8  }
0x29: {  	s24 =	sshll.u32 s24, $0x4  }
0x2a: {  	s25 =	sadd.s32 s3, s24  }
0x2b: {  	[tilespmem:s15], [sflag:$0x2] =	stream.linear.gather [hbm4b:s25+s21], $0x800, $0x38;
	[tilespmem:$0x1F880] =	vst v63  }
0x2c: {  	s24 =	sadd.s32 s4, s24  }
0x2d: {  	[tilespmem:s16], [sflag:$0x2] =	stream.linear.gather [hbm4b:s24+s21], $0x800, $0x38;
	[tilespmem:$0x1F880] =	vst v63  }
0x2e: {  	_ =	swait.ge [sflag:s17], $0x800  }
0x2f: {  	[sflag:s17] =	ssyncset.done $0x0  }
0x30: {  	[sflag:s17] =	ssyncadd.s32 $0xFFFFF800  }
0x31: {  	_ =	swait.ge [sflag:s17], $0x800  }
0x32: {  	[sflag:s17] =	ssyncset.done $0x0  }
0x33: {  	s24 =	simm.s32 $0x0;
	[sflag:s17] =	ssyncadd.s32 $0xFFFFF800  }
.LBB2_5:
0x34: {  	s25 =	sshra.s32 s24, $0x2  }
0x35: {  	v2 =	vld [tilespmem:s25+$0x0]  }
0x36: {  	v3 =	vld [tilespmem:s25+$0x800];
	_ =	sdelay $0x4  }
0x37: {  	v3 =	vsub.s32 v3, v0  }
0x38: {  	vm0 =	vlt.u32 v3, $0xA000  }
0x39: {  	v3 =	vnsel vm0, $0x0, v3;
	v2 =	vld.idx.msk [tilespmem:v2+s12+$0x0], $0xffff;
	_ =	sdelay $0x4  }
0x3a: {  	[tilespmem:v3+s18+$0x0] =	vst.idx.add.f32.msk vm0, v2  }
0x3b: {  	v2 =	vld [tilespmem:s25+$0x10]  }
0x3c: {  	v3 =	vld [tilespmem:s25+$0x810];
	_ =	sdelay $0x4  }
0x3d: {  	v3 =	vsub.s32 v3, v0  }
0x3e: {  	vm9 =	vlt.u32 v3, $0xA000  }
0x3f: {  	v3 =	vnsel vm9, $0x0, v3;
	v2 =	vld.idx.msk [tilespmem:v2+s12+$0x0], $0xffff;
	_ =	sdelay $0x4  }
0x40: {  	[tilespmem:v3+s18+$0x0] =	vst.idx.add.f32.msk vm9, v2  }
0x41: {  	v2 =	vld [tilespmem:s25+$0x20]  }
0x42: {  	v3 =	vld [tilespmem:s25+$0x820];
	_ =	sdelay $0x4  }
0x43: {  	v3 =	vsub.s32 v3, v0  }
0x44: {  	vm10 =	vlt.u32 v3, $0xA000  }
0x45: {  	v3 =	vnsel vm10, $0x0, v3;
	v2 =	vld.idx.msk [tilespmem:v2+s12+$0x0], $0xffff;
	_ =	sdelay $0x4  }
0x46: {  	[tilespmem:v3+s18+$0x0] =	vst.idx.add.f32.msk vm10, v2  }
0x47: {  	v2 =	vld [tilespmem:s25+$0x30]  }
0x48: {  	v3 =	vld [tilespmem:s25+$0x830];
	_ =	sdelay $0x4  }
0x49: {  	v3 =	vsub.s32 v3, v0  }
0x4a: {  	vm11 =	vlt.u32 v3, $0xA000  }
0x4b: {  	v3 =	vnsel vm11, $0x0, v3;
	v2 =	vld.idx.msk [tilespmem:v2+s12+$0x0], $0xffff;
	_ =	sdelay $0x4  }
0x4c: {  	[tilespmem:v3+s18+$0x0] =	vst.idx.add.f32.msk vm11, v2  }
0x4d: {  	v2 =	vld [tilespmem:s25+$0x40]  }
0x4e: {  	v3 =	vld [tilespmem:s25+$0x840];
	_ =	sdelay $0x4  }
0x4f: {  	v3 =	vsub.s32 v3, v0  }
0x50: {  	vm12 =	vlt.u32 v3, $0xA000  }
0x51: {  	v3 =	vnsel vm12, $0x0, v3;
	v2 =	vld.idx.msk [tilespmem:v2+s12+$0x0], $0xffff;
	_ =	sdelay $0x4  }
0x52: {  	[tilespmem:v3+s18+$0x0] =	vst.idx.add.f32.msk vm12, v2  }
0x53: {  	v2 =	vld [tilespmem:s25+$0x50]  }
0x54: {  	v3 =	vld [tilespmem:s25+$0x850];
	_ =	sdelay $0x4  }
0x55: {  	v3 =	vsub.s32 v3, v0  }
0x56: {  	vm13 =	vlt.u32 v3, $0xA000  }
0x57: {  	v3 =	vnsel vm13, $0x0, v3;
	v2 =	vld.idx.msk [tilespmem:v2+s12+$0x0], $0xffff;
	_ =	sdelay $0x4  }
0x58: {  	[tilespmem:v3+s18+$0x0] =	vst.idx.add.f32.msk vm13, v2  }
0x59: {  	v2 =	vld [tilespmem:s25+$0x60]  }
0x5a: {  	v3 =	vld [tilespmem:s25+$0x860];
	_ =	sdelay $0x4  }
0x5b: {  	v3 =	vsub.s32 v3, v0  }
0x5c: {  	vm14 =	vlt.u32 v3, $0xA000  }
0x5d: {  	v3 =	vnsel vm14, $0x0, v3;
	v2 =	vld.idx.msk [tilespmem:v2+s12+$0x0], $0xffff;
	_ =	sdelay $0x4  }
0x5e: {  	[tilespmem:v3+s18+$0x0] =	vst.idx.add.f32.msk vm14, v2  }
0x5f: {  	v2 =	vld [tilespmem:s25+$0x70]  }
0x60: {  	v3 =	vld [tilespmem:s25+$0x870];
	_ =	sdelay $0x4  }
0x61: {  	v3 =	vsub.s32 v3, v0  }
0x62: {  	vm15 =	vlt.u32 v3, $0xA000  }
0x63: {  	p0 =	sne.s32 s24, $0x1E00;
	v3 =	vnsel vm15, $0x0, v3;
	v2 =	vld.idx.msk [tilespmem:v2+s12+$0x0], $0xffff  }
.Ltmp1:
0x64: {  	_ = 	snop;
	(pc) =	sbr.rel @p0 .LBB2_5-.Ltmp1, $2  }
0x65: {  	_ =	sdelay $0x2  }
0x66: {  	s24 =	sadd.s32 $0x200, s24;
	[tilespmem:v3+s18+$0x0] =	vst.idx.add.f32.msk vm15, v2  }
0x67: {  	p0 =	seq.s32 s22, $0x4F  }
0x68: {  	s23 =	sadd.s32 @!p0 s23, s9  }
0x69: {  	s23 =	sshll.u32 @!p0 s23, $0x4  }
0x6a: {  	s25 =	simm.s32 @!p0 $0x0;
	s24 =	sadd.s32 @!p0 s3, s23  }
0x6b: {  	[tilespmem:s25], [sflag:$0x1] =	stream.linear.gather @!p0 [hbm4b:s24+s25], $0x800, $0x38;
	[tilespmem:$0x1F880] =	vst v63  }
0x6c: {  	s23 =	sadd.s32 @!p0 s4, s23;
	s24 =	simm.s32 @!p0 $0x800  }
0x6d: {  	[tilespmem:s24], [sflag:$0x1] =	stream.linear.gather @!p0 [hbm4b:s23+s25], $0x800, $0x38;
	[tilespmem:$0x1F880] =	vst v63  }
0x6e: {  	_ =	swait.ge [sflag:s19], $0x800  }
0x6f: {  	[sflag:s19] =	ssyncset.done $0x0  }
0x70: {  	[sflag:s19] =	ssyncadd.s32 $0xFFFFF800  }
0x71: {  	_ =	swait.ge [sflag:s19], $0x800  }
0x72: {  	[sflag:s19] =	ssyncset.done $0x0  }
0x73: {  	s23 =	simm.s32 $0x0;
	[sflag:s19] =	ssyncadd.s32 $0xFFFFF800  }
.LBB2_7:
0x74: {  	s24 =	sshra.s32 s23, $0x2  }
0x75: {  	v2 =	vld [tilespmem:s24+$0x1000]  }
0x76: {  	v3 =	vld [tilespmem:s24+$0x1800];
	_ =	sdelay $0x4  }
0x77: {  	v3 =	vsub.s32 v3, v0  }
0x78: {  	vm0 =	vlt.u32 v3, $0xA000  }
0x79: {  	v3 =	vnsel vm0, $0x0, v3;
	v2 =	vld.idx.msk [tilespmem:v2+s12+$0x0], $0xffff;
	_ =	sdelay $0x4  }
0x7a: {  	[tilespmem:v3+s18+$0x0] =	vst.idx.add.f32.msk vm0, v2  }
0x7b: {  	v2 =	vld [tilespmem:s24+$0x1010]  }
0x7c: {  	v3 =	vld [tilespmem:s24+$0x1810];
	_ =	sdelay $0x4  }
0x7d: {  	v3 =	vsub.s32 v3, v0  }
0x7e: {  	vm9 =	vlt.u32 v3, $0xA000  }
0x7f: {  	v3 =	vnsel vm9, $0x0, v3;
	v2 =	vld.idx.msk [tilespmem:v2+s12+$0x0], $0xffff;
	_ =	sdelay $0x4  }
0x80: {  	[tilespmem:v3+s18+$0x0] =	vst.idx.add.f32.msk vm9, v2  }
0x81: {  	v2 =	vld [tilespmem:s24+$0x1020]  }
0x82: {  	v3 =	vld [tilespmem:s24+$0x1820];
	_ =	sdelay $0x4  }
0x83: {  	v3 =	vsub.s32 v3, v0  }
0x84: {  	vm10 =	vlt.u32 v3, $0xA000  }
0x85: {  	v3 =	vnsel vm10, $0x0, v3;
	v2 =	vld.idx.msk [tilespmem:v2+s12+$0x0], $0xffff;
	_ =	sdelay $0x4  }
0x86: {  	[tilespmem:v3+s18+$0x0] =	vst.idx.add.f32.msk vm10, v2  }
0x87: {  	v2 =	vld [tilespmem:s24+$0x1030]  }
0x88: {  	v3 =	vld [tilespmem:s24+$0x1830];
	_ =	sdelay $0x4  }
0x89: {  	v3 =	vsub.s32 v3, v0  }
0x8a: {  	vm11 =	vlt.u32 v3, $0xA000  }
0x8b: {  	v3 =	vnsel vm11, $0x0, v3;
	v2 =	vld.idx.msk [tilespmem:v2+s12+$0x0], $0xffff;
	_ =	sdelay $0x4  }
0x8c: {  	[tilespmem:v3+s18+$0x0] =	vst.idx.add.f32.msk vm11, v2  }
0x8d: {  	v2 =	vld [tilespmem:s24+$0x1040]  }
0x8e: {  	v3 =	vld [tilespmem:s24+$0x1840];
	_ =	sdelay $0x4  }
0x8f: {  	v3 =	vsub.s32 v3, v0  }
0x90: {  	vm12 =	vlt.u32 v3, $0xA000  }
0x91: {  	v3 =	vnsel vm12, $0x0, v3;
	v2 =	vld.idx.msk [tilespmem:v2+s12+$0x0], $0xffff;
	_ =	sdelay $0x4  }
0x92: {  	[tilespmem:v3+s18+$0x0] =	vst.idx.add.f32.msk vm12, v2  }
0x93: {  	v2 =	vld [tilespmem:s24+$0x1050]  }
0x94: {  	v3 =	vld [tilespmem:s24+$0x1850];
	_ =	sdelay $0x4  }
0x95: {  	v3 =	vsub.s32 v3, v0  }
0x96: {  	vm13 =	vlt.u32 v3, $0xA000  }
0x97: {  	v3 =	vnsel vm13, $0x0, v3;
	v2 =	vld.idx.msk [tilespmem:v2+s12+$0x0], $0xffff;
	_ =	sdelay $0x4  }
0x98: {  	[tilespmem:v3+s18+$0x0] =	vst.idx.add.f32.msk vm13, v2  }
0x99: {  	v2 =	vld [tilespmem:s24+$0x1060]  }
0x9a: {  	v3 =	vld [tilespmem:s24+$0x1860];
	_ =	sdelay $0x4  }
0x9b: {  	v3 =	vsub.s32 v3, v0  }
0x9c: {  	vm14 =	vlt.u32 v3, $0xA000  }
0x9d: {  	v3 =	vnsel vm14, $0x0, v3;
	v2 =	vld.idx.msk [tilespmem:v2+s12+$0x0], $0xffff;
	_ =	sdelay $0x4  }
0x9e: {  	[tilespmem:v3+s18+$0x0] =	vst.idx.add.f32.msk vm14, v2  }
0x9f: {  	v2 =	vld [tilespmem:s24+$0x1070]  }
0xa0: {  	v3 =	vld [tilespmem:s24+$0x1870];
	_ =	sdelay $0x4  }
0xa1: {  	v3 =	vsub.s32 v3, v0  }
0xa2: {  	vm15 =	vlt.u32 v3, $0xA000  }
0xa3: {  	p0 =	sne.s32 s23, $0x1E00;
	v3 =	vnsel vm15, $0x0, v3;
	v2 =	vld.idx.msk [tilespmem:v2+s12+$0x0], $0xffff  }
.Ltmp2:
0xa4: {  	_ = 	snop;
	(pc) =	sbr.rel @p0 .LBB2_7-.Ltmp2, $2  }
0xa5: {  	_ =	sdelay $0x2  }
0xa6: {  	s23 =	sadd.s32 $0x200, s23;
	[tilespmem:v3+s18+$0x0] =	vst.idx.add.f32.msk vm15, v2  }
0xa7: {  	s22 =	sadd.s32 $0x1, s22  }
0xa8: {  	p0 =	sne.s32 s22, $0x50  }
.Ltmp3:
0xa9: {  	_ = 	snop;
	(pc) =	sbr.rel @p0 .LBB2_4-.Ltmp3, $1  }
0xaa: {  	_ =	sdelay $0x3  }
0xab: {  	s20 =	sadd.s32 $0x1, s20  }
0xac: {  	p0 =	sne.s32 s20, s11  }
.Ltmp4:
0xad: {  	_ = 	snop;
	(pc) =	sbr.rel @p0 .LBB2_1-.Ltmp4, $4  }
0xae: {  	[hbm4b:s10+s2] =	stream.linear.scatter [tilespmem:s18], [sflag:$0x3], $0xA000, $0x38;
	[tilespmem:$0x1F880] =	vst v63  }
0xaf: {  	_ =	swait.ge [sflag:s13], $0xA000  }
0xb0: {  	[sflag:s13] =	ssyncset.done $0x0  }
0xb1: {  	[sflag:s13] =	ssyncadd.s32 $0xFFFF6000  }
0xb2: {  	_ =	sfence.sel $0x180000  }
0xb3: {  	[bflag:$0x0] =	sbarrier.arrive $0xFFFF  }
0xb4: {  	p0 =	sne.s32 s1, $0x0;
	_ =	strace $0x9000004D  }
0xb5: {  	s0 =	sadd.s32 @!p0 $0x100000, s0;
	[bflag:$0x2] =	sbarrier.arrive $0xFFFF  }
0xb6: {  	[sflag:s0] =	ssyncadd.tile.s32 @!p0 $0x1;
	_ =	shalt  }
.Lfunc_end2:
_tile_overlayer_lowered:
.L_overlay_start_2:
0xb7: {  	(tag) =	ssettag $0x2  }
0xb8: {  	s0 =	rddreg [dreg:$0x0];
	s2 =	stileid.u32  }
0xb9: {  	s1 =	rddreg [dreg:$0x1];
	p0 =	sne.s32 s2, $0x0  }
0xba: {  	s3 =	rddreg [dreg:$0x2];
	[bflag:$0x3] =	sbarrier.arrive $0xFFFF;
	s2 =	simm.s32 @!p0 $0x1C03  }
0xbb: {  	[timem:s3], [sflag:s2] =	dma.local @!p0 [hbm:s0], s1  }
0xbc: {  	s0 =	simm.s32 @!p0 $0x3  }
0xbd: {  	_ =	swait.ge @!p0 [sflag:s0], s1  }
0xbe: {  	s1 =	ssub.s32 @!p0 $0x0, s1;
	[sflag:s0] =	ssyncset.done @!p0 $0x0  }
0xbf: {  	[sflag:s0] =	ssyncadd.s32 @!p0 s1  }
0xc0: {  	[bflag:$0x3] =	sbarrier.arrive $0xFFFF  }
0xc1: {  	_ =	shalt  }

// kernel: kernel.8.cloned.1.call-start
scs
__scs_entry_jumppad:
0x0: {  	(pc) =	sbr.rel $0x88, $3  }
0x1: {  	(tag) =	ssettag $0x0;
	lr =	simm.s32 $0x1  }
0x2: {  	[smem:$0x3F9B] =	sst lr;
	_ =	strace $0xD0000000  }
0x3: {  	_ = 	snop  }
0x4: {  	_ = 	snop  }
0x5: {  	_ = 	snop  }
0x6: {  	_ = 	snop  }
0x7: {  	_ = 	snop  }
__scs_overlays_trampoline_lowered:
0x8: {  	[smem:$0x3FAA] =	sst s0  }
0x9: {  	[smem:$0x3FAB] =	sst s1  }
0xa: {  	[smem:$0x3FAC] =	sst s2  }
0xb: {  	[smem:$0x3FAD] =	sst s3  }
0xc: {  	[smem:$0x3FAE] =	sst s4  }
0xd: {  	[smem:$0x3FAF] =	sst s5  }
0xe: {  	[smem:$0x3FB0] =	sst s6  }
0xf: {  	[smem:$0x3FB1] =	sst s7  }
0x10: {  	[smem:$0x3FB2] =	sst s8  }
0x11: {  	[smem:$0x3FB3] =	sst s9;
	s0 =	simm.s32 @!p0 $0x0  }
0x12: {  	s1 =	sld [smem:$0x3F99];
	s0 =	simm.s32 @p0 $0x1  }
0x13: {  	[smem:$0x3FB4] =	sst s0;
	s0 =	simm.s32 @!p1 $0x0  }
0x14: {  	s2 =	sld [smem:$0x3F98];
	s0 =	simm.s32 @p1 $0x1  }
0x15: {  	[smem:$0x3FB5] =	sst s0;
	s0 =	simm.s32 @!p2 $0x0  }
0x16: {  	s3 =	sld [smem:$0x3FDB];
	s0 =	simm.s32 @p2 $0x1  }
0x17: {  	s4 =	simm.s32 $0x1BF5;
	[smem:$0x3FB7] =	sst s0  }
0x18: {  	s0 =	sld [smem:$0x3F9A];
	_ =	swait.ge [sflag:s4], $0x0  }
0x19: {  	s7 =	sld [smem:$0x3F9B]  }
0x1a: {  	s8 =	sadd.s32 $0xFFFFE003, lr  }
0x1b: {  	s9 =	sadd.s32 $0xFFFFFEF7, lr;
	s5 =	simm.s32 $0xFFFFFFFF;
	p2 =	slt.u32 s8, $0xFFFFF086  }
0x1c: {  	p1 =	slt.u32 s9, $0xF7A;
	s5 =	simm.s32 @!p2 $0x0  }
0x1d: {  	s5 =	simm.s32 @p1 $0x1;
	p0 =	seq.s32 s7, s2  }
0x1e: {  	s7 =	smul.u32 @!p0 $0xF7A, s2;
	p2 =	seq.s32 @!p0 s5, $0x0  }
0x1f: {  	s9 =	smul.u32 $0xF7A, s1;
	s8 =	simm.s32 @!p0 $0x1BF5;
	p2 =	por !p2, p0  }
0x20: {  	[sflag:s8] =	ssyncset.s32 @!p0 $0xFFFFF086;
	s6 =	sadd.s32 @!p0 s3, s7;
	s7 =	simm.s32 @!p0 $0x108  }
0x21: {  	s3 =	sadd.s32 s3, s9;
	s6 =	sadd.s32 @!p0 $0x88, s6;
	s7 =	simm.s32 @p2 $0x1082  }
0x22: {  	[simem:s7], [sflag:s8] =	dma.local @!p0 [hbm:s6], $0xF7A  }
0x23: {  	s9 =	sor.u32 $0xD0000000, s2;
	s6 =	simm.s32 $0x108;
	_ =	swait.ge @!p0 [sflag:s8], $0x0  }
0x24: {  	s3 =	sadd.s32 $0x88, s3;
	s6 =	simm.s32 @!p1 $0x1082;
	[sflag:s4] =	ssyncset.s32 $0xFFFFF086  }
0x25: {  	[simem:s6], [sflag:s4] =	dma.local [hbm:s3], $0xF7A  }
0x26: {  	[smem:$0x3F9B] =	sst s1;
	(tag) =	ssettag s2;
	_ =	strace s9  }
0x27: {  	s1 =	sld [smem:$0x3FAB]  }
0x28: {  	s2 =	sld [smem:$0x3FAC]  }
0x29: {  	s4 =	sld [smem:$0x3FAE]  }
0x2a: {  	p0 =	seq.s32 s5, $0x0;
	s5 =	sld [smem:$0x3FAF]  }
0x2b: {  	s6 =	sld [smem:$0x3FB0]  }
0x2c: {  	s7 =	sld [smem:$0x3FB1]  }
0x2d: {  	s3 =	simm.s32 $0x108;
	s8 =	sld [smem:$0x3FB2]  }
0x2e: {  	s3 =	simm.s32 @!p0 $0x1082;
	s9 =	sld [smem:$0x3FB3]  }
0x2f: {  	lr =	sadd.s32 s0, s3;
	s0 =	sld [smem:$0x3FAA]  }
0x30: {  	s3 =	sld [smem:$0x3FAD]  }
0x31: {  	[smem:$0x3FB6] =	sst s10  }
0x32: {  	s10 =	sld [smem:$0x3FB4];
	_ =	sdelay $0x3  }
0x33: {  	p0 =	seq.s32 s10, $0x1;
	s10 =	sld [smem:$0x3FB6];
	_ =	sdelay $0x3  }
0x34: {  	[smem:$0x3FB6] =	sst s10  }
0x35: {  	s10 =	sld [smem:$0x3FB5];
	_ =	sdelay $0x3  }
0x36: {  	p1 =	seq.s32 s10, $0x1;
	s10 =	sld [smem:$0x3FB6];
	_ =	sdelay $0x3  }
0x37: {  	[smem:$0x3FB6] =	sst s10  }
0x38: {  	s10 =	sld [smem:$0x3FB7]  }
0x39: {  	_ = 	snop;
	(pc) =	sbr.ind lr, $3  }
0x3a: {  	_ = 	snop  }
0x3b: {  	_ = 	snop  }
0x3c: {  	p2 =	seq.s32 s10, $0x1;
	s10 =	sld [smem:$0x3FB6]  }
0x3d: {  	_ =	shalt  }
0x3e: {  	_ =	shalt  }
0x3f: {  	_ =	shalt  }
0x40: {  	_ =	shalt  }
0x41: {  	_ =	shalt  }
0x42: {  	_ =	shalt  }
0x43: {  	_ =	shalt  }
0x44: {  	_ =	shalt  }
0x45: {  	_ =	shalt  }
0x46: {  	_ =	shalt  }
0x47: {  	_ =	shalt  }
0x48: {  	_ =	shalt  }
0x49: {  	_ =	shalt  }
0x4a: {  	_ =	shalt  }
0x4b: {  	_ =	shalt  }
0x4c: {  	_ =	shalt  }
0x4d: {  	_ =	shalt  }
0x4e: {  	_ =	shalt  }
0x4f: {  	_ =	shalt  }
0x50: {  	_ =	shalt  }
0x51: {  	_ =	shalt  }
0x52: {  	_ =	shalt  }
0x53: {  	_ =	shalt  }
0x54: {  	_ =	shalt  }
0x55: {  	_ =	shalt  }
0x56: {  	_ =	shalt  }
0x57: {  	_ =	shalt  }
0x58: {  	_ =	shalt  }
0x59: {  	_ =	shalt  }
0x5a: {  	_ =	shalt  }
0x5b: {  	_ =	shalt  }
0x5c: {  	_ =	shalt  }
0x5d: {  	_ =	shalt  }
0x5e: {  	_ =	shalt  }
0x5f: {  	_ =	shalt  }
0x60: {  	_ =	shalt  }
0x61: {  	_ =	shalt  }
0x62: {  	_ =	shalt  }
0x63: {  	_ =	shalt  }
0x64: {  	_ =	shalt  }
0x65: {  	_ =	shalt  }
0x66: {  	_ =	shalt  }
0x67: {  	_ =	shalt  }
0x68: {  	_ =	shalt  }
0x69: {  	_ =	shalt  }
0x6a: {  	_ =	shalt  }
0x6b: {  	_ =	shalt  }
0x6c: {  	_ =	shalt  }
0x6d: {  	_ =	shalt  }
0x6e: {  	_ =	shalt  }
0x6f: {  	_ =	shalt  }
0x70: {  	_ =	shalt  }
0x71: {  	_ =	shalt  }
0x72: {  	_ =	shalt  }
0x73: {  	_ =	shalt  }
0x74: {  	_ =	shalt  }
0x75: {  	_ =	shalt  }
0x76: {  	_ =	shalt  }
0x77: {  	_ =	shalt  }
0x78: {  	_ =	shalt  }
0x79: {  	_ =	shalt  }
0x7a: {  	_ =	shalt  }
0x7b: {  	_ =	shalt  }
0x7c: {  	_ =	shalt  }
0x7d: {  	_ =	shalt  }
0x7e: {  	_ =	shalt  }
0x7f: {  	_ =	shalt  }
0x80: {  	_ =	shalt  }
0x81: {  	_ =	shalt  }
0x82: {  	_ =	shalt  }
0x83: {  	_ =	shalt  }
0x84: {  	_ =	shalt  }
0x85: {  	_ =	shalt  }
0x86: {  	_ =	shalt  }
0x87: {  	_ =	shalt  }
.Lfunc_end0:
.L_simem_size_0:
called_computation_lowered:
.L_overlay_start_0:
0x88: {  	s2 =	sld [smem:$0x3FD9]  }
0x89: {  	s3 =	sld [smem:$0x3FFE];
	_ =	sdelay $0x1  }
0x8a: {  	s1 =	srdreg.scid  }
0x8b: {  	s0 =	sand.u32 $0x1, s1  }
0x8c: {  	s16 =	sshll.u32 s0, $0xA;
	s2 =	sadd.s32 s3, s2  }
0x8d: {  	s2 =	sadd.s32 s2, s16  }
0x8e: {  	[smem:$0x3FC2] =	sst s2  }
0x8f: {  	_ = 	snop  }
0x90: {  	(tm) =	ssettm $0x1  }
0x91: {  	s17 =	sld [smem:$0x3FFB];
	_ =	sdelay $0x3  }
0x92: {  	_ =	strace s17  }
0x93: {  	s2 =	sld [smem:$0x3FFC];
	_ =	sdelay $0x3  }
0x94: {  	_ =	strace s2  }
0x95: {  	s2 =	sld [smem:$0x3FFD];
	_ =	sdelay $0x3  }
0x96: {  	_ =	strace s2  }
0x97: {  	_ =	strace $0x8FFFFFFF  }
0x98: {  	s18 =	sld [smem:$0x3FDB];
	_ =	sdelay $0x1  }
0x99: {  	s19 =	simm.s32 $_scs_section_size  }
0x9a: {  	s4 =	simm.s32 $_size__tile_overlayer_lowered;
	s5 =	simm.s32 $_tile_overlayer_lowered  }
0x9b: {  	s22 =	simm.s32 $0x1BFF;
	s21 =	sshll.u32 s5, $0x1;
	s2 =	sadd.s32 s19, s18  }
0x9c: {  	s6 =	simm.s32 $0x0;
	s20 =	sshll.u32 s4, $0x1;
	s4 =	sadd.s32 s21, s2  }
0x9d: {  	[timem:s6], [sflag:s22] =	dma.local [hbm:s4], s20  }
0x9e: {  	_ =	swait.ge [sflag:s22], s20  }
0x9f: {  	s3 =	ssub.s32 $0x0, s20;
	[sflag:s22] =	ssyncset.done $0x0  }
0xa0: {  	[sflag:s22] =	ssyncadd.s32 s3;
	_ =	sdelay $0x1  }
0xa1: {  	s23 =	simm.s32 $0x1B8B  }
0xa2: {  	_ =	swait.ge [sflag:s23], $0x1  }
0xa3: {  	[sflag:s23] =	ssyncset.done $0x0  }
0xa4: {  	s25 =	simm.s32 $0x1B8E;
	s24 =	sld [smem:$0x3FFE];
	[sflag:s23] =	ssyncadd.s32 $0xFFFFFFFF  }
0xa5: {  	s26 =	simm.s32 $execute0_lowered;
	[smem:$0x3FD2] =	sst s25  }
0xa6: {  	s4 =	sshll.u32 s26, $0x1;
	_ =	strace $0x80000046;
	[dreg:$0x1] =	wrdreg $0xFFFFFFFF  }
0xa7: {  	s28 =	simm.s32 $_size_execute0_lowered;
	s2 =	sadd.s32 s2, s4;
	[dreg:$0x0] =	wrdreg $0x0  }
0xa8: {  	s4 =	sshll.u32 s28, $0x1;
	[dreg:$0x2] =	wrdreg s2  }
0xa9: {  	[dreg:$0x3] =	wrdreg s4  }
0xaa: {  	[dreg:$0x4] =	wrdreg $0xC0  }
0xab: {  	_ =	task [dreg:s6], $0x5FFFF  }
0xac: {  	[dreg:$0x1] =	wrdreg $0xFFFFFFFF  }
0xad: {  	[dreg:$0x0] =	wrdreg $0x60  }
0xae: {  	[dreg:$0x2] =	wrdreg s24  }
0xaf: {  	[dreg:$0x3] =	wrdreg $0x9  }
0xb0: {  	_ =	task.clear_ibuf [dreg:s6], $0x4FFFF;
	_ =	strace $0x90000046  }
0xb1: {  	s29 =	simm.s32 $0x9;
	_ =	strace $0x80000048  }
0xb2: {  	_ =	swait.ge [sflag:s29], $0x1  }
0xb3: {  	[sflag:s29] =	ssyncadd.s32 $0xFFFFFFFF  }
0xb4: {  	_ =	strace $0x90000048  }
0xb5: {  	_ =	sfence  }
0xb6: {  	s30 =	sld [smem:$0x0];
	_ =	sdelay $0x2  }
0xb7: {  	s31 =	sshll.u32 s1, $0xD;
	s1 =	sshrl.u32 s1, $0x2  }
0xb8: {  	s3 =	sand.u32 $0x4000, s31;
	s1 =	sadd.s32 s1, s30  }
0xb9: {  	s0 =	sor.u32 s3, s0;
	s1 =	sshll.u32 s1, $0x11  }
0xba: {  	s0 =	sor.u32 s1, s0  }
0xbb: {  	s0 =	sadd.s32 $0x8F2B, s0  }
0xbc: {  	[sflag:s0] =	ssyncadd.remote.s32 $0x1  }
0xbd: {  	_ =	sfence.sel $0xFFFF  }
0xbe: {  	[dreg:$0x0] =	wrdreg $0xFFFFFFFF;
	(pc) =	sbr.abs _section_cstart, $3  }
0xbf: {  	[dreg:$0x1] =	wrdreg $0xFFFFFFFF  }
0xc0: {  	_ =	task.clear_ibuf [dreg:s6], $0x2FFFF;
	_ =	strace $0x9FFFFFFF  }
0xc1: {  	(tm) =	ssettm $0x7FFFFFFF  }
tec
execute0_lowered:
.L_overlay_start_1:
0x0: {  	(tag) =	ssettag $0x1  }
0x1: {  	s0 =	srdreg.scid  }
0x2: {  	s4 =	rddreg [dreg:$0x0];
	s1 =	stileid.u32;
	s3 =	sand.u32 $0x1, s0  }
0x3: {  	s2 =	simm.s32 $0x0;
	s9 =	simm.s32 $0x0;
	s5 =	sshll.u32 s3, $0x4  }
0x4: {  	s0 =	rddreg [dreg:$0x1];
	s7 =	ssub.s32 $0x2, s3;
	s5 =	sor.u32 s1, s5  }
0x5: {  	[smem:$0x7FF] =	sst s2;
	s8 =	sshrl.u32 s7, $0x1;
	s6 =	smul.u32 $0x500, s5  }
0x6: {  	_ =	strace $0x80000047;
	s3 =	sadd.s32 $0x2A00, s4;
	s7 =	ssub.s32 s7, s8  }
0x7: {  	s8 =	simm.s32 $0x800;
	s6 =	sadd.s32 s6, s4;
	s4 =	smul.u32 $0x2800, s5  }
0x8: {  	v0 =	vimm.f32 $0.0e+00;
	v1 =	vimm.f32 $1.000000000e+00;
	s5 =	sadd.s32 $0xCA00, s6;
	s6 =	smax.u32 s7, $0x1;
	s7 =	simm.s32 $0x1  }
.LBB2_1:
0x9: {  	s10 =	simm.s32 $0x840  }
0xa: {  	[tilespmem:s10+$0xFFFFFFC0] =	vst v0  }
0xb: {  	[tilespmem:s10+$0x30] =	vst v0  }
0xc: {  	[tilespmem:s10+$0x20] =	vst v0  }
0xd: {  	[tilespmem:s10+$0x10] =	vst v0  }
0xe: {  	[tilespmem:s10+$0x0] =	vst v0  }
0xf: {  	[tilespmem:s10+$0xFFFFFFF0] =	vst v0  }
0x10: {  	s11 =	simm.s32 $0x0;
	[tilespmem:s10+$0xFFFFFFE0] =	vst v0  }
.LBB2_2:
0x11: {  	s11 =	sadd.s32 $0x8, s11;
	[tilespmem:s10+$0xFFFFFFD0] =	vst v0;
	s10 =	sadd.s32 $0x80, s10  }
0x12: {  	[tilespmem:s10+$0xFFFFFFC0] =	vst v0;
	p0 =	slt.u32 s11, $0x278  }
0x13: {  	[tilespmem:s10+$0x30] =	vst v0  }
.Ltmp0:
0x14: {  	[tilespmem:s10+$0x20] =	vst v0;
	(pc) =	sbr.rel @p0 .LBB2_2-.Ltmp0, $4  }
0x15: {  	[tilespmem:s10+$0x10] =	vst v0  }
0x16: {  	[tilespmem:s10+$0x0] =	vst v0  }
0x17: {  	[tilespmem:s10+$0xFFFFFFF0] =	vst v0  }
0x18: {  	[tilespmem:s10+$0xFFFFFFE0] =	vst v0  }
0x19: {  	[tilespmem:s10+$0xFFFFFFD0] =	vst v0;
	s10 =	simm.s32 $0x0;
	s11 =	simm.s32 $0x0  }
.LBB2_4:
0x1a: {  	s12 =	sshll.u32 s11, $0xB  }
0x1b: {  	s12 =	sadd.s32 s4, s12  }
0x1c: {  	s12 =	sshrl.u32 s12, $0x3  }
0x1d: {  	s12 =	sadd.s32 s3, s12  }
0x1e: {  	[tilespmem:s10], [sflag:$0x1] =	stream.linear.gather [hbm4b:s12+s10], $0x800, $0x38;
	[tilespmem:$0x3000] =	vst v63  }
0x1f: {  	_ =	swait.ge [sflag:s7], $0x800  }
0x20: {  	[sflag:s7] =	ssyncset.done $0x0  }
0x21: {  	s12 =	simm.s32 $0x0;
	[sflag:s7] =	ssyncadd.s32 $0xFFFFF800  }
.LBB2_5:
0x22: {  	s13 =	sshra.s32 s12, $0x2  }
0x23: {  	v2 =	vld [tilespmem:s13+$0x0];
	_ =	sdelay $0x7  }
0x24: {  	[tilespmem:v2+s8+$0x0] =	vst.idx.add.f32.msk $0xffff, v1  }
0x25: {  	v2 =	vld [tilespmem:s13+$0x10];
	_ =	sdelay $0x7  }
0x26: {  	[tilespmem:v2+s8+$0x0] =	vst.idx.add.f32.msk $0xffff, v1  }
0x27: {  	v2 =	vld [tilespmem:s13+$0x20];
	_ =	sdelay $0x7  }
0x28: {  	[tilespmem:v2+s8+$0x0] =	vst.idx.add.f32.msk $0xffff, v1  }
0x29: {  	v2 =	vld [tilespmem:s13+$0x30];
	_ =	sdelay $0x7  }
0x2a: {  	[tilespmem:v2+s8+$0x0] =	vst.idx.add.f32.msk $0xffff, v1  }
0x2b: {  	v2 =	vld [tilespmem:s13+$0x40];
	_ =	sdelay $0x7  }
0x2c: {  	[tilespmem:v2+s8+$0x0] =	vst.idx.add.f32.msk $0xffff, v1  }
0x2d: {  	v2 =	vld [tilespmem:s13+$0x50];
	_ =	sdelay $0x7  }
0x2e: {  	[tilespmem:v2+s8+$0x0] =	vst.idx.add.f32.msk $0xffff, v1  }
0x2f: {  	v2 =	vld [tilespmem:s13+$0x60];
	_ =	sdelay $0x7  }
0x30: {  	[tilespmem:v2+s8+$0x0] =	vst.idx.add.f32.msk $0xffff, v1  }
0x31: {  	v2 =	vld [tilespmem:s13+$0x70];
	_ =	sdelay $0x2  }
0x32: {  	p0 =	sne.s32 s12, $0x1E00  }
.Ltmp1:
0x33: {  	_ = 	snop;
	(pc) =	sbr.rel @p0 .LBB2_5-.Ltmp1, $2  }
0x34: {  	_ =	sdelay $0x2  }
0x35: {  	s12 =	sadd.s32 $0x200, s12;
	[tilespmem:v2+s8+$0x0] =	vst.idx.add.f32.msk $0xffff, v1  }
0x36: {  	s11 =	sadd.s32 $0x1, s11  }
0x37: {  	p0 =	sne.s32 s11, $0x5  }
.Ltmp2:
0x38: {  	_ = 	snop;
	(pc) =	sbr.rel @p0 .LBB2_4-.Ltmp2, $1  }
0x39: {  	_ =	sdelay $0x3  }
0x3a: {  	s9 =	sadd.s32 $0x1, s9  }
0x3b: {  	p0 =	sne.s32 s9, s6  }
.Ltmp3:
0x3c: {  	_ = 	snop;
	(pc) =	sbr.rel @p0 .LBB2_1-.Ltmp3, $4  }
0x3d: {  	[hbm4b:s5+s2] =	stream.linear.scatter [tilespmem:s8], [sflag:$0x1], $0x2800, $0x38;
	[tilespmem:$0x3000] =	vst v63  }
0x3e: {  	_ =	swait.ge [sflag:s7], $0x2800  }
0x3f: {  	[sflag:s7] =	ssyncset.done $0x0  }
0x40: {  	[sflag:s7] =	ssyncadd.s32 $0xFFFFD800  }
0x41: {  	_ =	sfence.sel $0x180000  }
0x42: {  	[bflag:$0x0] =	sbarrier.arrive $0xFFFF  }
0x43: {  	p0 =	sne.s32 s1, $0x0;
	_ =	strace $0x90000047  }
0x44: {  	s0 =	sadd.s32 @!p0 $0x100000, s0;
	[bflag:$0x2] =	sbarrier.arrive $0xFFFF  }
0x45: {  	[sflag:s0] =	ssyncadd.tile.s32 @!p0 $0x1;
	_ =	shalt  }
.Lfunc_end2:
_tile_overlayer_lowered:
.L_overlay_start_2:
0x46: {  	(tag) =	ssettag $0x2  }
0x47: {  	s0 =	rddreg [dreg:$0x0];
	s2 =	stileid.u32  }
0x48: {  	s1 =	rddreg [dreg:$0x1];
	p0 =	sne.s32 s2, $0x0  }
0x49: {  	s3 =	rddreg [dreg:$0x2];
	[bflag:$0x3] =	sbarrier.arrive $0xFFFF;
	s2 =	simm.s32 @!p0 $0x1C01  }
0x4a: {  	[timem:s3], [sflag:s2] =	dma.local @!p0 [hbm:s0], s1  }
0x4b: {  	s0 =	simm.s32 @!p0 $0x1  }
0x4c: {  	_ =	swait.ge @!p0 [sflag:s0], s1  }
0x4d: {  	s1 =	ssub.s32 @!p0 $0x0, s1;
	[sflag:s0] =	ssyncset.done @!p0 $0x0  }
0x4e: {  	[sflag:s0] =	ssyncadd.s32 @!p0 s1  }
0x4f: {  	[bflag:$0x3] =	sbarrier.arrive $0xFFFF  }
0x50: {  	_ =	shalt  }

</sc_bundles>
